<compile_context>
chip_gen: v7x
topology: tpu7x:2x2x1
jax: 0.10.2.dev20260603
libtpu: 0.0.44.dev20260713+nightly
codegen_flags: <defaults>
</compile_context>

<pallas_src>
import functools

import jax
import jax.numpy as jnp
from jax import lax
from jax.experimental import pallas as pl
from jax.experimental.pallas import tpu as pltpu
from jax.experimental.pallas import tpu_sc as plsc

_K = 256
_B = 128
_T = 32768
_CHUNK = 16
_NCHUNK = _T // _CHUNK
_ROWS = 8
_NW = 32
_VEC = 16
_IDXBUF = _NCHUNK + 32


def _find_kth_key(x, k):
    ib = lax.bitcast_convert_type(x, jnp.int32)
    skey = jnp.where(ib >= 0, ib, ib ^ jnp.int32(0x7FFFFFFF))
    t = jnp.full((x.shape[0], 1), jnp.int32(-(2**31)), jnp.int32)
    for b in range(31, -1, -1):
        bit = jnp.int32(-(2**31)) if b == 31 else jnp.int32(1 << b)
        cand = t + bit
        cnt = jnp.sum((skey >= cand).astype(jnp.int32), axis=1, keepdims=True)
        t = jnp.where(cnt >= k, cand, t)
    fb = jnp.where(t >= 0, t, t ^ jnp.int32(0x7FFFFFFF))
    return lax.bitcast_convert_type(fb, jnp.float32)


def _stage_a1_body(x_ref, m_ref):
    x = x_ref[...]
    r, t = x.shape
    lane = jax.lax.broadcasted_iota(jnp.int32, (r, t), 1) % _CHUNK
    m = x
    neg = jnp.float32(-jnp.inf)
    for s in (1, 2, 4, 8):
        shifted = jnp.concatenate(
            [m[:, s:], jnp.full((r, s), neg, m.dtype)], axis=1)
        m = jnp.where(lane < _CHUNK - s, jnp.maximum(m, shifted), m)
    m_ref[...] = m


def _stage_a2_body(m_ref, t_ref):
    th = _find_kth_key(m_ref[...], _K)
    t_ref[...] = jnp.broadcast_to(th, (m_ref.shape[0], _VEC))


def _stage_c_fused_body(c_ref, x_ref, o_ref, th_ref):
    i = pl.program_id(0)

    @pl.when(i == 0)
    def _():
        th = _find_kth_key(c_ref[...], _K)
        th_ref[...] = jnp.broadcast_to(th, (_B, _VEC))

    r0 = jnp.maximum(i - 1, 0) * _ROWS
    th8 = th_ref[pl.ds(r0, _ROWS), :1]
    o_ref[...] = (x_ref[...] >= th8).astype(jnp.float32)


def _sc_gather_candidates(scores1, m, tb):
    nrows = m.shape[0]
    rpw = nrows // _NW
    mesh = plsc.VectorSubcoreMesh(core_axis_name="c", subcore_axis_name="s")

    @functools.partial(
        pl.kernel,
        out_type=jax.ShapeDtypeStruct((nrows, _K * _CHUNK), jnp.float32),
        mesh=mesh,
        compiler_params=pltpu.CompilerParams(needs_layout_passes=False),
        scratch_types=[
            pltpu.VMEM((_NCHUNK,), jnp.float32),
            pltpu.VMEM((_VEC,), jnp.float32),
            pltpu.VMEM((_IDXBUF,), jnp.int32),
            pltpu.VMEM((_K * _CHUNK,), jnp.float32),
            pltpu.SemaphoreType.DMA,
        ],
    )
    def sc_kernel(scores_hbm, m_hbm, t_hbm, out_hbm,
                  m_v, t_v, idxbuf, gath, sem):
        wid = lax.axis_index("s") * 2 + lax.axis_index("c")
        lanes = lax.iota(jnp.int32, _VEC)
        for j in range(rpw):
            r = wid * rpw + j
            pltpu.sync_copy(m_hbm.at[r], m_v)
            pltpu.sync_copy(t_hbm.at[r], t_v)
            tv = t_v[...]
            base = r * _NCHUNK

            def pass_gt(i, off):
                v = m_v[pl.ds(i * _VEC, _VEC)]
                msk = v > tv
                idx = (lanes + (i * _VEC + base)) * _CHUNK
                plsc.store_compressed(idxbuf.at[pl.ds(off, _VEC)], idx, mask=msk)
                return off + jnp.sum(msk.astype(jnp.int32))

            off = lax.fori_loop(0, _NCHUNK // _VEC, pass_gt, jnp.int32(0))

            def eq_cond(c):
                i, o = c
                return (i < _NCHUNK // _VEC) & (o < _K)

            def eq_body(c):
                i, o = c
                v = m_v[pl.ds(i * _VEC, _VEC)]
                msk = v == tv
                idx = (lanes + (i * _VEC + base)) * _CHUNK
                plsc.store_compressed(idxbuf.at[pl.ds(o, _VEC)], idx, mask=msk)
                return (i + 1, o + jnp.sum(msk.astype(jnp.int32)))

            lax.while_loop(eq_cond, eq_body, (jnp.int32(0), off))

            def fetch(g, carry):
                offs = idxbuf[pl.ds(g * _VEC, _VEC)]
                for u in range(_VEC):
                    pltpu.async_copy(
                        scores_hbm.at[pl.ds(pl.multiple_of(offs[u], _CHUNK), _CHUNK)],
                        gath.at[pl.ds((g * _VEC + u) * _CHUNK, _CHUNK)],
                        sem,
                    )
                return carry

            lax.fori_loop(0, _K // _VEC, fetch, jnp.int32(0))
            pltpu.make_async_copy(
                scores_hbm.at[pl.ds(0, _K * _CHUNK)], gath, sem).wait()
            pltpu.sync_copy(gath, out_hbm.at[r])

    return sc_kernel(scores1, m, tb)


def _collect_candidates(scores_h):
    r = scores_h.shape[0]
    m_exp = pl.pallas_call(
        _stage_a1_body,
        grid=(r // _ROWS,),
        in_specs=[pl.BlockSpec((_ROWS, _T), lambda i: (i, 0))],
        out_specs=pl.BlockSpec((_ROWS, _T), lambda i: (i, 0)),
        out_shape=jax.ShapeDtypeStruct((r, _T), jnp.float32),
        compiler_params=pltpu.CompilerParams(
            dimension_semantics=("parallel",)),
    )(scores_h)
    m = m_exp[:, :: _CHUNK]
    tb = pl.pallas_call(
        _stage_a2_body,
        grid=(1,),
        in_specs=[pl.BlockSpec((r, _NCHUNK), lambda i: (0, 0))],
        out_specs=pl.BlockSpec((r, _VEC), lambda i: (0, 0)),
        out_shape=jax.ShapeDtypeStruct((r, _VEC), jnp.float32),
    )(m)
    cand = _sc_gather_candidates(scores_h.reshape(r * _T), m, tb)
    return cand


def kernel(scores, k):
    del k
    cand = _collect_candidates(scores)
    nblk = _B // _ROWS
    out = pl.pallas_call(
        _stage_c_fused_body,
        grid=(nblk + 1,),
        in_specs=[
            pl.BlockSpec((_B, _K * _CHUNK), lambda i: (0, 0)),
            pl.BlockSpec((_ROWS, _T), lambda i: (jnp.maximum(i - 1, 0), 0)),
        ],
        out_specs=pl.BlockSpec((_ROWS, _T), lambda i: (jnp.maximum(i - 1, 0), 0)),
        out_shape=jax.ShapeDtypeStruct((_B, _T), scores.dtype),
        scratch_shapes=[pltpu.VMEM((_B, _VEC), jnp.float32)],
    )(cand, scores)
    return out

# --- scband reference (transcript-rebuilt; emitter-appended) ---
"""Pipeline reference for scband-differentiable-top-k-38628935860887 (READ-ONLY COPY).

The authoritative reference and input builder live on the scoring server;
editing this copy changes nothing except your own understanding.
"""

import jax, jax.numpy as jnp
import numpy as np


def setup_inputs(seed: int = 0) -> dict:
    key = jax.random.key(seed)
    scores = jax.random.normal(key, (128, 32768), dtype=jnp.float32)
    return {"scores": scores, "k": 256}


def reference(scores, k):
    temperature = 0.5
    B, T = scores.shape
    K = 256
    if K >= T:
        return jnp.ones((B, T), dtype=scores.dtype)
    # Gumbel noise: g = -log(Exponential(1)) sample
    e = jax.random.exponential(jax.random.key(1), scores.shape, dtype=scores.dtype)
    g = -jnp.log(e)
    logits = (scores + g) / max(temperature, 1e-05)
    probs = jax.nn.softmax(logits, axis=1)
    scale = k / (jnp.sum(probs, axis=1, keepdims=True) + 1e-09)
    soft = jnp.minimum(probs * scale, 1.0)
    # straight-through hard mask (no gradient path)
    topv, _ = jax.lax.top_k(scores, K)
    thresh = topv[:, -1][:, None]
    hard = (scores >= thresh).astype(scores.dtype)
    return soft + jax.lax.stop_gradient(hard - soft)

if __name__ == "__main__":
    import jax
    _d = setup_inputs()
    print(jax.jit(kernel)(*tuple(_d.values())))

</pallas_src>

<mosaic_0001>
#map = affine_map<(d0, d1) -> (0)>
#map1 = affine_map<(d0, d1) -> (0, 0)>
module attributes {stable_mosaic.version = 14 : i64} {
  func.func @sc_kernel(%arg0: i32, %arg1: i32, %arg2: memref<4194304xf32, #tpu.memory_space<hbm>>, %arg3: memref<128x2048xf32, #tpu.memory_space<hbm>>, %arg4: memref<128x16xf32, #tpu.memory_space<hbm>>, %arg5: memref<128x4096xf32, #tpu.memory_space<hbm>>, %arg6: memref<2048xf32, #tpu.memory_space<vmem>>, %arg7: memref<16xf32, #tpu.memory_space<vmem>>, %arg8: memref<2080xi32, #tpu.memory_space<vmem>>, %arg9: memref<4096xf32, #tpu.memory_space<vmem>>, %arg10: memref<!tpu.dma_semaphore, #tpu.memory_space<semaphore_mem>>) attributes {dimension_semantics = [#tpu.dimension_semantics<core_parallel>, #tpu.dimension_semantics<subcore_parallel>], iteration_bounds = array<i64: 2, 16>, scalar_prefetch = 0 : i64, scratch_operands = 5 : i64, tpu.core_type = #tpu.core_type<sc_vector_subcore>, window_params = [{transform_indices = #map}, {transform_indices = #map1}, {transform_indices = #map1}, {transform_indices = #map1}]} {
    %mul3A = arith.constant 2 : i32
    %mul3A_0 = arith.muli %arg1, %mul3A : i32
    %add3A = arith.addi %mul3A_0, %arg0 : i32
    %iota3A = tpu.iota {dimensions = array<i32: 0>} : vector<16xi32>
    %mul3A_1 = arith.constant 4 : i32
    %mul3A_2 = arith.muli %add3A, %mul3A_1 : i32
    %add3A_3 = arith.constant 0 : i32
    %add3A_4 = arith.addi %mul3A_2, %add3A_3 : i32
    "tpu.region"() ({
      %run_scoped3A = tpu.sem_alloc : memref<!tpu.dma_semaphore, #tpu.memory_space<semaphore_mem>>
      %dma_start3A = arith.constant 0 : i32
      %dma_start3A_105 = tpu.memref_slice %arg3[%add3A_4, %dma_start3A] : memref<128x2048xf32, #tpu.memory_space<hbm>> -> memref<1x2048xf32, #tpu.memory_space<hbm>>
      %dma_start3A_106 = tpu.memref_squeeze %dma_start3A_105 : memref<1x2048xf32, #tpu.memory_space<hbm>> -> memref<2048xf32, #tpu.memory_space<hbm>>
      %dma_start3A_107 = arith.constant 0 : i32
      %dma_start3A_108 = tpu.memref_slice %arg3[%add3A_4, %dma_start3A_107] : memref<128x2048xf32, #tpu.memory_space<hbm>> -> memref<1x2048xf32, #tpu.memory_space<hbm>>
      %dma_start3A_109 = tpu.memref_squeeze %dma_start3A_108 : memref<1x2048xf32, #tpu.memory_space<hbm>> -> memref<2048xf32, #tpu.memory_space<hbm>>
      tpu.enqueue_dma source(%dma_start3A_109 : memref<2048xf32, #tpu.memory_space<hbm>>) target(%arg6 : memref<2048xf32, #tpu.memory_space<vmem>>) target_semaphore(%run_scoped3A : memref<!tpu.dma_semaphore, #tpu.memory_space<semaphore_mem>>)
      %dma_wait3A_110 = arith.constant 0 : i32
      %dma_wait3A_111 = tpu.memref_slice %arg3[%add3A_4, %dma_wait3A_110] : memref<128x2048xf32, #tpu.memory_space<hbm>> -> memref<1x2048xf32, #tpu.memory_space<hbm>>
      %dma_wait3A_112 = tpu.memref_squeeze %dma_wait3A_111 : memref<1x2048xf32, #tpu.memory_space<hbm>> -> memref<2048xf32, #tpu.memory_space<hbm>>
      %dma_wait3A_113 = arith.constant 0 : i32
      %dma_wait3A_114 = tpu.memref_slice %arg3[%add3A_4, %dma_wait3A_113] : memref<128x2048xf32, #tpu.memory_space<hbm>> -> memref<1x2048xf32, #tpu.memory_space<hbm>>
      %dma_wait3A_115 = tpu.memref_squeeze %dma_wait3A_114 : memref<1x2048xf32, #tpu.memory_space<hbm>> -> memref<2048xf32, #tpu.memory_space<hbm>>
      tpu.wait_dma2 semaphore(%run_scoped3A : memref<!tpu.dma_semaphore, #tpu.memory_space<semaphore_mem>>) src(%dma_wait3A_115 : memref<2048xf32, #tpu.memory_space<hbm>>) dst(%arg6 : memref<2048xf32, #tpu.memory_space<vmem>>)
      tpu.yield
    }) : () -> ()
    "tpu.region"() ({
      %run_scoped3A = tpu.sem_alloc : memref<!tpu.dma_semaphore, #tpu.memory_space<semaphore_mem>>
      %dma_start3A = arith.constant 0 : i32
      %dma_start3A_105 = tpu.memref_slice %arg4[%add3A_4, %dma_start3A] : memref<128x16xf32, #tpu.memory_space<hbm>> -> memref<1x16xf32, #tpu.memory_space<hbm>>
      %dma_start3A_106 = tpu.memref_squeeze %dma_start3A_105 : memref<1x16xf32, #tpu.memory_space<hbm>> -> memref<16xf32, #tpu.memory_space<hbm>>
      %dma_start3A_107 = arith.constant 0 : i32
      %dma_start3A_108 = tpu.memref_slice %arg4[%add3A_4, %dma_start3A_107] : memref<128x16xf32, #tpu.memory_space<hbm>> -> memref<1x16xf32, #tpu.memory_space<hbm>>
      %dma_start3A_109 = tpu.memref_squeeze %dma_start3A_108 : memref<1x16xf32, #tpu.memory_space<hbm>> -> memref<16xf32, #tpu.memory_space<hbm>>
      tpu.enqueue_dma source(%dma_start3A_109 : memref<16xf32, #tpu.memory_space<hbm>>) target(%arg7 : memref<16xf32, #tpu.memory_space<vmem>>) target_semaphore(%run_scoped3A : memref<!tpu.dma_semaphore, #tpu.memory_space<semaphore_mem>>)
      %dma_wait3A_110 = arith.constant 0 : i32
      %dma_wait3A_111 = tpu.memref_slice %arg4[%add3A_4, %dma_wait3A_110] : memref<128x16xf32, #tpu.memory_space<hbm>> -> memref<1x16xf32, #tpu.memory_space<hbm>>
      %dma_wait3A_112 = tpu.memref_squeeze %dma_wait3A_111 : memref<1x16xf32, #tpu.memory_space<hbm>> -> memref<16xf32, #tpu.memory_space<hbm>>
      %dma_wait3A_113 = arith.constant 0 : i32
      %dma_wait3A_114 = tpu.memref_slice %arg4[%add3A_4, %dma_wait3A_113] : memref<128x16xf32, #tpu.memory_space<hbm>> -> memref<1x16xf32, #tpu.memory_space<hbm>>
      %dma_wait3A_115 = tpu.memref_squeeze %dma_wait3A_114 : memref<1x16xf32, #tpu.memory_space<hbm>> -> memref<16xf32, #tpu.memory_space<hbm>>
      tpu.wait_dma2 semaphore(%run_scoped3A : memref<!tpu.dma_semaphore, #tpu.memory_space<semaphore_mem>>) src(%dma_wait3A_115 : memref<16xf32, #tpu.memory_space<hbm>>) dst(%arg7 : memref<16xf32, #tpu.memory_space<vmem>>)
      tpu.yield
    }) : () -> ()
    %get3A = arith.constant 0 : index
    %get3A_5 = tpu.vector_load %arg7[%get3A] {strides = array<i32>} : memref<16xf32, #tpu.memory_space<vmem>>, vector<16xf32>,
    %mul3A_6 = arith.constant 2048 : i32
    %mul3A_7 = arith.muli %add3A_4, %mul3A_6 : i32
    %scan3A = arith.constant 0 : i32
    %scan3A_8 = arith.constant 0 : i32
    %scan3A_9 = arith.constant 128 : i32
    %scan3A_10 = arith.addi %scan3A_8, %scan3A_9 : i32
    %scan3A_11 = arith.constant 1 : i32
    %scan3A_12 = scf.for %scan3A_105 = %scan3A_8 to %scan3A_10 step %scan3A_11 iter_args(%scan3A_106 = %scan3A) -> (i32)  : i32 {
      %mul3A_107 = arith.constant 16 : i32
      %mul3A_108 = arith.muli %scan3A_105, %mul3A_107 : i32
      %get3A_109 = arith.index_cast %mul3A_108 : i32 to index
      %get3A_110 = tpu.vector_load %arg6[%get3A_109] {strides = array<i32>} : memref<2048xf32, #tpu.memory_space<vmem>>, vector<16xf32>,
      %gt3A = arith.cmpf ogt, %get3A_110, %get3A_5 : vector<16xf32>
      %mul3A_111 = arith.constant 16 : i32
      %mul3A_112 = arith.muli %scan3A_105, %mul3A_111 : i32
      %add3A_113 = arith.addi %mul3A_112, %mul3A_7 : i32
      %add3A_114 = vector.broadcast %add3A_113 : i32 to vector<16xi32>
      %add3A_115 = arith.addi %iota3A, %add3A_114 : vector<16xi32>
      %mul3A_116 = arith.constant 16 : i32
      %mul3A_117 = vector.broadcast %mul3A_116 : i32 to vector<16xi32>
      %mul3A_118 = arith.muli %add3A_115, %mul3A_117 : vector<16xi32>
      %swap3A = arith.index_cast %scan3A_106 : i32 to index
      %swap3A_119 = tpu.vector_load %arg8[%swap3A] masked %gt3A {strides = array<i32>} : memref<2080xi32, #tpu.memory_space<vmem>>, vector<16xi32>, vector<16xi1>
      tpu.vector_store %arg8[%swap3A], %mul3A_118 masked %gt3A {strides = array<i32>} : memref<2080xi32, #tpu.memory_space<vmem>>, vector<16xi32>, vector<16xi1>
      %convert_element_type3A = arith.extui %gt3A : vector<16xi1> to vector<16xi32>
      %reduce_sum3A = arith.constant true
      %reduce_sum3A_120 = vector.broadcast %reduce_sum3A : i1 to vector<16xi1>
      %reduce_sum3A_121 = tpu.scan <sum>, %convert_element_type3A masked %reduce_sum3A_120 : vector<16xi32>, vector<16xi1> -> vector<16xi32>
      %reduce_sum3A_122 = vector.extract %reduce_sum3A_121[15] : i32 from vector<16xi32>
      %add3A_123 = arith.addi %scan3A_106, %reduce_sum3A_122 : i32
      scf.yield %add3A_123 : i32
    }
    %scan3A_13 = arith.constant 128 : i32
    %while3A = arith.constant 0 : i32
    %while3A_14:2 = scf.while (%while3A_105 = %while3A, %while3A_106 = %scan3A_12) : (i32, i32) -> (i32, i32) {
      %lt3A = arith.constant 128 : i32
      %lt3A_107 = arith.cmpi slt, %while3A_105, %lt3A : i32
      %lt3A_108 = arith.constant 256 : i32
      %lt3A_109 = arith.cmpi slt, %while3A_106, %lt3A_108 : i32
      %and3A = arith.andi %lt3A_107, %lt3A_109 : i1
      scf.condition(%and3A) %while3A_105, %while3A_106 : i32, i32
    } do {
    ^bb0(%while3A_105: i32, %while3A_106: i32):
      %mul3A_107 = arith.constant 16 : i32
      %mul3A_108 = arith.muli %while3A_105, %mul3A_107 : i32
      %get3A_109 = arith.index_cast %mul3A_108 : i32 to index
      %get3A_110 = tpu.vector_load %arg6[%get3A_109] {strides = array<i32>} : memref<2048xf32, #tpu.memory_space<vmem>>, vector<16xf32>,
      %eq3A = arith.cmpf oeq, %get3A_110, %get3A_5 : vector<16xf32>
      %mul3A_111 = arith.constant 16 : i32
      %mul3A_112 = arith.muli %while3A_105, %mul3A_111 : i32
      %add3A_113 = arith.addi %mul3A_112, %mul3A_7 : i32
      %add3A_114 = vector.broadcast %add3A_113 : i32 to vector<16xi32>
      %add3A_115 = arith.addi %iota3A, %add3A_114 : vector<16xi32>
      %mul3A_116 = arith.constant 16 : i32
      %mul3A_117 = vector.broadcast %mul3A_116 : i32 to vector<16xi32>
      %mul3A_118 = arith.muli %add3A_115, %mul3A_117 : vector<16xi32>
      %swap3A = arith.index_cast %while3A_106 : i32 to index
      %swap3A_119 = tpu.vector_load %arg8[%swap3A] masked %eq3A {strides = array<i32>} : memref<2080xi32, #tpu.memory_space<vmem>>, vector<16xi32>, vector<16xi1>
      tpu.vector_store %arg8[%swap3A], %mul3A_118 masked %eq3A {strides = array<i32>} : memref<2080xi32, #tpu.memory_space<vmem>>, vector<16xi32>, vector<16xi1>
      %add3A_120 = arith.constant 1 : i32
      %add3A_121 = arith.addi %while3A_105, %add3A_120 : i32
      %convert_element_type3A = arith.extui %eq3A : vector<16xi1> to vector<16xi32>
      %reduce_sum3A = arith.constant true
      %reduce_sum3A_122 = vector.broadcast %reduce_sum3A : i1 to vector<16xi1>
      %reduce_sum3A_123 = tpu.scan <sum>, %convert_element_type3A masked %reduce_sum3A_122 : vector<16xi32>, vector<16xi1> -> vector<16xi32>
      %reduce_sum3A_124 = vector.extract %reduce_sum3A_123[15] : i32 from vector<16xi32>
      %add3A_125 = arith.addi %while3A_106, %reduce_sum3A_124 : i32
      scf.yield %add3A_121, %add3A_125 : i32, i32
    }
    %scan3A_15 = arith.constant 0 : i32
    %scan3A_16 = arith.constant 0 : i32
    %scan3A_17 = arith.constant 16 : i32
    %scan3A_18 = arith.addi %scan3A_16, %scan3A_17 : i32
    %scan3A_19 = arith.constant 1 : i32
    scf.for %scan3A_105 = %scan3A_16 to %scan3A_18 step %scan3A_19  : i32 {
      %mul3A_106 = arith.constant 16 : i32
      %mul3A_107 = arith.muli %scan3A_105, %mul3A_106 : i32
      %get3A_108 = arith.index_cast %mul3A_107 : i32 to index
      %get3A_109 = tpu.vector_load %arg8[%get3A_108] {strides = array<i32>} : memref<2080xi32, #tpu.memory_space<vmem>>, vector<16xi32>,
      %slice3A = vector.extract_strided_slice %get3A_109 {offsets = [0], sizes = [1], strides = [1]} : vector<16xi32> to vector<1xi32>
      %squeeze3A = vector.extract %slice3A[0] : i32 from vector<1xi32>
      %multiple_of3A = tpu.assume_multiple %squeeze3A, 16 : i32
      %mul3A_110 = arith.constant 16 : i32
      %mul3A_111 = arith.muli %scan3A_105, %mul3A_110 : i32
      %add3A_112 = arith.constant 0 : i32
      %add3A_113 = arith.addi %mul3A_111, %add3A_112 : i32
      %mul3A_114 = arith.constant 16 : i32
      %mul3A_115 = arith.muli %add3A_113, %mul3A_114 : i32
      %dma_start3A = tpu.memref_slice %arg9[%mul3A_115] : memref<4096xf32, #tpu.memory_space<vmem>> -> memref<16xf32, #tpu.memory_space<vmem>>
      %dma_start3A_116 = tpu.memref_slice %arg2[%multiple_of3A] : memref<4194304xf32, #tpu.memory_space<hbm>> -> memref<16xf32, #tpu.memory_space<hbm>>
      %dma_start3A_117 = tpu.memref_slice %arg9[%mul3A_115] : memref<4096xf32, #tpu.memory_space<vmem>> -> memref<16xf32, #tpu.memory_space<vmem>>
      %dma_start3A_118 = tpu.memref_slice %arg2[%multiple_of3A] : memref<4194304xf32, #tpu.memory_space<hbm>> -> memref<16xf32, #tpu.memory_space<hbm>>
      tpu.enqueue_dma source(%dma_start3A_118 : memref<16xf32, #tpu.memory_space<hbm>>) target(%dma_start3A_117 : memref<16xf32, #tpu.memory_space<vmem>>) target_semaphore(%arg10 : memref<!tpu.dma_semaphore, #tpu.memory_space<semaphore_mem>>)
      %slice3A_119 = vector.extract_strided_slice %get3A_109 {offsets = [1], sizes = [1], strides = [1]} : vector<16xi32> to vector<1xi32>
      %squeeze3A_120 = vector.extract %slice3A_119[0] : i32 from vector<1xi32>
      %multiple_of3A_121 = tpu.assume_multiple %squeeze3A_120, 16 : i32
      %mul3A_122 = arith.constant 16 : i32
      %mul3A_123 = arith.muli %scan3A_105, %mul3A_122 : i32
      %add3A_124 = arith.constant 1 : i32
      %add3A_125 = arith.addi %mul3A_123, %add3A_124 : i32
      %mul3A_126 = arith.constant 16 : i32
      %mul3A_127 = arith.muli %add3A_125, %mul3A_126 : i32
      %dma_start3A_128 = tpu.memref_slice %arg9[%mul3A_127] : memref<4096xf32, #tpu.memory_space<vmem>> -> memref<16xf32, #tpu.memory_space<vmem>>
      %dma_start3A_129 = tpu.memref_slice %arg2[%multiple_of3A_121] : memref<4194304xf32, #tpu.memory_space<hbm>> -> memref<16xf32, #tpu.memory_space<hbm>>
      %dma_start3A_130 = tpu.memref_slice %arg9[%mul3A_127] : memref<4096xf32, #tpu.memory_space<vmem>> -> memref<16xf32, #tpu.memory_space<vmem>>
      %dma_start3A_131 = tpu.memref_slice %arg2[%multiple_of3A_121] : memref<4194304xf32, #tpu.memory_space<hbm>> -> memref<16xf32, #tpu.memory_space<hbm>>
      tpu.enqueue_dma source(%dma_start3A_131 : memref<16xf32, #tpu.memory_space<hbm>>) target(%dma_start3A_130 : memref<16xf32, #tpu.memory_space<vmem>>) target_semaphore(%arg10 : memref<!tpu.dma_semaphore, #tpu.memory_space<semaphore_mem>>)
      %slice3A_132 = vector.extract_strided_slice %get3A_109 {offsets = [2], sizes = [1], strides = [1]} : vector<16xi32> to vector<1xi32>
      %squeeze3A_133 = vector.extract %slice3A_132[0] : i32 from vector<1xi32>
      %multiple_of3A_134 = tpu.assume_multiple %squeeze3A_133, 16 : i32
      %mul3A_135 = arith.constant 16 : i32
      %mul3A_136 = arith.muli %scan3A_105, %mul3A_135 : i32
      %add3A_137 = arith.constant 2 : i32
      %add3A_138 = arith.addi %mul3A_136, %add3A_137 : i32
      %mul3A_139 = arith.constant 16 : i32
      %mul3A_140 = arith.muli %add3A_138, %mul3A_139 : i32
      %dma_start3A_141 = tpu.memref_slice %arg9[%mul3A_140] : memref<4096xf32, #tpu.memory_space<vmem>> -> memref<16xf32, #tpu.memory_space<vmem>>
      %dma_start3A_142 = tpu.memref_slice %arg2[%multiple_of3A_134] : memref<4194304xf32, #tpu.memory_space<hbm>> -> memref<16xf32, #tpu.memory_space<hbm>>
      %dma_start3A_143 = tpu.memref_slice %arg9[%mul3A_140] : memref<4096xf32, #tpu.memory_space<vmem>> -> memref<16xf32, #tpu.memory_space<vmem>>
      %dma_start3A_144 = tpu.memref_slice %arg2[%multiple_of3A_134] : memref<4194304xf32, #tpu.memory_space<hbm>> -> memref<16xf32, #tpu.memory_space<hbm>>
      tpu.enqueue_dma source(%dma_start3A_144 : memref<16xf32, #tpu.memory_space<hbm>>) target(%dma_start3A_143 : memref<16xf32, #tpu.memory_space<vmem>>) target_semaphore(%arg10 : memref<!tpu.dma_semaphore, #tpu.memory_space<semaphore_mem>>)
      %slice3A_145 = vector.extract_strided_slice %get3A_109 {offsets = [3], sizes = [1], strides = [1]} : vector<16xi32> to vector<1xi32>
      %squeeze3A_146 = vector.extract %slice3A_145[0] : i32 from vector<1xi32>
      %multiple_of3A_147 = tpu.assume_multiple %squeeze3A_146, 16 : i32
      %mul3A_148 = arith.constant 16 : i32
      %mul3A_149 = arith.muli %scan3A_105, %mul3A_148 : i32
      %add3A_150 = arith.constant 3 : i32
      %add3A_151 = arith.addi %mul3A_149, %add3A_150 : i32
      %mul3A_152 = arith.constant 16 : i32
      %mul3A_153 = arith.muli %add3A_151, %mul3A_152 : i32
      %dma_start3A_154 = tpu.memref_slice %arg9[%mul3A_153] : memref<4096xf32, #tpu.memory_space<vmem>> -> memref<16xf32, #tpu.memory_space<vmem>>
      %dma_start3A_155 = tpu.memref_slice %arg2[%multiple_of3A_147] : memref<4194304xf32, #tpu.memory_space<hbm>> -> memref<16xf32, #tpu.memory_space<hbm>>
      %dma_start3A_156 = tpu.memref_slice %arg9[%mul3A_153] : memref<4096xf32, #tpu.memory_space<vmem>> -> memref<16xf32, #tpu.memory_space<vmem>>
      %dma_start3A_157 = tpu.memref_slice %arg2[%multiple_of3A_147] : memref<4194304xf32, #tpu.memory_space<hbm>> -> memref<16xf32, #tpu.memory_space<hbm>>
      tpu.enqueue_dma source(%dma_start3A_157 : memref<16xf32, #tpu.memory_space<hbm>>) target(%dma_start3A_156 : memref<16xf32, #tpu.memory_space<vmem>>) target_semaphore(%arg10 : memref<!tpu.dma_semaphore, #tpu.memory_space<semaphore_mem>>)
      %slice3A_158 = vector.extract_strided_slice %get3A_109 {offsets = [4], sizes = [1], strides = [1]} : vector<16xi32> to vector<1xi32>
      %squeeze3A_159 = vector.extract %slice3A_158[0] : i32 from vector<1xi32>
      %multiple_of3A_160 = tpu.assume_multiple %squeeze3A_159, 16 : i32
      %mul3A_161 = arith.constant 16 : i32
      %mul3A_162 = arith.muli %scan3A_105, %mul3A_161 : i32
      %add3A_163 = arith.constant 4 : i32
      %add3A_164 = arith.addi %mul3A_162, %add3A_163 : i32
      %mul3A_165 = arith.constant 16 : i32
      %mul3A_166 = arith.muli %add3A_164, %mul3A_165 : i32
      %dma_start3A_167 = tpu.memref_slice %arg9[%mul3A_166] : memref<4096xf32, #tpu.memory_space<vmem>> -> memref<16xf32, #tpu.memory_space<vmem>>
      %dma_start3A_168 = tpu.memref_slice %arg2[%multiple_of3A_160] : memref<4194304xf32, #tpu.memory_space<hbm>> -> memref<16xf32, #tpu.memory_space<hbm>>
      %dma_start3A_169 = tpu.memref_slice %arg9[%mul3A_166] : memref<4096xf32, #tpu.memory_space<vmem>> -> memref<16xf32, #tpu.memory_space<vmem>>
      %dma_start3A_170 = tpu.memref_slice %arg2[%multiple_of3A_160] : memref<4194304xf32, #tpu.memory_space<hbm>> -> memref<16xf32, #tpu.memory_space<hbm>>
      tpu.enqueue_dma source(%dma_start3A_170 : memref<16xf32, #tpu.memory_space<hbm>>) target(%dma_start3A_169 : memref<16xf32, #tpu.memory_space<vmem>>) target_semaphore(%arg10 : memref<!tpu.dma_semaphore, #tpu.memory_space<semaphore_mem>>)
      %slice3A_171 = vector.extract_strided_slice %get3A_109 {offsets = [5], sizes = [1], strides = [1]} : vector<16xi32> to vector<1xi32>
      %squeeze3A_172 = vector.extract %slice3A_171[0] : i32 from vector<1xi32>
      %multiple_of3A_173 = tpu.assume_multiple %squeeze3A_172, 16 : i32
      %mul3A_174 = arith.constant 16 : i32
      %mul3A_175 = arith.muli %scan3A_105, %mul3A_174 : i32
      %add3A_176 = arith.constant 5 : i32
      %add3A_177 = arith.addi %mul3A_175, %add3A_176 : i32
      %mul3A_178 = arith.constant 16 : i32
      %mul3A_179 = arith.muli %add3A_177, %mul3A_178 : i32
      %dma_start3A_180 = tpu.memref_slice %arg9[%mul3A_179] : memref<4096xf32, #tpu.memory_space<vmem>> -> memref<16xf32, #tpu.memory_space<vmem>>
      %dma_start3A_181 = tpu.memref_slice %arg2[%multiple_of3A_173] : memref<4194304xf32, #tpu.memory_space<hbm>> -> memref<16xf32, #tpu.memory_space<hbm>>
      %dma_start3A_182 = tpu.memref_slice %arg9[%mul3A_179] : memref<4096xf32, #tpu.memory_space<vmem>> -> memref<16xf32, #tpu.memory_space<vmem>>
      %dma_start3A_183 = tpu.memref_slice %arg2[%multiple_of3A_173] : memref<4194304xf32, #tpu.memory_space<hbm>> -> memref<16xf32, #tpu.memory_space<hbm>>
      tpu.enqueue_dma source(%dma_start3A_183 : memref<16xf32, #tpu.memory_space<hbm>>) target(%dma_start3A_182 : memref<16xf32, #tpu.memory_space<vmem>>) target_semaphore(%arg10 : memref<!tpu.dma_semaphore, #tpu.memory_space<semaphore_mem>>)
      %slice3A_184 = vector.extract_strided_slice %get3A_109 {offsets = [6], sizes = [1], strides = [1]} : vector<16xi32> to vector<1xi32>
      %squeeze3A_185 = vector.extract %slice3A_184[0] : i32 from vector<1xi32>
      %multiple_of3A_186 = tpu.assume_multiple %squeeze3A_185, 16 : i32
      %mul3A_187 = arith.constant 16 : i32
      %mul3A_188 = arith.muli %scan3A_105, %mul3A_187 : i32
      %add3A_189 = arith.constant 6 : i32
      %add3A_190 = arith.addi %mul3A_188, %add3A_189 : i32
      %mul3A_191 = arith.constant 16 : i32
      %mul3A_192 = arith.muli %add3A_190, %mul3A_191 : i32
      %dma_start3A_193 = tpu.memref_slice %arg9[%mul3A_192] : memref<4096xf32, #tpu.memory_space<vmem>> -> memref<16xf32, #tpu.memory_space<vmem>>
      %dma_start3A_194 = tpu.memref_slice %arg2[%multiple_of3A_186] : memref<4194304xf32, #tpu.memory_space<hbm>> -> memref<16xf32, #tpu.memory_space<hbm>>
      %dma_start3A_195 = tpu.memref_slice %arg9[%mul3A_192] : memref<4096xf32, #tpu.memory_space<vmem>> -> memref<16xf32, #tpu.memory_space<vmem>>
      %dma_start3A_196 = tpu.memref_slice %arg2[%multiple_of3A_186] : memref<4194304xf32, #tpu.memory_space<hbm>> -> memref<16xf32, #tpu.memory_space<hbm>>
      tpu.enqueue_dma source(%dma_start3A_196 : memref<16xf32, #tpu.memory_space<hbm>>) target(%dma_start3A_195 : memref<16xf32, #tpu.memory_space<vmem>>) target_semaphore(%arg10 : memref<!tpu.dma_semaphore, #tpu.memory_space<semaphore_mem>>)
      %slice3A_197 = vector.extract_strided_slice %get3A_109 {offsets = [7], sizes = [1], strides = [1]} : vector<16xi32> to vector<1xi32>
      %squeeze3A_198 = vector.extract %slice3A_197[0] : i32 from vector<1xi32>
      %multiple_of3A_199 = tpu.assume_multiple %squeeze3A_198, 16 : i32
      %mul3A_200 = arith.constant 16 : i32
      %mul3A_201 = arith.muli %scan3A_105, %mul3A_200 : i32
      %add3A_202 = arith.constant 7 : i32
      %add3A_203 = arith.addi %mul3A_201, %add3A_202 : i32
      %mul3A_204 = arith.constant 16 : i32
      %mul3A_205 = arith.muli %add3A_203, %mul3A_204 : i32
      %dma_start3A_206 = tpu.memref_slice %arg9[%mul3A_205] : memref<4096xf32, #tpu.memory_space<vmem>> -> memref<16xf32, #tpu.memory_space<vmem>>
      %dma_start3A_207 = tpu.memref_slice %arg2[%multiple_of3A_199] : memref<4194304xf32, #tpu.memory_space<hbm>> -> memref<16xf32, #tpu.memory_space<hbm>>
      %dma_start3A_208 = tpu.memref_slice %arg9[%mul3A_205] : memref<4096xf32, #tpu.memory_space<vmem>> -> memref<16xf32, #tpu.memory_space<vmem>>
      %dma_start3A_209 = tpu.memref_slice %arg2[%multiple_of3A_199] : memref<4194304xf32, #tpu.memory_space<hbm>> -> memref<16xf32, #tpu.memory_space<hbm>>
      tpu.enqueue_dma source(%dma_start3A_209 : memref<16xf32, #tpu.memory_space<hbm>>) target(%dma_start3A_208 : memref<16xf32, #tpu.memory_space<vmem>>) target_semaphore(%arg10 : memref<!tpu.dma_semaphore, #tpu.memory_space<semaphore_mem>>)
      %slice3A_210 = vector.extract_strided_slice %get3A_109 {offsets = [8], sizes = [1], strides = [1]} : vector<16xi32> to vector<1xi32>
      %squeeze3A_211 = vector.extract %slice3A_210[0] : i32 from vector<1xi32>
      %multiple_of3A_212 = tpu.assume_multiple %squeeze3A_211, 16 : i32
      %mul3A_213 = arith.constant 16 : i32
      %mul3A_214 = arith.muli %scan3A_105, %mul3A_213 : i32
      %add3A_215 = arith.constant 8 : i32
      %add3A_216 = arith.addi %mul3A_214, %add3A_215 : i32
      %mul3A_217 = arith.constant 16 : i32
      %mul3A_218 = arith.muli %add3A_216, %mul3A_217 : i32
      %dma_start3A_219 = tpu.memref_slice %arg9[%mul3A_218] : memref<4096xf32, #tpu.memory_space<vmem>> -> memref<16xf32, #tpu.memory_space<vmem>>
      %dma_start3A_220 = tpu.memref_slice %arg2[%multiple_of3A_212] : memref<4194304xf32, #tpu.memory_space<hbm>> -> memref<16xf32, #tpu.memory_space<hbm>>
      %dma_start3A_221 = tpu.memref_slice %arg9[%mul3A_218] : memref<4096xf32, #tpu.memory_space<vmem>> -> memref<16xf32, #tpu.memory_space<vmem>>
      %dma_start3A_222 = tpu.memref_slice %arg2[%multiple_of3A_212] : memref<4194304xf32, #tpu.memory_space<hbm>> -> memref<16xf32, #tpu.memory_space<hbm>>
      tpu.enqueue_dma source(%dma_start3A_222 : memref<16xf32, #tpu.memory_space<hbm>>) target(%dma_start3A_221 : memref<16xf32, #tpu.memory_space<vmem>>) target_semaphore(%arg10 : memref<!tpu.dma_semaphore, #tpu.memory_space<semaphore_mem>>)
      %slice3A_223 = vector.extract_strided_slice %get3A_109 {offsets = [9], sizes = [1], strides = [1]} : vector<16xi32> to vector<1xi32>
      %squeeze3A_224 = vector.extract %slice3A_223[0] : i32 from vector<1xi32>
      %multiple_of3A_225 = tpu.assume_multiple %squeeze3A_224, 16 : i32
      %mul3A_226 = arith.constant 16 : i32
      %mul3A_227 = arith.muli %scan3A_105, %mul3A_226 : i32
      %add3A_228 = arith.constant 9 : i32
      %add3A_229 = arith.addi %mul3A_227, %add3A_228 : i32
      %mul3A_230 = arith.constant 16 : i32
      %mul3A_231 = arith.muli %add3A_229, %mul3A_230 : i32
      %dma_start3A_232 = tpu.memref_slice %arg9[%mul3A_231] : memref<4096xf32, #tpu.memory_space<vmem>> -> memref<16xf32, #tpu.memory_space<vmem>>
      %dma_start3A_233 = tpu.memref_slice %arg2[%multiple_of3A_225] : memref<4194304xf32, #tpu.memory_space<hbm>> -> memref<16xf32, #tpu.memory_space<hbm>>
      %dma_start3A_234 = tpu.memref_slice %arg9[%mul3A_231] : memref<4096xf32, #tpu.memory_space<vmem>> -> memref<16xf32, #tpu.memory_space<vmem>>
      %dma_start3A_235 = tpu.memref_slice %arg2[%multiple_of3A_225] : memref<4194304xf32, #tpu.memory_space<hbm>> -> memref<16xf32, #tpu.memory_space<hbm>>
      tpu.enqueue_dma source(%dma_start3A_235 : memref<16xf32, #tpu.memory_space<hbm>>) target(%dma_start3A_234 : memref<16xf32, #tpu.memory_space<vmem>>) target_semaphore(%arg10 : memref<!tpu.dma_semaphore, #tpu.memory_space<semaphore_mem>>)
      %slice3A_236 = vector.extract_strided_slice %get3A_109 {offsets = [10], sizes = [1], strides = [1]} : vector<16xi32> to vector<1xi32>
      %squeeze3A_237 = vector.extract %slice3A_236[0] : i32 from vector<1xi32>
      %multiple_of3A_238 = tpu.assume_multiple %squeeze3A_237, 16 : i32
      %mul3A_239 = arith.constant 16 : i32
      %mul3A_240 = arith.muli %scan3A_105, %mul3A_239 : i32
      %add3A_241 = arith.constant 10 : i32
      %add3A_242 = arith.addi %mul3A_240, %add3A_241 : i32
      %mul3A_243 = arith.constant 16 : i32
      %mul3A_244 = arith.muli %add3A_242, %mul3A_243 : i32
      %dma_start3A_245 = tpu.memref_slice %arg9[%mul3A_244] : memref<4096xf32, #tpu.memory_space<vmem>> -> memref<16xf32, #tpu.memory_space<vmem>>
      %dma_start3A_246 = tpu.memref_slice %arg2[%multiple_of3A_238] : memref<4194304xf32, #tpu.memory_space<hbm>> -> memref<16xf32, #tpu.memory_space<hbm>>
      %dma_start3A_247 = tpu.memref_slice %arg9[%mul3A_244] : memref<4096xf32, #tpu.memory_space<vmem>> -> memref<16xf32, #tpu.memory_space<vmem>>
      %dma_start3A_248 = tpu.memref_slice %arg2[%multiple_of3A_238] : memref<4194304xf32, #tpu.memory_space<hbm>> -> memref<16xf32, #tpu.memory_space<hbm>>
      tpu.enqueue_dma source(%dma_start3A_248 : memref<16xf32, #tpu.memory_space<hbm>>) target(%dma_start3A_247 : memref<16xf32, #tpu.memory_space<vmem>>) target_semaphore(%arg10 : memref<!tpu.dma_semaphore, #tpu.memory_space<semaphore_mem>>)
      %slice3A_249 = vector.extract_strided_slice %get3A_109 {offsets = [11], sizes = [1], strides = [1]} : vector<16xi32> to vector<1xi32>
      %squeeze3A_250 = vector.extract %slice3A_249[0] : i32 from vector<1xi32>
      %multiple_of3A_251 = tpu.assume_multiple %squeeze3A_250, 16 : i32
      %mul3A_252 = arith.constant 16 : i32
      %mul3A_253 = arith.muli %scan3A_105, %mul3A_252 : i32
      %add3A_254 = arith.constant 11 : i32
      %add3A_255 = arith.addi %mul3A_253, %add3A_254 : i32
      %mul3A_256 = arith.constant 16 : i32
      %mul3A_257 = arith.muli %add3A_255, %mul3A_256 : i32
      %dma_start3A_258 = tpu.memref_slice %arg9[%mul3A_257] : memref<4096xf32, #tpu.memory_space<vmem>> -> memref<16xf32, #tpu.memory_space<vmem>>
      %dma_start3A_259 = tpu.memref_slice %arg2[%multiple_of3A_251] : memref<4194304xf32, #tpu.memory_space<hbm>> -> memref<16xf32, #tpu.memory_space<hbm>>
      %dma_start3A_260 = tpu.memref_slice %arg9[%mul3A_257] : memref<4096xf32, #tpu.memory_space<vmem>> -> memref<16xf32, #tpu.memory_space<vmem>>
      %dma_start3A_261 = tpu.memref_slice %arg2[%multiple_of3A_251] : memref<4194304xf32, #tpu.memory_space<hbm>> -> memref<16xf32, #tpu.memory_space<hbm>>
      tpu.enqueue_dma source(%dma_start3A_261 : memref<16xf32, #tpu.memory_space<hbm>>) target(%dma_start3A_260 : memref<16xf32, #tpu.memory_space<vmem>>) target_semaphore(%arg10 : memref<!tpu.dma_semaphore, #tpu.memory_space<semaphore_mem>>)
      %slice3A_262 = vector.extract_strided_slice %get3A_109 {offsets = [12], sizes = [1], strides = [1]} : vector<16xi32> to vector<1xi32>
      %squeeze3A_263 = vector.extract %slice3A_262[0] : i32 from vector<1xi32>
      %multiple_of3A_264 = tpu.assume_multiple %squeeze3A_263, 16 : i32
      %mul3A_265 = arith.constant 16 : i32
      %mul3A_266 = arith.muli %scan3A_105, %mul3A_265 : i32
      %add3A_267 = arith.constant 12 : i32
      %add3A_268 = arith.addi %mul3A_266, %add3A_267 : i32
      %mul3A_269 = arith.constant 16 : i32
      %mul3A_270 = arith.muli %add3A_268, %mul3A_269 : i32
      %dma_start3A_271 = tpu.memref_slice %arg9[%mul3A_270] : memref<4096xf32, #tpu.memory_space<vmem>> -> memref<16xf32, #tpu.memory_space<vmem>>
      %dma_start3A_272 = tpu.memref_slice %arg2[%multiple_of3A_264] : memref<4194304xf32, #tpu.memory_space<hbm>> -> memref<16xf32, #tpu.memory_space<hbm>>
      %dma_start3A_273 = tpu.memref_slice %arg9[%mul3A_270] : memref<4096xf32, #tpu.memory_space<vmem>> -> memref<16xf32, #tpu.memory_space<vmem>>
      %dma_start3A_274 = tpu.memref_slice %arg2[%multiple_of3A_264] : memref<4194304xf32, #tpu.memory_space<hbm>> -> memref<16xf32, #tpu.memory_space<hbm>>
      tpu.enqueue_dma source(%dma_start3A_274 : memref<16xf32, #tpu.memory_space<hbm>>) target(%dma_start3A_273 : memref<16xf32, #tpu.memory_space<vmem>>) target_semaphore(%arg10 : memref<!tpu.dma_semaphore, #tpu.memory_space<semaphore_mem>>)
      %slice3A_275 = vector.extract_strided_slice %get3A_109 {offsets = [13], sizes = [1], strides = [1]} : vector<16xi32> to vector<1xi32>
      %squeeze3A_276 = vector.extract %slice3A_275[0] : i32 from vector<1xi32>
      %multiple_of3A_277 = tpu.assume_multiple %squeeze3A_276, 16 : i32
      %mul3A_278 = arith.constant 16 : i32
      %mul3A_279 = arith.muli %scan3A_105, %mul3A_278 : i32
      %add3A_280 = arith.constant 13 : i32
      %add3A_281 = arith.addi %mul3A_279, %add3A_280 : i32
      %mul3A_282 = arith.constant 16 : i32
      %mul3A_283 = arith.muli %add3A_281, %mul3A_282 : i32
      %dma_start3A_284 = tpu.memref_slice %arg9[%mul3A_283] : memref<4096xf32, #tpu.memory_space<vmem>> -> memref<16xf32, #tpu.memory_space<vmem>>
      %dma_start3A_285 = tpu.memref_slice %arg2[%multiple_of3A_277] : memref<4194304xf32, #tpu.memory_space<hbm>> -> memref<16xf32, #tpu.memory_space<hbm>>
      %dma_start3A_286 = tpu.memref_slice %arg9[%mul3A_283] : memref<4096xf32, #tpu.memory_space<vmem>> -> memref<16xf32, #tpu.memory_space<vmem>>
      %dma_start3A_287 = tpu.memref_slice %arg2[%multiple_of3A_277] : memref<4194304xf32, #tpu.memory_space<hbm>> -> memref<16xf32, #tpu.memory_space<hbm>>
      tpu.enqueue_dma source(%dma_start3A_287 : memref<16xf32, #tpu.memory_space<hbm>>) target(%dma_start3A_286 : memref<16xf32, #tpu.memory_space<vmem>>) target_semaphore(%arg10 : memref<!tpu.dma_semaphore, #tpu.memory_space<semaphore_mem>>)
      %slice3A_288 = vector.extract_strided_slice %get3A_109 {offsets = [14], sizes = [1], strides = [1]} : vector<16xi32> to vector<1xi32>
      %squeeze3A_289 = vector.extract %slice3A_288[0] : i32 from vector<1xi32>
      %multiple_of3A_290 = tpu.assume_multiple %squeeze3A_289, 16 : i32
      %mul3A_291 = arith.constant 16 : i32
      %mul3A_292 = arith.muli %scan3A_105, %mul3A_291 : i32
      %add3A_293 = arith.constant 14 : i32
      %add3A_294 = arith.addi %mul3A_292, %add3A_293 : i32
      %mul3A_295 = arith.constant 16 : i32
      %mul3A_296 = arith.muli %add3A_294, %mul3A_295 : i32
      %dma_start3A_297 = tpu.memref_slice %arg9[%mul3A_296] : memref<4096xf32, #tpu.memory_space<vmem>> -> memref<16xf32, #tpu.memory_space<vmem>>
      %dma_start3A_298 = tpu.memref_slice %arg2[%multiple_of3A_290] : memref<4194304xf32, #tpu.memory_space<hbm>> -> memref<16xf32, #tpu.memory_space<hbm>>
      %dma_start3A_299 = tpu.memref_slice %arg9[%mul3A_296] : memref<4096xf32, #tpu.memory_space<vmem>> -> memref<16xf32, #tpu.memory_space<vmem>>
      %dma_start3A_300 = tpu.memref_slice %arg2[%multiple_of3A_290] : memref<4194304xf32, #tpu.memory_space<hbm>> -> memref<16xf32, #tpu.memory_space<hbm>>
      tpu.enqueue_dma source(%dma_start3A_300 : memref<16xf32, #tpu.memory_space<hbm>>) target(%dma_start3A_299 : memref<16xf32, #tpu.memory_space<vmem>>) target_semaphore(%arg10 : memref<!tpu.dma_semaphore, #tpu.memory_space<semaphore_mem>>)
      %slice3A_301 = vector.extract_strided_slice %get3A_109 {offsets = [15], sizes = [1], strides = [1]} : vector<16xi32> to vector<1xi32>
      %squeeze3A_302 = vector.extract %slice3A_301[0] : i32 from vector<1xi32>
      %multiple_of3A_303 = tpu.assume_multiple %squeeze3A_302, 16 : i32
      %mul3A_304 = arith.constant 16 : i32
      %mul3A_305 = arith.muli %scan3A_105, %mul3A_304 : i32
      %add3A_306 = arith.constant 15 : i32
      %add3A_307 = arith.addi %mul3A_305, %add3A_306 : i32
      %mul3A_308 = arith.constant 16 : i32
      %mul3A_309 = arith.muli %add3A_307, %mul3A_308 : i32
      %dma_start3A_310 = tpu.memref_slice %arg9[%mul3A_309] : memref<4096xf32, #tpu.memory_space<vmem>> -> memref<16xf32, #tpu.memory_space<vmem>>
      %dma_start3A_311 = tpu.memref_slice %arg2[%multiple_of3A_303] : memref<4194304xf32, #tpu.memory_space<hbm>> -> memref<16xf32, #tpu.memory_space<hbm>>
      %dma_start3A_312 = tpu.memref_slice %arg9[%mul3A_309] : memref<4096xf32, #tpu.memory_space<vmem>> -> memref<16xf32, #tpu.memory_space<vmem>>
      %dma_start3A_313 = tpu.memref_slice %arg2[%multiple_of3A_303] : memref<4194304xf32, #tpu.memory_space<hbm>> -> memref<16xf32, #tpu.memory_space<hbm>>
      tpu.enqueue_dma source(%dma_start3A_313 : memref<16xf32, #tpu.memory_space<hbm>>) target(%dma_start3A_312 : memref<16xf32, #tpu.memory_space<vmem>>) target_semaphore(%arg10 : memref<!tpu.dma_semaphore, #tpu.memory_space<semaphore_mem>>)
    }
    %scan3A_20 = arith.constant 16 : i32
    %dma_wait3A = arith.constant 0 : i32
    %dma_wait3A_21 = tpu.memref_slice %arg2[%dma_wait3A] : memref<4194304xf32, #tpu.memory_space<hbm>> -> memref<4096xf32, #tpu.memory_space<hbm>>
    %dma_wait3A_22 = arith.constant 0 : i32
    %dma_wait3A_23 = tpu.memref_slice %arg2[%dma_wait3A_22] : memref<4194304xf32, #tpu.memory_space<hbm>> -> memref<4096xf32, #tpu.memory_space<hbm>>
    tpu.wait_dma2 semaphore(%arg10 : memref<!tpu.dma_semaphore, #tpu.memory_space<semaphore_mem>>) src(%dma_wait3A_23 : memref<4096xf32, #tpu.memory_space<hbm>>) dst(%arg9 : memref<4096xf32, #tpu.memory_space<vmem>>)
    "tpu.region"() ({
      %run_scoped3A = tpu.sem_alloc : memref<!tpu.dma_semaphore, #tpu.memory_space<semaphore_mem>>
      %dma_start3A = arith.constant 0 : i32
      %dma_start3A_105 = tpu.memref_slice %arg5[%add3A_4, %dma_start3A] : memref<128x4096xf32, #tpu.memory_space<hbm>> -> memref<1x4096xf32, #tpu.memory_space<hbm>>
      %dma_start3A_106 = tpu.memref_squeeze %dma_start3A_105 : memref<1x4096xf32, #tpu.memory_space<hbm>> -> memref<4096xf32, #tpu.memory_space<hbm>>
      %dma_start3A_107 = arith.constant 0 : i32
      %dma_start3A_108 = tpu.memref_slice %arg5[%add3A_4, %dma_start3A_107] : memref<128x4096xf32, #tpu.memory_space<hbm>> -> memref<1x4096xf32, #tpu.memory_space<hbm>>
      %dma_start3A_109 = tpu.memref_squeeze %dma_start3A_108 : memref<1x4096xf32, #tpu.memory_space<hbm>> -> memref<4096xf32, #tpu.memory_space<hbm>>
      tpu.enqueue_dma source(%arg9 : memref<4096xf32, #tpu.memory_space<vmem>>) target(%dma_start3A_109 : memref<4096xf32, #tpu.memory_space<hbm>>) target_semaphore(%run_scoped3A : memref<!tpu.dma_semaphore, #tpu.memory_space<semaphore_mem>>)
      %dma_wait3A_110 = arith.constant 0 : i32
      %dma_wait3A_111 = tpu.memref_slice %arg5[%add3A_4, %dma_wait3A_110] : memref<128x4096xf32, #tpu.memory_space<hbm>> -> memref<1x4096xf32, #tpu.memory_space<hbm>>
      %dma_wait3A_112 = tpu.memref_squeeze %dma_wait3A_111 : memref<1x4096xf32, #tpu.memory_space<hbm>> -> memref<4096xf32, #tpu.memory_space<hbm>>
      %dma_wait3A_113 = arith.constant 0 : i32
      %dma_wait3A_114 = tpu.memref_slice %arg5[%add3A_4, %dma_wait3A_113] : memref<128x4096xf32, #tpu.memory_space<hbm>> -> memref<1x4096xf32, #tpu.memory_space<hbm>>
      %dma_wait3A_115 = tpu.memref_squeeze %dma_wait3A_114 : memref<1x4096xf32, #tpu.memory_space<hbm>> -> memref<4096xf32, #tpu.memory_space<hbm>>
      tpu.wait_dma2 semaphore(%run_scoped3A : memref<!tpu.dma_semaphore, #tpu.memory_space<semaphore_mem>>) src(%arg9 : memref<4096xf32, #tpu.memory_space<vmem>>) dst(%dma_wait3A_115 : memref<4096xf32, #tpu.memory_space<hbm>>)
      tpu.yield
    }) : () -> ()
    %mul3A_24 = arith.constant 4 : i32
    %mul3A_25 = arith.muli %add3A, %mul3A_24 : i32
    %add3A_26 = arith.constant 1 : i32
    %add3A_27 = arith.addi %mul3A_25, %add3A_26 : i32
    "tpu.region"() ({
      %run_scoped3A = tpu.sem_alloc : memref<!tpu.dma_semaphore, #tpu.memory_space<semaphore_mem>>
      %dma_start3A = arith.constant 0 : i32
      %dma_start3A_105 = tpu.memref_slice %arg3[%add3A_27, %dma_start3A] : memref<128x2048xf32, #tpu.memory_space<hbm>> -> memref<1x2048xf32, #tpu.memory_space<hbm>>
      %dma_start3A_106 = tpu.memref_squeeze %dma_start3A_105 : memref<1x2048xf32, #tpu.memory_space<hbm>> -> memref<2048xf32, #tpu.memory_space<hbm>>
      %dma_start3A_107 = arith.constant 0 : i32
      %dma_start3A_108 = tpu.memref_slice %arg3[%add3A_27, %dma_start3A_107] : memref<128x2048xf32, #tpu.memory_space<hbm>> -> memref<1x2048xf32, #tpu.memory_space<hbm>>
      %dma_start3A_109 = tpu.memref_squeeze %dma_start3A_108 : memref<1x2048xf32, #tpu.memory_space<hbm>> -> memref<2048xf32, #tpu.memory_space<hbm>>
      tpu.enqueue_dma source(%dma_start3A_109 : memref<2048xf32, #tpu.memory_space<hbm>>) target(%arg6 : memref<2048xf32, #tpu.memory_space<vmem>>) target_semaphore(%run_scoped3A : memref<!tpu.dma_semaphore, #tpu.memory_space<semaphore_mem>>)
      %dma_wait3A_110 = arith.constant 0 : i32
      %dma_wait3A_111 = tpu.memref_slice %arg3[%add3A_27, %dma_wait3A_110] : memref<128x2048xf32, #tpu.memory_space<hbm>> -> memref<1x2048xf32, #tpu.memory_space<hbm>>
      %dma_wait3A_112 = tpu.memref_squeeze %dma_wait3A_111 : memref<1x2048xf32, #tpu.memory_space<hbm>> -> memref<2048xf32, #tpu.memory_space<hbm>>
      %dma_wait3A_113 = arith.constant 0 : i32
      %dma_wait3A_114 = tpu.memref_slice %arg3[%add3A_27, %dma_wait3A_113] : memref<128x2048xf32, #tpu.memory_space<hbm>> -> memref<1x2048xf32, #tpu.memory_space<hbm>>
      %dma_wait3A_115 = tpu.memref_squeeze %dma_wait3A_114 : memref<1x2048xf32, #tpu.memory_space<hbm>> -> memref<2048xf32, #tpu.memory_space<hbm>>
      tpu.wait_dma2 semaphore(%run_scoped3A : memref<!tpu.dma_semaphore, #tpu.memory_space<semaphore_mem>>) src(%dma_wait3A_115 : memref<2048xf32, #tpu.memory_space<hbm>>) dst(%arg6 : memref<2048xf32, #tpu.memory_space<vmem>>)
      tpu.yield
    }) : () -> ()
    "tpu.region"() ({
      %run_scoped3A = tpu.sem_alloc : memref<!tpu.dma_semaphore, #tpu.memory_space<semaphore_mem>>
      %dma_start3A = arith.constant 0 : i32
      %dma_start3A_105 = tpu.memref_slice %arg4[%add3A_27, %dma_start3A] : memref<128x16xf32, #tpu.memory_space<hbm>> -> memref<1x16xf32, #tpu.memory_space<hbm>>
      %dma_start3A_106 = tpu.memref_squeeze %dma_start3A_105 : memref<1x16xf32, #tpu.memory_space<hbm>> -> memref<16xf32, #tpu.memory_space<hbm>>
      %dma_start3A_107 = arith.constant 0 : i32
      %dma_start3A_108 = tpu.memref_slice %arg4[%add3A_27, %dma_start3A_107] : memref<128x16xf32, #tpu.memory_space<hbm>> -> memref<1x16xf32, #tpu.memory_space<hbm>>
      %dma_start3A_109 = tpu.memref_squeeze %dma_start3A_108 : memref<1x16xf32, #tpu.memory_space<hbm>> -> memref<16xf32, #tpu.memory_space<hbm>>
      tpu.enqueue_dma source(%dma_start3A_109 : memref<16xf32, #tpu.memory_space<hbm>>) target(%arg7 : memref<16xf32, #tpu.memory_space<vmem>>) target_semaphore(%run_scoped3A : memref<!tpu.dma_semaphore, #tpu.memory_space<semaphore_mem>>)
      %dma_wait3A_110 = arith.constant 0 : i32
      %dma_wait3A_111 = tpu.memref_slice %arg4[%add3A_27, %dma_wait3A_110] : memref<128x16xf32, #tpu.memory_space<hbm>> -> memref<1x16xf32, #tpu.memory_space<hbm>>
      %dma_wait3A_112 = tpu.memref_squeeze %dma_wait3A_111 : memref<1x16xf32, #tpu.memory_space<hbm>> -> memref<16xf32, #tpu.memory_space<hbm>>
      %dma_wait3A_113 = arith.constant 0 : i32
      %dma_wait3A_114 = tpu.memref_slice %arg4[%add3A_27, %dma_wait3A_113] : memref<128x16xf32, #tpu.memory_space<hbm>> -> memref<1x16xf32, #tpu.memory_space<hbm>>
      %dma_wait3A_115 = tpu.memref_squeeze %dma_wait3A_114 : memref<1x16xf32, #tpu.memory_space<hbm>> -> memref<16xf32, #tpu.memory_space<hbm>>
      tpu.wait_dma2 semaphore(%run_scoped3A : memref<!tpu.dma_semaphore, #tpu.memory_space<semaphore_mem>>) src(%dma_wait3A_115 : memref<16xf32, #tpu.memory_space<hbm>>) dst(%arg7 : memref<16xf32, #tpu.memory_space<vmem>>)
      tpu.yield
    }) : () -> ()
    %get3A_28 = arith.constant 0 : index
    %get3A_29 = tpu.vector_load %arg7[%get3A_28] {strides = array<i32>} : memref<16xf32, #tpu.memory_space<vmem>>, vector<16xf32>,
    %mul3A_30 = arith.constant 2048 : i32
    %mul3A_31 = arith.muli %add3A_27, %mul3A_30 : i32
    %scan3A_32 = arith.constant 0 : i32
    %scan3A_33 = arith.constant 0 : i32
    %scan3A_34 = arith.constant 128 : i32
    %scan3A_35 = arith.addi %scan3A_33, %scan3A_34 : i32
    %scan3A_36 = arith.constant 1 : i32
    %scan3A_37 = scf.for %scan3A_105 = %scan3A_33 to %scan3A_35 step %scan3A_36 iter_args(%scan3A_106 = %scan3A_32) -> (i32)  : i32 {
      %mul3A_107 = arith.constant 16 : i32
      %mul3A_108 = arith.muli %scan3A_105, %mul3A_107 : i32
      %get3A_109 = arith.index_cast %mul3A_108 : i32 to index
      %get3A_110 = tpu.vector_load %arg6[%get3A_109] {strides = array<i32>} : memref<2048xf32, #tpu.memory_space<vmem>>, vector<16xf32>,
      %gt3A = arith.cmpf ogt, %get3A_110, %get3A_29 : vector<16xf32>
      %mul3A_111 = arith.constant 16 : i32
      %mul3A_112 = arith.muli %scan3A_105, %mul3A_111 : i32
      %add3A_113 = arith.addi %mul3A_112, %mul3A_31 : i32
      %add3A_114 = vector.broadcast %add3A_113 : i32 to vector<16xi32>
      %add3A_115 = arith.addi %iota3A, %add3A_114 : vector<16xi32>
      %mul3A_116 = arith.constant 16 : i32
      %mul3A_117 = vector.broadcast %mul3A_116 : i32 to vector<16xi32>
      %mul3A_118 = arith.muli %add3A_115, %mul3A_117 : vector<16xi32>
      %swap3A = arith.index_cast %scan3A_106 : i32 to index
      %swap3A_119 = tpu.vector_load %arg8[%swap3A] masked %gt3A {strides = array<i32>} : memref<2080xi32, #tpu.memory_space<vmem>>, vector<16xi32>, vector<16xi1>
      tpu.vector_store %arg8[%swap3A], %mul3A_118 masked %gt3A {strides = array<i32>} : memref<2080xi32, #tpu.memory_space<vmem>>, vector<16xi32>, vector<16xi1>
      %convert_element_type3A = arith.extui %gt3A : vector<16xi1> to vector<16xi32>
      %reduce_sum3A = arith.constant true
      %reduce_sum3A_120 = vector.broadcast %reduce_sum3A : i1 to vector<16xi1>
      %reduce_sum3A_121 = tpu.scan <sum>, %convert_element_type3A masked %reduce_sum3A_120 : vector<16xi32>, vector<16xi1> -> vector<16xi32>
      %reduce_sum3A_122 = vector.extract %reduce_sum3A_121[15] : i32 from vector<16xi32>
      %add3A_123 = arith.addi %scan3A_106, %reduce_sum3A_122 : i32
      scf.yield %add3A_123 : i32
    }
    %scan3A_38 = arith.constant 128 : i32
    %while3A_39 = arith.constant 0 : i32
    %while3A_40:2 = scf.while (%while3A_105 = %while3A_39, %while3A_106 = %scan3A_37) : (i32, i32) -> (i32, i32) {
      %lt3A = arith.constant 128 : i32
      %lt3A_107 = arith.cmpi slt, %while3A_105, %lt3A : i32
      %lt3A_108 = arith.constant 256 : i32
      %lt3A_109 = arith.cmpi slt, %while3A_106, %lt3A_108 : i32
      %and3A = arith.andi %lt3A_107, %lt3A_109 : i1
      scf.condition(%and3A) %while3A_105, %while3A_106 : i32, i32
    } do {
    ^bb0(%while3A_105: i32, %while3A_106: i32):
      %mul3A_107 = arith.constant 16 : i32
      %mul3A_108 = arith.muli %while3A_105, %mul3A_107 : i32
      %get3A_109 = arith.index_cast %mul3A_108 : i32 to index
      %get3A_110 = tpu.vector_load %arg6[%get3A_109] {strides = array<i32>} : memref<2048xf32, #tpu.memory_space<vmem>>, vector<16xf32>,
      %eq3A = arith.cmpf oeq, %get3A_110, %get3A_29 : vector<16xf32>
      %mul3A_111 = arith.constant 16 : i32
      %mul3A_112 = arith.muli %while3A_105, %mul3A_111 : i32
      %add3A_113 = arith.addi %mul3A_112, %mul3A_31 : i32
      %add3A_114 = vector.broadcast %add3A_113 : i32 to vector<16xi32>
      %add3A_115 = arith.addi %iota3A, %add3A_114 : vector<16xi32>
      %mul3A_116 = arith.constant 16 : i32
      %mul3A_117 = vector.broadcast %mul3A_116 : i32 to vector<16xi32>
      %mul3A_118 = arith.muli %add3A_115, %mul3A_117 : vector<16xi32>
      %swap3A = arith.index_cast %while3A_106 : i32 to index
      %swap3A_119 = tpu.vector_load %arg8[%swap3A] masked %eq3A {strides = array<i32>} : memref<2080xi32, #tpu.memory_space<vmem>>, vector<16xi32>, vector<16xi1>
      tpu.vector_store %arg8[%swap3A], %mul3A_118 masked %eq3A {strides = array<i32>} : memref<2080xi32, #tpu.memory_space<vmem>>, vector<16xi32>, vector<16xi1>
      %add3A_120 = arith.constant 1 : i32
      %add3A_121 = arith.addi %while3A_105, %add3A_120 : i32
      %convert_element_type3A = arith.extui %eq3A : vector<16xi1> to vector<16xi32>
      %reduce_sum3A = arith.constant true
      %reduce_sum3A_122 = vector.broadcast %reduce_sum3A : i1 to vector<16xi1>
      %reduce_sum3A_123 = tpu.scan <sum>, %convert_element_type3A masked %reduce_sum3A_122 : vector<16xi32>, vector<16xi1> -> vector<16xi32>
      %reduce_sum3A_124 = vector.extract %reduce_sum3A_123[15] : i32 from vector<16xi32>
      %add3A_125 = arith.addi %while3A_106, %reduce_sum3A_124 : i32
      scf.yield %add3A_121, %add3A_125 : i32, i32
    }
    %scan3A_41 = arith.constant 0 : i32
    %scan3A_42 = arith.constant 0 : i32
    %scan3A_43 = arith.constant 16 : i32
    %scan3A_44 = arith.addi %scan3A_42, %scan3A_43 : i32
    %scan3A_45 = arith.constant 1 : i32
    scf.for %scan3A_105 = %scan3A_42 to %scan3A_44 step %scan3A_45  : i32 {
      %mul3A_106 = arith.constant 16 : i32
      %mul3A_107 = arith.muli %scan3A_105, %mul3A_106 : i32
      %get3A_108 = arith.index_cast %mul3A_107 : i32 to index
      %get3A_109 = tpu.vector_load %arg8[%get3A_108] {strides = array<i32>} : memref<2080xi32, #tpu.memory_space<vmem>>, vector<16xi32>,
      %slice3A = vector.extract_strided_slice %get3A_109 {offsets = [0], sizes = [1], strides = [1]} : vector<16xi32> to vector<1xi32>
      %squeeze3A = vector.extract %slice3A[0] : i32 from vector<1xi32>
      %multiple_of3A = tpu.assume_multiple %squeeze3A, 16 : i32
      %mul3A_110 = arith.constant 16 : i32
      %mul3A_111 = arith.muli %scan3A_105, %mul3A_110 : i32
      %add3A_112 = arith.constant 0 : i32
      %add3A_113 = arith.addi %mul3A_111, %add3A_112 : i32
      %mul3A_114 = arith.constant 16 : i32
      %mul3A_115 = arith.muli %add3A_113, %mul3A_114 : i32
      %dma_start3A = tpu.memref_slice %arg9[%mul3A_115] : memref<4096xf32, #tpu.memory_space<vmem>> -> memref<16xf32, #tpu.memory_space<vmem>>
      %dma_start3A_116 = tpu.memref_slice %arg2[%multiple_of3A] : memref<4194304xf32, #tpu.memory_space<hbm>> -> memref<16xf32, #tpu.memory_space<hbm>>
      %dma_start3A_117 = tpu.memref_slice %arg9[%mul3A_115] : memref<4096xf32, #tpu.memory_space<vmem>> -> memref<16xf32, #tpu.memory_space<vmem>>
      %dma_start3A_118 = tpu.memref_slice %arg2[%multiple_of3A] : memref<4194304xf32, #tpu.memory_space<hbm>> -> memref<16xf32, #tpu.memory_space<hbm>>
      tpu.enqueue_dma source(%dma_start3A_118 : memref<16xf32, #tpu.memory_space<hbm>>) target(%dma_start3A_117 : memref<16xf32, #tpu.memory_space<vmem>>) target_semaphore(%arg10 : memref<!tpu.dma_semaphore, #tpu.memory_space<semaphore_mem>>)
      %slice3A_119 = vector.extract_strided_slice %get3A_109 {offsets = [1], sizes = [1], strides = [1]} : vector<16xi32> to vector<1xi32>
      %squeeze3A_120 = vector.extract %slice3A_119[0] : i32 from vector<1xi32>
      %multiple_of3A_121 = tpu.assume_multiple %squeeze3A_120, 16 : i32
      %mul3A_122 = arith.constant 16 : i32
      %mul3A_123 = arith.muli %scan3A_105, %mul3A_122 : i32
      %add3A_124 = arith.constant 1 : i32
      %add3A_125 = arith.addi %mul3A_123, %add3A_124 : i32
      %mul3A_126 = arith.constant 16 : i32
      %mul3A_127 = arith.muli %add3A_125, %mul3A_126 : i32
      %dma_start3A_128 = tpu.memref_slice %arg9[%mul3A_127] : memref<4096xf32, #tpu.memory_space<vmem>> -> memref<16xf32, #tpu.memory_space<vmem>>
      %dma_start3A_129 = tpu.memref_slice %arg2[%multiple_of3A_121] : memref<4194304xf32, #tpu.memory_space<hbm>> -> memref<16xf32, #tpu.memory_space<hbm>>
      %dma_start3A_130 = tpu.memref_slice %arg9[%mul3A_127] : memref<4096xf32, #tpu.memory_space<vmem>> -> memref<16xf32, #tpu.memory_space<vmem>>
      %dma_start3A_131 = tpu.memref_slice %arg2[%multiple_of3A_121] : memref<4194304xf32, #tpu.memory_space<hbm>> -> memref<16xf32, #tpu.memory_space<hbm>>
      tpu.enqueue_dma source(%dma_start3A_131 : memref<16xf32, #tpu.memory_space<hbm>>) target(%dma_start3A_130 : memref<16xf32, #tpu.memory_space<vmem>>) target_semaphore(%arg10 : memref<!tpu.dma_semaphore, #tpu.memory_space<semaphore_mem>>)
      %slice3A_132 = vector.extract_strided_slice %get3A_109 {offsets = [2], sizes = [1], strides = [1]} : vector<16xi32> to vector<1xi32>
      %squeeze3A_133 = vector.extract %slice3A_132[0] : i32 from vector<1xi32>
      %multiple_of3A_134 = tpu.assume_multiple %squeeze3A_133, 16 : i32
      %mul3A_135 = arith.constant 16 : i32
      %mul3A_136 = arith.muli %scan3A_105, %mul3A_135 : i32
      %add3A_137 = arith.constant 2 : i32
      %add3A_138 = arith.addi %mul3A_136, %add3A_137 : i32
      %mul3A_139 = arith.constant 16 : i32
      %mul3A_140 = arith.muli %add3A_138, %mul3A_139 : i32
      %dma_start3A_141 = tpu.memref_slice %arg9[%mul3A_140] : memref<4096xf32, #tpu.memory_space<vmem>> -> memref<16xf32, #tpu.memory_space<vmem>>
      %dma_start3A_142 = tpu.memref_slice %arg2[%multiple_of3A_134] : memref<4194304xf32, #tpu.memory_space<hbm>> -> memref<16xf32, #tpu.memory_space<hbm>>
      %dma_start3A_143 = tpu.memref_slice %arg9[%mul3A_140] : memref<4096xf32, #tpu.memory_space<vmem>> -> memref<16xf32, #tpu.memory_space<vmem>>
      %dma_start3A_144 = tpu.memref_slice %arg2[%multiple_of3A_134] : memref<4194304xf32, #tpu.memory_space<hbm>> -> memref<16xf32, #tpu.memory_space<hbm>>
      tpu.enqueue_dma source(%dma_start3A_144 : memref<16xf32, #tpu.memory_space<hbm>>) target(%dma_start3A_143 : memref<16xf32, #tpu.memory_space<vmem>>) target_semaphore(%arg10 : memref<!tpu.dma_semaphore, #tpu.memory_space<semaphore_mem>>)
      %slice3A_145 = vector.extract_strided_slice %get3A_109 {offsets = [3], sizes = [1], strides = [1]} : vector<16xi32> to vector<1xi32>
      %squeeze3A_146 = vector.extract %slice3A_145[0] : i32 from vector<1xi32>
      %multiple_of3A_147 = tpu.assume_multiple %squeeze3A_146, 16 : i32
      %mul3A_148 = arith.constant 16 : i32
      %mul3A_149 = arith.muli %scan3A_105, %mul3A_148 : i32
      %add3A_150 = arith.constant 3 : i32
      %add3A_151 = arith.addi %mul3A_149, %add3A_150 : i32
      %mul3A_152 = arith.constant 16 : i32
      %mul3A_153 = arith.muli %add3A_151, %mul3A_152 : i32
      %dma_start3A_154 = tpu.memref_slice %arg9[%mul3A_153] : memref<4096xf32, #tpu.memory_space<vmem>> -> memref<16xf32, #tpu.memory_space<vmem>>
      %dma_start3A_155 = tpu.memref_slice %arg2[%multiple_of3A_147] : memref<4194304xf32, #tpu.memory_space<hbm>> -> memref<16xf32, #tpu.memory_space<hbm>>
      %dma_start3A_156 = tpu.memref_slice %arg9[%mul3A_153] : memref<4096xf32, #tpu.memory_space<vmem>> -> memref<16xf32, #tpu.memory_space<vmem>>
      %dma_start3A_157 = tpu.memref_slice %arg2[%multiple_of3A_147] : memref<4194304xf32, #tpu.memory_space<hbm>> -> memref<16xf32, #tpu.memory_space<hbm>>
      tpu.enqueue_dma source(%dma_start3A_157 : memref<16xf32, #tpu.memory_space<hbm>>) target(%dma_start3A_156 : memref<16xf32, #tpu.memory_space<vmem>>) target_semaphore(%arg10 : memref<!tpu.dma_semaphore, #tpu.memory_space<semaphore_mem>>)
      %slice3A_158 = vector.extract_strided_slice %get3A_109 {offsets = [4], sizes = [1], strides = [1]} : vector<16xi32> to vector<1xi32>
      %squeeze3A_159 = vector.extract %slice3A_158[0] : i32 from vector<1xi32>
      %multiple_of3A_160 = tpu.assume_multiple %squeeze3A_159, 16 : i32
      %mul3A_161 = arith.constant 16 : i32
      %mul3A_162 = arith.muli %scan3A_105, %mul3A_161 : i32
      %add3A_163 = arith.constant 4 : i32
      %add3A_164 = arith.addi %mul3A_162, %add3A_163 : i32
      %mul3A_165 = arith.constant 16 : i32
      %mul3A_166 = arith.muli %add3A_164, %mul3A_165 : i32
      %dma_start3A_167 = tpu.memref_slice %arg9[%mul3A_166] : memref<4096xf32, #tpu.memory_space<vmem>> -> memref<16xf32, #tpu.memory_space<vmem>>
      %dma_start3A_168 = tpu.memref_slice %arg2[%multiple_of3A_160] : memref<4194304xf32, #tpu.memory_space<hbm>> -> memref<16xf32, #tpu.memory_space<hbm>>
      %dma_start3A_169 = tpu.memref_slice %arg9[%mul3A_166] : memref<4096xf32, #tpu.memory_space<vmem>> -> memref<16xf32, #tpu.memory_space<vmem>>
      %dma_start3A_170 = tpu.memref_slice %arg2[%multiple_of3A_160] : memref<4194304xf32, #tpu.memory_space<hbm>> -> memref<16xf32, #tpu.memory_space<hbm>>
      tpu.enqueue_dma source(%dma_start3A_170 : memref<16xf32, #tpu.memory_space<hbm>>) target(%dma_start3A_169 : memref<16xf32, #tpu.memory_space<vmem>>) target_semaphore(%arg10 : memref<!tpu.dma_semaphore, #tpu.memory_space<semaphore_mem>>)
      %slice3A_171 = vector.extract_strided_slice %get3A_109 {offsets = [5], sizes = [1], strides = [1]} : vector<16xi32> to vector<1xi32>
      %squeeze3A_172 = vector.extract %slice3A_171[0] : i32 from vector<1xi32>
      %multiple_of3A_173 = tpu.assume_multiple %squeeze3A_172, 16 : i32
      %mul3A_174 = arith.constant 16 : i32
      %mul3A_175 = arith.muli %scan3A_105, %mul3A_174 : i32
      %add3A_176 = arith.constant 5 : i32
      %add3A_177 = arith.addi %mul3A_175, %add3A_176 : i32
      %mul3A_178 = arith.constant 16 : i32
      %mul3A_179 = arith.muli %add3A_177, %mul3A_178 : i32
      %dma_start3A_180 = tpu.memref_slice %arg9[%mul3A_179] : memref<4096xf32, #tpu.memory_space<vmem>> -> memref<16xf32, #tpu.memory_space<vmem>>
      %dma_start3A_181 = tpu.memref_slice %arg2[%multiple_of3A_173] : memref<4194304xf32, #tpu.memory_space<hbm>> -> memref<16xf32, #tpu.memory_space<hbm>>
      %dma_start3A_182 = tpu.memref_slice %arg9[%mul3A_179] : memref<4096xf32, #tpu.memory_space<vmem>> -> memref<16xf32, #tpu.memory_space<vmem>>
      %dma_start3A_183 = tpu.memref_slice %arg2[%multiple_of3A_173] : memref<4194304xf32, #tpu.memory_space<hbm>> -> memref<16xf32, #tpu.memory_space<hbm>>
      tpu.enqueue_dma source(%dma_start3A_183 : memref<16xf32, #tpu.memory_space<hbm>>) target(%dma_start3A_182 : memref<16xf32, #tpu.memory_space<vmem>>) target_semaphore(%arg10 : memref<!tpu.dma_semaphore, #tpu.memory_space<semaphore_mem>>)
      %slice3A_184 = vector.extract_strided_slice %get3A_109 {offsets = [6], sizes = [1], strides = [1]} : vector<16xi32> to vector<1xi32>
      %squeeze3A_185 = vector.extract %slice3A_184[0] : i32 from vector<1xi32>
      %multiple_of3A_186 = tpu.assume_multiple %squeeze3A_185, 16 : i32
      %mul3A_187 = arith.constant 16 : i32
      %mul3A_188 = arith.muli %scan3A_105, %mul3A_187 : i32
      %add3A_189 = arith.constant 6 : i32
      %add3A_190 = arith.addi %mul3A_188, %add3A_189 : i32
      %mul3A_191 = arith.constant 16 : i32
      %mul3A_192 = arith.muli %add3A_190, %mul3A_191 : i32
      %dma_start3A_193 = tpu.memref_slice %arg9[%mul3A_192] : memref<4096xf32, #tpu.memory_space<vmem>> -> memref<16xf32, #tpu.memory_space<vmem>>
      %dma_start3A_194 = tpu.memref_slice %arg2[%multiple_of3A_186] : memref<4194304xf32, #tpu.memory_space<hbm>> -> memref<16xf32, #tpu.memory_space<hbm>>
      %dma_start3A_195 = tpu.memref_slice %arg9[%mul3A_192] : memref<4096xf32, #tpu.memory_space<vmem>> -> memref<16xf32, #tpu.memory_space<vmem>>
      %dma_start3A_196 = tpu.memref_slice %arg2[%multiple_of3A_186] : memref<4194304xf32, #tpu.memory_space<hbm>> -> memref<16xf32, #tpu.memory_space<hbm>>
      tpu.enqueue_dma source(%dma_start3A_196 : memref<16xf32, #tpu.memory_space<hbm>>) target(%dma_start3A_195 : memref<16xf32, #tpu.memory_space<vmem>>) target_semaphore(%arg10 : memref<!tpu.dma_semaphore, #tpu.memory_space<semaphore_mem>>)
      %slice3A_197 = vector.extract_strided_slice %get3A_109 {offsets = [7], sizes = [1], strides = [1]} : vector<16xi32> to vector<1xi32>
      %squeeze3A_198 = vector.extract %slice3A_197[0] : i32 from vector<1xi32>
      %multiple_of3A_199 = tpu.assume_multiple %squeeze3A_198, 16 : i32
      %mul3A_200 = arith.constant 16 : i32
      %mul3A_201 = arith.muli %scan3A_105, %mul3A_200 : i32
      %add3A_202 = arith.constant 7 : i32
      %add3A_203 = arith.addi %mul3A_201, %add3A_202 : i32
      %mul3A_204 = arith.constant 16 : i32
      %mul3A_205 = arith.muli %add3A_203, %mul3A_204 : i32
      %dma_start3A_206 = tpu.memref_slice %arg9[%mul3A_205] : memref<4096xf32, #tpu.memory_space<vmem>> -> memref<16xf32, #tpu.memory_space<vmem>>
      %dma_start3A_207 = tpu.memref_slice %arg2[%multiple_of3A_199] : memref<4194304xf32, #tpu.memory_space<hbm>> -> memref<16xf32, #tpu.memory_space<hbm>>
      %dma_start3A_208 = tpu.memref_slice %arg9[%mul3A_205] : memref<4096xf32, #tpu.memory_space<vmem>> -> memref<16xf32, #tpu.memory_space<vmem>>
      %dma_start3A_209 = tpu.memref_slice %arg2[%multiple_of3A_199] : memref<4194304xf32, #tpu.memory_space<hbm>> -> memref<16xf32, #tpu.memory_space<hbm>>
      tpu.enqueue_dma source(%dma_start3A_209 : memref<16xf32, #tpu.memory_space<hbm>>) target(%dma_start3A_208 : memref<16xf32, #tpu.memory_space<vmem>>) target_semaphore(%arg10 : memref<!tpu.dma_semaphore, #tpu.memory_space<semaphore_mem>>)
      %slice3A_210 = vector.extract_strided_slice %get3A_109 {offsets = [8], sizes = [1], strides = [1]} : vector<16xi32> to vector<1xi32>
      %squeeze3A_211 = vector.extract %slice3A_210[0] : i32 from vector<1xi32>
      %multiple_of3A_212 = tpu.assume_multiple %squeeze3A_211, 16 : i32
      %mul3A_213 = arith.constant 16 : i32
      %mul3A_214 = arith.muli %scan3A_105, %mul3A_213 : i32
      %add3A_215 = arith.constant 8 : i32
      %add3A_216 = arith.addi %mul3A_214, %add3A_215 : i32
      %mul3A_217 = arith.constant 16 : i32
      %mul3A_218 = arith.muli %add3A_216, %mul3A_217 : i32
      %dma_start3A_219 = tpu.memref_slice %arg9[%mul3A_218] : memref<4096xf32, #tpu.memory_space<vmem>> -> memref<16xf32, #tpu.memory_space<vmem>>
      %dma_start3A_220 = tpu.memref_slice %arg2[%multiple_of3A_212] : memref<4194304xf32, #tpu.memory_space<hbm>> -> memref<16xf32, #tpu.memory_space<hbm>>
      %dma_start3A_221 = tpu.memref_slice %arg9[%mul3A_218] : memref<4096xf32, #tpu.memory_space<vmem>> -> memref<16xf32, #tpu.memory_space<vmem>>
      %dma_start3A_222 = tpu.memref_slice %arg2[%multiple_of3A_212] : memref<4194304xf32, #tpu.memory_space<hbm>> -> memref<16xf32, #tpu.memory_space<hbm>>
      tpu.enqueue_dma source(%dma_start3A_222 : memref<16xf32, #tpu.memory_space<hbm>>) target(%dma_start3A_221 : memref<16xf32, #tpu.memory_space<vmem>>) target_semaphore(%arg10 : memref<!tpu.dma_semaphore, #tpu.memory_space<semaphore_mem>>)
      %slice3A_223 = vector.extract_strided_slice %get3A_109 {offsets = [9], sizes = [1], strides = [1]} : vector<16xi32> to vector<1xi32>
      %squeeze3A_224 = vector.extract %slice3A_223[0] : i32 from vector<1xi32>
      %multiple_of3A_225 = tpu.assume_multiple %squeeze3A_224, 16 : i32
      %mul3A_226 = arith.constant 16 : i32
      %mul3A_227 = arith.muli %scan3A_105, %mul3A_226 : i32
      %add3A_228 = arith.constant 9 : i32
      %add3A_229 = arith.addi %mul3A_227, %add3A_228 : i32
      %mul3A_230 = arith.constant 16 : i32
      %mul3A_231 = arith.muli %add3A_229, %mul3A_230 : i32
      %dma_start3A_232 = tpu.memref_slice %arg9[%mul3A_231] : memref<4096xf32, #tpu.memory_space<vmem>> -> memref<16xf32, #tpu.memory_space<vmem>>
      %dma_start3A_233 = tpu.memref_slice %arg2[%multiple_of3A_225] : memref<4194304xf32, #tpu.memory_space<hbm>> -> memref<16xf32, #tpu.memory_space<hbm>>
      %dma_start3A_234 = tpu.memref_slice %arg9[%mul3A_231] : memref<4096xf32, #tpu.memory_space<vmem>> -> memref<16xf32, #tpu.memory_space<vmem>>
      %dma_start3A_235 = tpu.memref_slice %arg2[%multiple_of3A_225] : memref<4194304xf32, #tpu.memory_space<hbm>> -> memref<16xf32, #tpu.memory_space<hbm>>
      tpu.enqueue_dma source(%dma_start3A_235 : memref<16xf32, #tpu.memory_space<hbm>>) target(%dma_start3A_234 : memref<16xf32, #tpu.memory_space<vmem>>) target_semaphore(%arg10 : memref<!tpu.dma_semaphore, #tpu.memory_space<semaphore_mem>>)
      %slice3A_236 = vector.extract_strided_slice %get3A_109 {offsets = [10], sizes = [1], strides = [1]} : vector<16xi32> to vector<1xi32>
      %squeeze3A_237 = vector.extract %slice3A_236[0] : i32 from vector<1xi32>
      %multiple_of3A_238 = tpu.assume_multiple %squeeze3A_237, 16 : i32
      %mul3A_239 = arith.constant 16 : i32
      %mul3A_240 = arith.muli %scan3A_105, %mul3A_239 : i32
      %add3A_241 = arith.constant 10 : i32
      %add3A_242 = arith.addi %mul3A_240, %add3A_241 : i32
      %mul3A_243 = arith.constant 16 : i32
      %mul3A_244 = arith.muli %add3A_242, %mul3A_243 : i32
      %dma_start3A_245 = tpu.memref_slice %arg9[%mul3A_244] : memref<4096xf32, #tpu.memory_space<vmem>> -> memref<16xf32, #tpu.memory_space<vmem>>
      %dma_start3A_246 = tpu.memref_slice %arg2[%multiple_of3A_238] : memref<4194304xf32, #tpu.memory_space<hbm>> -> memref<16xf32, #tpu.memory_space<hbm>>
      %dma_start3A_247 = tpu.memref_slice %arg9[%mul3A_244] : memref<4096xf32, #tpu.memory_space<vmem>> -> memref<16xf32, #tpu.memory_space<vmem>>
      %dma_start3A_248 = tpu.memref_slice %arg2[%multiple_of3A_238] : memref<4194304xf32, #tpu.memory_space<hbm>> -> memref<16xf32, #tpu.memory_space<hbm>>
      tpu.enqueue_dma source(%dma_start3A_248 : memref<16xf32, #tpu.memory_space<hbm>>) target(%dma_start3A_247 : memref<16xf32, #tpu.memory_space<vmem>>) target_semaphore(%arg10 : memref<!tpu.dma_semaphore, #tpu.memory_space<semaphore_mem>>)
      %slice3A_249 = vector.extract_strided_slice %get3A_109 {offsets = [11], sizes = [1], strides = [1]} : vector<16xi32> to vector<1xi32>
      %squeeze3A_250 = vector.extract %slice3A_249[0] : i32 from vector<1xi32>
      %multiple_of3A_251 = tpu.assume_multiple %squeeze3A_250, 16 : i32
      %mul3A_252 = arith.constant 16 : i32
      %mul3A_253 = arith.muli %scan3A_105, %mul3A_252 : i32
      %add3A_254 = arith.constant 11 : i32
      %add3A_255 = arith.addi %mul3A_253, %add3A_254 : i32
      %mul3A_256 = arith.constant 16 : i32
      %mul3A_257 = arith.muli %add3A_255, %mul3A_256 : i32
      %dma_start3A_258 = tpu.memref_slice %arg9[%mul3A_257] : memref<4096xf32, #tpu.memory_space<vmem>> -> memref<16xf32, #tpu.memory_space<vmem>>
      %dma_start3A_259 = tpu.memref_slice %arg2[%multiple_of3A_251] : memref<4194304xf32, #tpu.memory_space<hbm>> -> memref<16xf32, #tpu.memory_space<hbm>>
      %dma_start3A_260 = tpu.memref_slice %arg9[%mul3A_257] : memref<4096xf32, #tpu.memory_space<vmem>> -> memref<16xf32, #tpu.memory_space<vmem>>
      %dma_start3A_261 = tpu.memref_slice %arg2[%multiple_of3A_251] : memref<4194304xf32, #tpu.memory_space<hbm>> -> memref<16xf32, #tpu.memory_space<hbm>>
      tpu.enqueue_dma source(%dma_start3A_261 : memref<16xf32, #tpu.memory_space<hbm>>) target(%dma_start3A_260 : memref<16xf32, #tpu.memory_space<vmem>>) target_semaphore(%arg10 : memref<!tpu.dma_semaphore, #tpu.memory_space<semaphore_mem>>)
      %slice3A_262 = vector.extract_strided_slice %get3A_109 {offsets = [12], sizes = [1], strides = [1]} : vector<16xi32> to vector<1xi32>
      %squeeze3A_263 = vector.extract %slice3A_262[0] : i32 from vector<1xi32>
      %multiple_of3A_264 = tpu.assume_multiple %squeeze3A_263, 16 : i32
      %mul3A_265 = arith.constant 16 : i32
      %mul3A_266 = arith.muli %scan3A_105, %mul3A_265 : i32
      %add3A_267 = arith.constant 12 : i32
      %add3A_268 = arith.addi %mul3A_266, %add3A_267 : i32
      %mul3A_269 = arith.constant 16 : i32
      %mul3A_270 = arith.muli %add3A_268, %mul3A_269 : i32
      %dma_start3A_271 = tpu.memref_slice %arg9[%mul3A_270] : memref<4096xf32, #tpu.memory_space<vmem>> -> memref<16xf32, #tpu.memory_space<vmem>>
      %dma_start3A_272 = tpu.memref_slice %arg2[%multiple_of3A_264] : memref<4194304xf32, #tpu.memory_space<hbm>> -> memref<16xf32, #tpu.memory_space<hbm>>
      %dma_start3A_273 = tpu.memref_slice %arg9[%mul3A_270] : memref<4096xf32, #tpu.memory_space<vmem>> -> memref<16xf32, #tpu.memory_space<vmem>>
      %dma_start3A_274 = tpu.memref_slice %arg2[%multiple_of3A_264] : memref<4194304xf32, #tpu.memory_space<hbm>> -> memref<16xf32, #tpu.memory_space<hbm>>
      tpu.enqueue_dma source(%dma_start3A_274 : memref<16xf32, #tpu.memory_space<hbm>>) target(%dma_start3A_273 : memref<16xf32, #tpu.memory_space<vmem>>) target_semaphore(%arg10 : memref<!tpu.dma_semaphore, #tpu.memory_space<semaphore_mem>>)
      %slice3A_275 = vector.extract_strided_slice %get3A_109 {offsets = [13], sizes = [1], strides = [1]} : vector<16xi32> to vector<1xi32>
      %squeeze3A_276 = vector.extract %slice3A_275[0] : i32 from vector<1xi32>
      %multiple_of3A_277 = tpu.assume_multiple %squeeze3A_276, 16 : i32
      %mul3A_278 = arith.constant 16 : i32
      %mul3A_279 = arith.muli %scan3A_105, %mul3A_278 : i32
      %add3A_280 = arith.constant 13 : i32
      %add3A_281 = arith.addi %mul3A_279, %add3A_280 : i32
      %mul3A_282 = arith.constant 16 : i32
      %mul3A_283 = arith.muli %add3A_281, %mul3A_282 : i32
      %dma_start3A_284 = tpu.memref_slice %arg9[%mul3A_283] : memref<4096xf32, #tpu.memory_space<vmem>> -> memref<16xf32, #tpu.memory_space<vmem>>
      %dma_start3A_285 = tpu.memref_slice %arg2[%multiple_of3A_277] : memref<4194304xf32, #tpu.memory_space<hbm>> -> memref<16xf32, #tpu.memory_space<hbm>>
      %dma_start3A_286 = tpu.memref_slice %arg9[%mul3A_283] : memref<4096xf32, #tpu.memory_space<vmem>> -> memref<16xf32, #tpu.memory_space<vmem>>
      %dma_start3A_287 = tpu.memref_slice %arg2[%multiple_of3A_277] : memref<4194304xf32, #tpu.memory_space<hbm>> -> memref<16xf32, #tpu.memory_space<hbm>>
      tpu.enqueue_dma source(%dma_start3A_287 : memref<16xf32, #tpu.memory_space<hbm>>) target(%dma_start3A_286 : memref<16xf32, #tpu.memory_space<vmem>>) target_semaphore(%arg10 : memref<!tpu.dma_semaphore, #tpu.memory_space<semaphore_mem>>)
      %slice3A_288 = vector.extract_strided_slice %get3A_109 {offsets = [14], sizes = [1], strides = [1]} : vector<16xi32> to vector<1xi32>
      %squeeze3A_289 = vector.extract %slice3A_288[0] : i32 from vector<1xi32>
      %multiple_of3A_290 = tpu.assume_multiple %squeeze3A_289, 16 : i32
      %mul3A_291 = arith.constant 16 : i32
      %mul3A_292 = arith.muli %scan3A_105, %mul3A_291 : i32
      %add3A_293 = arith.constant 14 : i32
      %add3A_294 = arith.addi %mul3A_292, %add3A_293 : i32
      %mul3A_295 = arith.constant 16 : i32
      %mul3A_296 = arith.muli %add3A_294, %mul3A_295 : i32
      %dma_start3A_297 = tpu.memref_slice %arg9[%mul3A_296] : memref<4096xf32, #tpu.memory_space<vmem>> -> memref<16xf32, #tpu.memory_space<vmem>>
      %dma_start3A_298 = tpu.memref_slice %arg2[%multiple_of3A_290] : memref<4194304xf32, #tpu.memory_space<hbm>> -> memref<16xf32, #tpu.memory_space<hbm>>
      %dma_start3A_299 = tpu.memref_slice %arg9[%mul3A_296] : memref<4096xf32, #tpu.memory_space<vmem>> -> memref<16xf32, #tpu.memory_space<vmem>>
      %dma_start3A_300 = tpu.memref_slice %arg2[%multiple_of3A_290] : memref<4194304xf32, #tpu.memory_space<hbm>> -> memref<16xf32, #tpu.memory_space<hbm>>
      tpu.enqueue_dma source(%dma_start3A_300 : memref<16xf32, #tpu.memory_space<hbm>>) target(%dma_start3A_299 : memref<16xf32, #tpu.memory_space<vmem>>) target_semaphore(%arg10 : memref<!tpu.dma_semaphore, #tpu.memory_space<semaphore_mem>>)
      %slice3A_301 = vector.extract_strided_slice %get3A_109 {offsets = [15], sizes = [1], strides = [1]} : vector<16xi32> to vector<1xi32>
      %squeeze3A_302 = vector.extract %slice3A_301[0] : i32 from vector<1xi32>
      %multiple_of3A_303 = tpu.assume_multiple %squeeze3A_302, 16 : i32
      %mul3A_304 = arith.constant 16 : i32
      %mul3A_305 = arith.muli %scan3A_105, %mul3A_304 : i32
      %add3A_306 = arith.constant 15 : i32
      %add3A_307 = arith.addi %mul3A_305, %add3A_306 : i32
      %mul3A_308 = arith.constant 16 : i32
      %mul3A_309 = arith.muli %add3A_307, %mul3A_308 : i32
      %dma_start3A_310 = tpu.memref_slice %arg9[%mul3A_309] : memref<4096xf32, #tpu.memory_space<vmem>> -> memref<16xf32, #tpu.memory_space<vmem>>
      %dma_start3A_311 = tpu.memref_slice %arg2[%multiple_of3A_303] : memref<4194304xf32, #tpu.memory_space<hbm>> -> memref<16xf32, #tpu.memory_space<hbm>>
      %dma_start3A_312 = tpu.memref_slice %arg9[%mul3A_309] : memref<4096xf32, #tpu.memory_space<vmem>> -> memref<16xf32, #tpu.memory_space<vmem>>
      %dma_start3A_313 = tpu.memref_slice %arg2[%multiple_of3A_303] : memref<4194304xf32, #tpu.memory_space<hbm>> -> memref<16xf32, #tpu.memory_space<hbm>>
      tpu.enqueue_dma source(%dma_start3A_313 : memref<16xf32, #tpu.memory_space<hbm>>) target(%dma_start3A_312 : memref<16xf32, #tpu.memory_space<vmem>>) target_semaphore(%arg10 : memref<!tpu.dma_semaphore, #tpu.memory_space<semaphore_mem>>)
    }
    %scan3A_46 = arith.constant 16 : i32
    %dma_wait3A_47 = arith.constant 0 : i32
    %dma_wait3A_48 = tpu.memref_slice %arg2[%dma_wait3A_47] : memref<4194304xf32, #tpu.memory_space<hbm>> -> memref<4096xf32, #tpu.memory_space<hbm>>
    %dma_wait3A_49 = arith.constant 0 : i32
    %dma_wait3A_50 = tpu.memref_slice %arg2[%dma_wait3A_49] : memref<4194304xf32, #tpu.memory_space<hbm>> -> memref<4096xf32, #tpu.memory_space<hbm>>
    tpu.wait_dma2 semaphore(%arg10 : memref<!tpu.dma_semaphore, #tpu.memory_space<semaphore_mem>>) src(%dma_wait3A_50 : memref<4096xf32, #tpu.memory_space<hbm>>) dst(%arg9 : memref<4096xf32, #tpu.memory_space<vmem>>)
    "tpu.region"() ({
      %run_scoped3A = tpu.sem_alloc : memref<!tpu.dma_semaphore, #tpu.memory_space<semaphore_mem>>
      %dma_start3A = arith.constant 0 : i32
      %dma_start3A_105 = tpu.memref_slice %arg5[%add3A_27, %dma_start3A] : memref<128x4096xf32, #tpu.memory_space<hbm>> -> memref<1x4096xf32, #tpu.memory_space<hbm>>
      %dma_start3A_106 = tpu.memref_squeeze %dma_start3A_105 : memref<1x4096xf32, #tpu.memory_space<hbm>> -> memref<4096xf32, #tpu.memory_space<hbm>>
      %dma_start3A_107 = arith.constant 0 : i32
      %dma_start3A_108 = tpu.memref_slice %arg5[%add3A_27, %dma_start3A_107] : memref<128x4096xf32, #tpu.memory_space<hbm>> -> memref<1x4096xf32, #tpu.memory_space<hbm>>
      %dma_start3A_109 = tpu.memref_squeeze %dma_start3A_108 : memref<1x4096xf32, #tpu.memory_space<hbm>> -> memref<4096xf32, #tpu.memory_space<hbm>>
      tpu.enqueue_dma source(%arg9 : memref<4096xf32, #tpu.memory_space<vmem>>) target(%dma_start3A_109 : memref<4096xf32, #tpu.memory_space<hbm>>) target_semaphore(%run_scoped3A : memref<!tpu.dma_semaphore, #tpu.memory_space<semaphore_mem>>)
      %dma_wait3A_110 = arith.constant 0 : i32
      %dma_wait3A_111 = tpu.memref_slice %arg5[%add3A_27, %dma_wait3A_110] : memref<128x4096xf32, #tpu.memory_space<hbm>> -> memref<1x4096xf32, #tpu.memory_space<hbm>>
      %dma_wait3A_112 = tpu.memref_squeeze %dma_wait3A_111 : memref<1x4096xf32, #tpu.memory_space<hbm>> -> memref<4096xf32, #tpu.memory_space<hbm>>
      %dma_wait3A_113 = arith.constant 0 : i32
      %dma_wait3A_114 = tpu.memref_slice %arg5[%add3A_27, %dma_wait3A_113] : memref<128x4096xf32, #tpu.memory_space<hbm>> -> memref<1x4096xf32, #tpu.memory_space<hbm>>
      %dma_wait3A_115 = tpu.memref_squeeze %dma_wait3A_114 : memref<1x4096xf32, #tpu.memory_space<hbm>> -> memref<4096xf32, #tpu.memory_space<hbm>>
      tpu.wait_dma2 semaphore(%run_scoped3A : memref<!tpu.dma_semaphore, #tpu.memory_space<semaphore_mem>>) src(%arg9 : memref<4096xf32, #tpu.memory_space<vmem>>) dst(%dma_wait3A_115 : memref<4096xf32, #tpu.memory_space<hbm>>)
      tpu.yield
    }) : () -> ()
    %mul3A_51 = arith.constant 4 : i32
    %mul3A_52 = arith.muli %add3A, %mul3A_51 : i32
    %add3A_53 = arith.constant 2 : i32
    %add3A_54 = arith.addi %mul3A_52, %add3A_53 : i32
    "tpu.region"() ({
      %run_scoped3A = tpu.sem_alloc : memref<!tpu.dma_semaphore, #tpu.memory_space<semaphore_mem>>
      %dma_start3A = arith.constant 0 : i32
      %dma_start3A_105 = tpu.memref_slice %arg3[%add3A_54, %dma_start3A] : memref<128x2048xf32, #tpu.memory_space<hbm>> -> memref<1x2048xf32, #tpu.memory_space<hbm>>
      %dma_start3A_106 = tpu.memref_squeeze %dma_start3A_105 : memref<1x2048xf32, #tpu.memory_space<hbm>> -> memref<2048xf32, #tpu.memory_space<hbm>>
      %dma_start3A_107 = arith.constant 0 : i32
      %dma_start3A_108 = tpu.memref_slice %arg3[%add3A_54, %dma_start3A_107] : memref<128x2048xf32, #tpu.memory_space<hbm>> -> memref<1x2048xf32, #tpu.memory_space<hbm>>
      %dma_start3A_109 = tpu.memref_squeeze %dma_start3A_108 : memref<1x2048xf32, #tpu.memory_space<hbm>> -> memref<2048xf32, #tpu.memory_space<hbm>>
      tpu.enqueue_dma source(%dma_start3A_109 : memref<2048xf32, #tpu.memory_space<hbm>>) target(%arg6 : memref<2048xf32, #tpu.memory_space<vmem>>) target_semaphore(%run_scoped3A : memref<!tpu.dma_semaphore, #tpu.memory_space<semaphore_mem>>)
      %dma_wait3A_110 = arith.constant 0 : i32
      %dma_wait3A_111 = tpu.memref_slice %arg3[%add3A_54, %dma_wait3A_110] : memref<128x2048xf32, #tpu.memory_space<hbm>> -> memref<1x2048xf32, #tpu.memory_space<hbm>>
      %dma_wait3A_112 = tpu.memref_squeeze %dma_wait3A_111 : memref<1x2048xf32, #tpu.memory_space<hbm>> -> memref<2048xf32, #tpu.memory_space<hbm>>
      %dma_wait3A_113 = arith.constant 0 : i32
      %dma_wait3A_114 = tpu.memref_slice %arg3[%add3A_54, %dma_wait3A_113] : memref<128x2048xf32, #tpu.memory_space<hbm>> -> memref<1x2048xf32, #tpu.memory_space<hbm>>
      %dma_wait3A_115 = tpu.memref_squeeze %dma_wait3A_114 : memref<1x2048xf32, #tpu.memory_space<hbm>> -> memref<2048xf32, #tpu.memory_space<hbm>>
      tpu.wait_dma2 semaphore(%run_scoped3A : memref<!tpu.dma_semaphore, #tpu.memory_space<semaphore_mem>>) src(%dma_wait3A_115 : memref<2048xf32, #tpu.memory_space<hbm>>) dst(%arg6 : memref<2048xf32, #tpu.memory_space<vmem>>)
      tpu.yield
    }) : () -> ()
    "tpu.region"() ({
      %run_scoped3A = tpu.sem_alloc : memref<!tpu.dma_semaphore, #tpu.memory_space<semaphore_mem>>
      %dma_start3A = arith.constant 0 : i32
      %dma_start3A_105 = tpu.memref_slice %arg4[%add3A_54, %dma_start3A] : memref<128x16xf32, #tpu.memory_space<hbm>> -> memref<1x16xf32, #tpu.memory_space<hbm>>
      %dma_start3A_106 = tpu.memref_squeeze %dma_start3A_105 : memref<1x16xf32, #tpu.memory_space<hbm>> -> memref<16xf32, #tpu.memory_space<hbm>>
      %dma_start3A_107 = arith.constant 0 : i32
      %dma_start3A_108 = tpu.memref_slice %arg4[%add3A_54, %dma_start3A_107] : memref<128x16xf32, #tpu.memory_space<hbm>> -> memref<1x16xf32, #tpu.memory_space<hbm>>
      %dma_start3A_109 = tpu.memref_squeeze %dma_start3A_108 : memref<1x16xf32, #tpu.memory_space<hbm>> -> memref<16xf32, #tpu.memory_space<hbm>>
      tpu.enqueue_dma source(%dma_start3A_109 : memref<16xf32, #tpu.memory_space<hbm>>) target(%arg7 : memref<16xf32, #tpu.memory_space<vmem>>) target_semaphore(%run_scoped3A : memref<!tpu.dma_semaphore, #tpu.memory_space<semaphore_mem>>)
      %dma_wait3A_110 = arith.constant 0 : i32
      %dma_wait3A_111 = tpu.memref_slice %arg4[%add3A_54, %dma_wait3A_110] : memref<128x16xf32, #tpu.memory_space<hbm>> -> memref<1x16xf32, #tpu.memory_space<hbm>>
      %dma_wait3A_112 = tpu.memref_squeeze %dma_wait3A_111 : memref<1x16xf32, #tpu.memory_space<hbm>> -> memref<16xf32, #tpu.memory_space<hbm>>
      %dma_wait3A_113 = arith.constant 0 : i32
      %dma_wait3A_114 = tpu.memref_slice %arg4[%add3A_54, %dma_wait3A_113] : memref<128x16xf32, #tpu.memory_space<hbm>> -> memref<1x16xf32, #tpu.memory_space<hbm>>
      %dma_wait3A_115 = tpu.memref_squeeze %dma_wait3A_114 : memref<1x16xf32, #tpu.memory_space<hbm>> -> memref<16xf32, #tpu.memory_space<hbm>>
      tpu.wait_dma2 semaphore(%run_scoped3A : memref<!tpu.dma_semaphore, #tpu.memory_space<semaphore_mem>>) src(%dma_wait3A_115 : memref<16xf32, #tpu.memory_space<hbm>>) dst(%arg7 : memref<16xf32, #tpu.memory_space<vmem>>)
      tpu.yield
    }) : () -> ()
    %get3A_55 = arith.constant 0 : index
    %get3A_56 = tpu.vector_load %arg7[%get3A_55] {strides = array<i32>} : memref<16xf32, #tpu.memory_space<vmem>>, vector<16xf32>,
    %mul3A_57 = arith.constant 2048 : i32
    %mul3A_58 = arith.muli %add3A_54, %mul3A_57 : i32
    %scan3A_59 = arith.constant 0 : i32
    %scan3A_60 = arith.constant 0 : i32
    %scan3A_61 = arith.constant 128 : i32
    %scan3A_62 = arith.addi %scan3A_60, %scan3A_61 : i32
    %scan3A_63 = arith.constant 1 : i32
    %scan3A_64 = scf.for %scan3A_105 = %scan3A_60 to %scan3A_62 step %scan3A_63 iter_args(%scan3A_106 = %scan3A_59) -> (i32)  : i32 {
      %mul3A_107 = arith.constant 16 : i32
      %mul3A_108 = arith.muli %scan3A_105, %mul3A_107 : i32
      %get3A_109 = arith.index_cast %mul3A_108 : i32 to index
      %get3A_110 = tpu.vector_load %arg6[%get3A_109] {strides = array<i32>} : memref<2048xf32, #tpu.memory_space<vmem>>, vector<16xf32>,
      %gt3A = arith.cmpf ogt, %get3A_110, %get3A_56 : vector<16xf32>
      %mul3A_111 = arith.constant 16 : i32
      %mul3A_112 = arith.muli %scan3A_105, %mul3A_111 : i32
      %add3A_113 = arith.addi %mul3A_112, %mul3A_58 : i32
      %add3A_114 = vector.broadcast %add3A_113 : i32 to vector<16xi32>
      %add3A_115 = arith.addi %iota3A, %add3A_114 : vector<16xi32>
      %mul3A_116 = arith.constant 16 : i32
      %mul3A_117 = vector.broadcast %mul3A_116 : i32 to vector<16xi32>
      %mul3A_118 = arith.muli %add3A_115, %mul3A_117 : vector<16xi32>
      %swap3A = arith.index_cast %scan3A_106 : i32 to index
      %swap3A_119 = tpu.vector_load %arg8[%swap3A] masked %gt3A {strides = array<i32>} : memref<2080xi32, #tpu.memory_space<vmem>>, vector<16xi32>, vector<16xi1>
      tpu.vector_store %arg8[%swap3A], %mul3A_118 masked %gt3A {strides = array<i32>} : memref<2080xi32, #tpu.memory_space<vmem>>, vector<16xi32>, vector<16xi1>
      %convert_element_type3A = arith.extui %gt3A : vector<16xi1> to vector<16xi32>
      %reduce_sum3A = arith.constant true
      %reduce_sum3A_120 = vector.broadcast %reduce_sum3A : i1 to vector<16xi1>
      %reduce_sum3A_121 = tpu.scan <sum>, %convert_element_type3A masked %reduce_sum3A_120 : vector<16xi32>, vector<16xi1> -> vector<16xi32>
      %reduce_sum3A_122 = vector.extract %reduce_sum3A_121[15] : i32 from vector<16xi32>
      %add3A_123 = arith.addi %scan3A_106, %reduce_sum3A_122 : i32
      scf.yield %add3A_123 : i32
    }
    %scan3A_65 = arith.constant 128 : i32
    %while3A_66 = arith.constant 0 : i32
    %while3A_67:2 = scf.while (%while3A_105 = %while3A_66, %while3A_106 = %scan3A_64) : (i32, i32) -> (i32, i32) {
      %lt3A = arith.constant 128 : i32
      %lt3A_107 = arith.cmpi slt, %while3A_105, %lt3A : i32
      %lt3A_108 = arith.constant 256 : i32
      %lt3A_109 = arith.cmpi slt, %while3A_106, %lt3A_108 : i32
      %and3A = arith.andi %lt3A_107, %lt3A_109 : i1
      scf.condition(%and3A) %while3A_105, %while3A_106 : i32, i32
    } do {
    ^bb0(%while3A_105: i32, %while3A_106: i32):
      %mul3A_107 = arith.constant 16 : i32
      %mul3A_108 = arith.muli %while3A_105, %mul3A_107 : i32
      %get3A_109 = arith.index_cast %mul3A_108 : i32 to index
      %get3A_110 = tpu.vector_load %arg6[%get3A_109] {strides = array<i32>} : memref<2048xf32, #tpu.memory_space<vmem>>, vector<16xf32>,
      %eq3A = arith.cmpf oeq, %get3A_110, %get3A_56 : vector<16xf32>
      %mul3A_111 = arith.constant 16 : i32
      %mul3A_112 = arith.muli %while3A_105, %mul3A_111 : i32
      %add3A_113 = arith.addi %mul3A_112, %mul3A_58 : i32
      %add3A_114 = vector.broadcast %add3A_113 : i32 to vector<16xi32>
      %add3A_115 = arith.addi %iota3A, %add3A_114 : vector<16xi32>
      %mul3A_116 = arith.constant 16 : i32
      %mul3A_117 = vector.broadcast %mul3A_116 : i32 to vector<16xi32>
      %mul3A_118 = arith.muli %add3A_115, %mul3A_117 : vector<16xi32>
      %swap3A = arith.index_cast %while3A_106 : i32 to index
      %swap3A_119 = tpu.vector_load %arg8[%swap3A] masked %eq3A {strides = array<i32>} : memref<2080xi32, #tpu.memory_space<vmem>>, vector<16xi32>, vector<16xi1>
      tpu.vector_store %arg8[%swap3A], %mul3A_118 masked %eq3A {strides = array<i32>} : memref<2080xi32, #tpu.memory_space<vmem>>, vector<16xi32>, vector<16xi1>
      %add3A_120 = arith.constant 1 : i32
      %add3A_121 = arith.addi %while3A_105, %add3A_120 : i32
      %convert_element_type3A = arith.extui %eq3A : vector<16xi1> to vector<16xi32>
      %reduce_sum3A = arith.constant true
      %reduce_sum3A_122 = vector.broadcast %reduce_sum3A : i1 to vector<16xi1>
      %reduce_sum3A_123 = tpu.scan <sum>, %convert_element_type3A masked %reduce_sum3A_122 : vector<16xi32>, vector<16xi1> -> vector<16xi32>
      %reduce_sum3A_124 = vector.extract %reduce_sum3A_123[15] : i32 from vector<16xi32>
      %add3A_125 = arith.addi %while3A_106, %reduce_sum3A_124 : i32
      scf.yield %add3A_121, %add3A_125 : i32, i32
    }
    %scan3A_68 = arith.constant 0 : i32
    %scan3A_69 = arith.constant 0 : i32
    %scan3A_70 = arith.constant 16 : i32
    %scan3A_71 = arith.addi %scan3A_69, %scan3A_70 : i32
    %scan3A_72 = arith.constant 1 : i32
    scf.for %scan3A_105 = %scan3A_69 to %scan3A_71 step %scan3A_72  : i32 {
      %mul3A_106 = arith.constant 16 : i32
      %mul3A_107 = arith.muli %scan3A_105, %mul3A_106 : i32
      %get3A_108 = arith.index_cast %mul3A_107 : i32 to index
      %get3A_109 = tpu.vector_load %arg8[%get3A_108] {strides = array<i32>} : memref<2080xi32, #tpu.memory_space<vmem>>, vector<16xi32>,
      %slice3A = vector.extract_strided_slice %get3A_109 {offsets = [0], sizes = [1], strides = [1]} : vector<16xi32> to vector<1xi32>
      %squeeze3A = vector.extract %slice3A[0] : i32 from vector<1xi32>
      %multiple_of3A = tpu.assume_multiple %squeeze3A, 16 : i32
      %mul3A_110 = arith.constant 16 : i32
      %mul3A_111 = arith.muli %scan3A_105, %mul3A_110 : i32
      %add3A_112 = arith.constant 0 : i32
      %add3A_113 = arith.addi %mul3A_111, %add3A_112 : i32
      %mul3A_114 = arith.constant 16 : i32
      %mul3A_115 = arith.muli %add3A_113, %mul3A_114 : i32
      %dma_start3A = tpu.memref_slice %arg9[%mul3A_115] : memref<4096xf32, #tpu.memory_space<vmem>> -> memref<16xf32, #tpu.memory_space<vmem>>
      %dma_start3A_116 = tpu.memref_slice %arg2[%multiple_of3A] : memref<4194304xf32, #tpu.memory_space<hbm>> -> memref<16xf32, #tpu.memory_space<hbm>>
      %dma_start3A_117 = tpu.memref_slice %arg9[%mul3A_115] : memref<4096xf32, #tpu.memory_space<vmem>> -> memref<16xf32, #tpu.memory_space<vmem>>
      %dma_start3A_118 = tpu.memref_slice %arg2[%multiple_of3A] : memref<4194304xf32, #tpu.memory_space<hbm>> -> memref<16xf32, #tpu.memory_space<hbm>>
      tpu.enqueue_dma source(%dma_start3A_118 : memref<16xf32, #tpu.memory_space<hbm>>) target(%dma_start3A_117 : memref<16xf32, #tpu.memory_space<vmem>>) target_semaphore(%arg10 : memref<!tpu.dma_semaphore, #tpu.memory_space<semaphore_mem>>)
      %slice3A_119 = vector.extract_strided_slice %get3A_109 {offsets = [1], sizes = [1], strides = [1]} : vector<16xi32> to vector<1xi32>
      %squeeze3A_120 = vector.extract %slice3A_119[0] : i32 from vector<1xi32>
      %multiple_of3A_121 = tpu.assume_multiple %squeeze3A_120, 16 : i32
      %mul3A_122 = arith.constant 16 : i32
      %mul3A_123 = arith.muli %scan3A_105, %mul3A_122 : i32
      %add3A_124 = arith.constant 1 : i32
      %add3A_125 = arith.addi %mul3A_123, %add3A_124 : i32
      %mul3A_126 = arith.constant 16 : i32
      %mul3A_127 = arith.muli %add3A_125, %mul3A_126 : i32
      %dma_start3A_128 = tpu.memref_slice %arg9[%mul3A_127] : memref<4096xf32, #tpu.memory_space<vmem>> -> memref<16xf32, #tpu.memory_space<vmem>>
      %dma_start3A_129 = tpu.memref_slice %arg2[%multiple_of3A_121] : memref<4194304xf32, #tpu.memory_space<hbm>> -> memref<16xf32, #tpu.memory_space<hbm>>
      %dma_start3A_130 = tpu.memref_slice %arg9[%mul3A_127] : memref<4096xf32, #tpu.memory_space<vmem>> -> memref<16xf32, #tpu.memory_space<vmem>>
      %dma_start3A_131 = tpu.memref_slice %arg2[%multiple_of3A_121] : memref<4194304xf32, #tpu.memory_space<hbm>> -> memref<16xf32, #tpu.memory_space<hbm>>
      tpu.enqueue_dma source(%dma_start3A_131 : memref<16xf32, #tpu.memory_space<hbm>>) target(%dma_start3A_130 : memref<16xf32, #tpu.memory_space<vmem>>) target_semaphore(%arg10 : memref<!tpu.dma_semaphore, #tpu.memory_space<semaphore_mem>>)
      %slice3A_132 = vector.extract_strided_slice %get3A_109 {offsets = [2], sizes = [1], strides = [1]} : vector<16xi32> to vector<1xi32>
      %squeeze3A_133 = vector.extract %slice3A_132[0] : i32 from vector<1xi32>
      %multiple_of3A_134 = tpu.assume_multiple %squeeze3A_133, 16 : i32
      %mul3A_135 = arith.constant 16 : i32
      %mul3A_136 = arith.muli %scan3A_105, %mul3A_135 : i32
      %add3A_137 = arith.constant 2 : i32
      %add3A_138 = arith.addi %mul3A_136, %add3A_137 : i32
      %mul3A_139 = arith.constant 16 : i32
      %mul3A_140 = arith.muli %add3A_138, %mul3A_139 : i32
      %dma_start3A_141 = tpu.memref_slice %arg9[%mul3A_140] : memref<4096xf32, #tpu.memory_space<vmem>> -> memref<16xf32, #tpu.memory_space<vmem>>
      %dma_start3A_142 = tpu.memref_slice %arg2[%multiple_of3A_134] : memref<4194304xf32, #tpu.memory_space<hbm>> -> memref<16xf32, #tpu.memory_space<hbm>>
      %dma_start3A_143 = tpu.memref_slice %arg9[%mul3A_140] : memref<4096xf32, #tpu.memory_space<vmem>> -> memref<16xf32, #tpu.memory_space<vmem>>
      %dma_start3A_144 = tpu.memref_slice %arg2[%multiple_of3A_134] : memref<4194304xf32, #tpu.memory_space<hbm>> -> memref<16xf32, #tpu.memory_space<hbm>>
      tpu.enqueue_dma source(%dma_start3A_144 : memref<16xf32, #tpu.memory_space<hbm>>) target(%dma_start3A_143 : memref<16xf32, #tpu.memory_space<vmem>>) target_semaphore(%arg10 : memref<!tpu.dma_semaphore, #tpu.memory_space<semaphore_mem>>)
      %slice3A_145 = vector.extract_strided_slice %get3A_109 {offsets = [3], sizes = [1], strides = [1]} : vector<16xi32> to vector<1xi32>
      %squeeze3A_146 = vector.extract %slice3A_145[0] : i32 from vector<1xi32>
      %multiple_of3A_147 = tpu.assume_multiple %squeeze3A_146, 16 : i32
      %mul3A_148 = arith.constant 16 : i32
      %mul3A_149 = arith.muli %scan3A_105, %mul3A_148 : i32
      %add3A_150 = arith.constant 3 : i32
      %add3A_151 = arith.addi %mul3A_149, %add3A_150 : i32
      %mul3A_152 = arith.constant 16 : i32
      %mul3A_153 = arith.muli %add3A_151, %mul3A_152 : i32
      %dma_start3A_154 = tpu.memref_slice %arg9[%mul3A_153] : memref<4096xf32, #tpu.memory_space<vmem>> -> memref<16xf32, #tpu.memory_space<vmem>>
      %dma_start3A_155 = tpu.memref_slice %arg2[%multiple_of3A_147] : memref<4194304xf32, #tpu.memory_space<hbm>> -> memref<16xf32, #tpu.memory_space<hbm>>
      %dma_start3A_156 = tpu.memref_slice %arg9[%mul3A_153] : memref<4096xf32, #tpu.memory_space<vmem>> -> memref<16xf32, #tpu.memory_space<vmem>>
      %dma_start3A_157 = tpu.memref_slice %arg2[%multiple_of3A_147] : memref<4194304xf32, #tpu.memory_space<hbm>> -> memref<16xf32, #tpu.memory_space<hbm>>
      tpu.enqueue_dma source(%dma_start3A_157 : memref<16xf32, #tpu.memory_space<hbm>>) target(%dma_start3A_156 : memref<16xf32, #tpu.memory_space<vmem>>) target_semaphore(%arg10 : memref<!tpu.dma_semaphore, #tpu.memory_space<semaphore_mem>>)
      %slice3A_158 = vector.extract_strided_slice %get3A_109 {offsets = [4], sizes = [1], strides = [1]} : vector<16xi32> to vector<1xi32>
      %squeeze3A_159 = vector.extract %slice3A_158[0] : i32 from vector<1xi32>
      %multiple_of3A_160 = tpu.assume_multiple %squeeze3A_159, 16 : i32
      %mul3A_161 = arith.constant 16 : i32
      %mul3A_162 = arith.muli %scan3A_105, %mul3A_161 : i32
      %add3A_163 = arith.constant 4 : i32
      %add3A_164 = arith.addi %mul3A_162, %add3A_163 : i32
      %mul3A_165 = arith.constant 16 : i32
      %mul3A_166 = arith.muli %add3A_164, %mul3A_165 : i32
      %dma_start3A_167 = tpu.memref_slice %arg9[%mul3A_166] : memref<4096xf32, #tpu.memory_space<vmem>> -> memref<16xf32, #tpu.memory_space<vmem>>
      %dma_start3A_168 = tpu.memref_slice %arg2[%multiple_of3A_160] : memref<4194304xf32, #tpu.memory_space<hbm>> -> memref<16xf32, #tpu.memory_space<hbm>>
      %dma_start3A_169 = tpu.memref_slice %arg9[%mul3A_166] : memref<4096xf32, #tpu.memory_space<vmem>> -> memref<16xf32, #tpu.memory_space<vmem>>
      %dma_start3A_170 = tpu.memref_slice %arg2[%multiple_of3A_160] : memref<4194304xf32, #tpu.memory_space<hbm>> -> memref<16xf32, #tpu.memory_space<hbm>>
      tpu.enqueue_dma source(%dma_start3A_170 : memref<16xf32, #tpu.memory_space<hbm>>) target(%dma_start3A_169 : memref<16xf32, #tpu.memory_space<vmem>>) target_semaphore(%arg10 : memref<!tpu.dma_semaphore, #tpu.memory_space<semaphore_mem>>)
      %slice3A_171 = vector.extract_strided_slice %get3A_109 {offsets = [5], sizes = [1], strides = [1]} : vector<16xi32> to vector<1xi32>
      %squeeze3A_172 = vector.extract %slice3A_171[0] : i32 from vector<1xi32>
      %multiple_of3A_173 = tpu.assume_multiple %squeeze3A_172, 16 : i32
      %mul3A_174 = arith.constant 16 : i32
      %mul3A_175 = arith.muli %scan3A_105, %mul3A_174 : i32
      %add3A_176 = arith.constant 5 : i32
      %add3A_177 = arith.addi %mul3A_175, %add3A_176 : i32
      %mul3A_178 = arith.constant 16 : i32
      %mul3A_179 = arith.muli %add3A_177, %mul3A_178 : i32
      %dma_start3A_180 = tpu.memref_slice %arg9[%mul3A_179] : memref<4096xf32, #tpu.memory_space<vmem>> -> memref<16xf32, #tpu.memory_space<vmem>>
      %dma_start3A_181 = tpu.memref_slice %arg2[%multiple_of3A_173] : memref<4194304xf32, #tpu.memory_space<hbm>> -> memref<16xf32, #tpu.memory_space<hbm>>
      %dma_start3A_182 = tpu.memref_slice %arg9[%mul3A_179] : memref<4096xf32, #tpu.memory_space<vmem>> -> memref<16xf32, #tpu.memory_space<vmem>>
      %dma_start3A_183 = tpu.memref_slice %arg2[%multiple_of3A_173] : memref<4194304xf32, #tpu.memory_space<hbm>> -> memref<16xf32, #tpu.memory_space<hbm>>
      tpu.enqueue_dma source(%dma_start3A_183 : memref<16xf32, #tpu.memory_space<hbm>>) target(%dma_start3A_182 : memref<16xf32, #tpu.memory_space<vmem>>) target_semaphore(%arg10 : memref<!tpu.dma_semaphore, #tpu.memory_space<semaphore_mem>>)
      %slice3A_184 = vector.extract_strided_slice %get3A_109 {offsets = [6], sizes = [1], strides = [1]} : vector<16xi32> to vector<1xi32>
      %squeeze3A_185 = vector.extract %slice3A_184[0] : i32 from vector<1xi32>
      %multiple_of3A_186 = tpu.assume_multiple %squeeze3A_185, 16 : i32
      %mul3A_187 = arith.constant 16 : i32
      %mul3A_188 = arith.muli %scan3A_105, %mul3A_187 : i32
      %add3A_189 = arith.constant 6 : i32
      %add3A_190 = arith.addi %mul3A_188, %add3A_189 : i32
      %mul3A_191 = arith.constant 16 : i32
      %mul3A_192 = arith.muli %add3A_190, %mul3A_191 : i32
      %dma_start3A_193 = tpu.memref_slice %arg9[%mul3A_192] : memref<4096xf32, #tpu.memory_space<vmem>> -> memref<16xf32, #tpu.memory_space<vmem>>
      %dma_start3A_194 = tpu.memref_slice %arg2[%multiple_of3A_186] : memref<4194304xf32, #tpu.memory_space<hbm>> -> memref<16xf32, #tpu.memory_space<hbm>>
      %dma_start3A_195 = tpu.memref_slice %arg9[%mul3A_192] : memref<4096xf32, #tpu.memory_space<vmem>> -> memref<16xf32, #tpu.memory_space<vmem>>
      %dma_start3A_196 = tpu.memref_slice %arg2[%multiple_of3A_186] : memref<4194304xf32, #tpu.memory_space<hbm>> -> memref<16xf32, #tpu.memory_space<hbm>>
      tpu.enqueue_dma source(%dma_start3A_196 : memref<16xf32, #tpu.memory_space<hbm>>) target(%dma_start3A_195 : memref<16xf32, #tpu.memory_space<vmem>>) target_semaphore(%arg10 : memref<!tpu.dma_semaphore, #tpu.memory_space<semaphore_mem>>)
      %slice3A_197 = vector.extract_strided_slice %get3A_109 {offsets = [7], sizes = [1], strides = [1]} : vector<16xi32> to vector<1xi32>
      %squeeze3A_198 = vector.extract %slice3A_197[0] : i32 from vector<1xi32>
      %multiple_of3A_199 = tpu.assume_multiple %squeeze3A_198, 16 : i32
      %mul3A_200 = arith.constant 16 : i32
      %mul3A_201 = arith.muli %scan3A_105, %mul3A_200 : i32
      %add3A_202 = arith.constant 7 : i32
      %add3A_203 = arith.addi %mul3A_201, %add3A_202 : i32
      %mul3A_204 = arith.constant 16 : i32
      %mul3A_205 = arith.muli %add3A_203, %mul3A_204 : i32
      %dma_start3A_206 = tpu.memref_slice %arg9[%mul3A_205] : memref<4096xf32, #tpu.memory_space<vmem>> -> memref<16xf32, #tpu.memory_space<vmem>>
      %dma_start3A_207 = tpu.memref_slice %arg2[%multiple_of3A_199] : memref<4194304xf32, #tpu.memory_space<hbm>> -> memref<16xf32, #tpu.memory_space<hbm>>
      %dma_start3A_208 = tpu.memref_slice %arg9[%mul3A_205] : memref<4096xf32, #tpu.memory_space<vmem>> -> memref<16xf32, #tpu.memory_space<vmem>>
      %dma_start3A_209 = tpu.memref_slice %arg2[%multiple_of3A_199] : memref<4194304xf32, #tpu.memory_space<hbm>> -> memref<16xf32, #tpu.memory_space<hbm>>
      tpu.enqueue_dma source(%dma_start3A_209 : memref<16xf32, #tpu.memory_space<hbm>>) target(%dma_start3A_208 : memref<16xf32, #tpu.memory_space<vmem>>) target_semaphore(%arg10 : memref<!tpu.dma_semaphore, #tpu.memory_space<semaphore_mem>>)
      %slice3A_210 = vector.extract_strided_slice %get3A_109 {offsets = [8], sizes = [1], strides = [1]} : vector<16xi32> to vector<1xi32>
      %squeeze3A_211 = vector.extract %slice3A_210[0] : i32 from vector<1xi32>
      %multiple_of3A_212 = tpu.assume_multiple %squeeze3A_211, 16 : i32
      %mul3A_213 = arith.constant 16 : i32
      %mul3A_214 = arith.muli %scan3A_105, %mul3A_213 : i32
      %add3A_215 = arith.constant 8 : i32
      %add3A_216 = arith.addi %mul3A_214, %add3A_215 : i32
      %mul3A_217 = arith.constant 16 : i32
      %mul3A_218 = arith.muli %add3A_216, %mul3A_217 : i32
      %dma_start3A_219 = tpu.memref_slice %arg9[%mul3A_218] : memref<4096xf32, #tpu.memory_space<vmem>> -> memref<16xf32, #tpu.memory_space<vmem>>
      %dma_start3A_220 = tpu.memref_slice %arg2[%multiple_of3A_212] : memref<4194304xf32, #tpu.memory_space<hbm>> -> memref<16xf32, #tpu.memory_space<hbm>>
      %dma_start3A_221 = tpu.memref_slice %arg9[%mul3A_218] : memref<4096xf32, #tpu.memory_space<vmem>> -> memref<16xf32, #tpu.memory_space<vmem>>
      %dma_start3A_222 = tpu.memref_slice %arg2[%multiple_of3A_212] : memref<4194304xf32, #tpu.memory_space<hbm>> -> memref<16xf32, #tpu.memory_space<hbm>>
      tpu.enqueue_dma source(%dma_start3A_222 : memref<16xf32, #tpu.memory_space<hbm>>) target(%dma_start3A_221 : memref<16xf32, #tpu.memory_space<vmem>>) target_semaphore(%arg10 : memref<!tpu.dma_semaphore, #tpu.memory_space<semaphore_mem>>)
      %slice3A_223 = vector.extract_strided_slice %get3A_109 {offsets = [9], sizes = [1], strides = [1]} : vector<16xi32> to vector<1xi32>
      %squeeze3A_224 = vector.extract %slice3A_223[0] : i32 from vector<1xi32>
      %multiple_of3A_225 = tpu.assume_multiple %squeeze3A_224, 16 : i32
      %mul3A_226 = arith.constant 16 : i32
      %mul3A_227 = arith.muli %scan3A_105, %mul3A_226 : i32
      %add3A_228 = arith.constant 9 : i32
      %add3A_229 = arith.addi %mul3A_227, %add3A_228 : i32
      %mul3A_230 = arith.constant 16 : i32
      %mul3A_231 = arith.muli %add3A_229, %mul3A_230 : i32
      %dma_start3A_232 = tpu.memref_slice %arg9[%mul3A_231] : memref<4096xf32, #tpu.memory_space<vmem>> -> memref<16xf32, #tpu.memory_space<vmem>>
      %dma_start3A_233 = tpu.memref_slice %arg2[%multiple_of3A_225] : memref<4194304xf32, #tpu.memory_space<hbm>> -> memref<16xf32, #tpu.memory_space<hbm>>
      %dma_start3A_234 = tpu.memref_slice %arg9[%mul3A_231] : memref<4096xf32, #tpu.memory_space<vmem>> -> memref<16xf32, #tpu.memory_space<vmem>>
      %dma_start3A_235 = tpu.memref_slice %arg2[%multiple_of3A_225] : memref<4194304xf32, #tpu.memory_space<hbm>> -> memref<16xf32, #tpu.memory_space<hbm>>
      tpu.enqueue_dma source(%dma_start3A_235 : memref<16xf32, #tpu.memory_space<hbm>>) target(%dma_start3A_234 : memref<16xf32, #tpu.memory_space<vmem>>) target_semaphore(%arg10 : memref<!tpu.dma_semaphore, #tpu.memory_space<semaphore_mem>>)
      %slice3A_236 = vector.extract_strided_slice %get3A_109 {offsets = [10], sizes = [1], strides = [1]} : vector<16xi32> to vector<1xi32>
      %squeeze3A_237 = vector.extract %slice3A_236[0] : i32 from vector<1xi32>
      %multiple_of3A_238 = tpu.assume_multiple %squeeze3A_237, 16 : i32
      %mul3A_239 = arith.constant 16 : i32
      %mul3A_240 = arith.muli %scan3A_105, %mul3A_239 : i32
      %add3A_241 = arith.constant 10 : i32
      %add3A_242 = arith.addi %mul3A_240, %add3A_241 : i32
      %mul3A_243 = arith.constant 16 : i32
      %mul3A_244 = arith.muli %add3A_242, %mul3A_243 : i32
      %dma_start3A_245 = tpu.memref_slice %arg9[%mul3A_244] : memref<4096xf32, #tpu.memory_space<vmem>> -> memref<16xf32, #tpu.memory_space<vmem>>
      %dma_start3A_246 = tpu.memref_slice %arg2[%multiple_of3A_238] : memref<4194304xf32, #tpu.memory_space<hbm>> -> memref<16xf32, #tpu.memory_space<hbm>>
      %dma_start3A_247 = tpu.memref_slice %arg9[%mul3A_244] : memref<4096xf32, #tpu.memory_space<vmem>> -> memref<16xf32, #tpu.memory_space<vmem>>
      %dma_start3A_248 = tpu.memref_slice %arg2[%multiple_of3A_238] : memref<4194304xf32, #tpu.memory_space<hbm>> -> memref<16xf32, #tpu.memory_space<hbm>>
      tpu.enqueue_dma source(%dma_start3A_248 : memref<16xf32, #tpu.memory_space<hbm>>) target(%dma_start3A_247 : memref<16xf32, #tpu.memory_space<vmem>>) target_semaphore(%arg10 : memref<!tpu.dma_semaphore, #tpu.memory_space<semaphore_mem>>)
      %slice3A_249 = vector.extract_strided_slice %get3A_109 {offsets = [11], sizes = [1], strides = [1]} : vector<16xi32> to vector<1xi32>
      %squeeze3A_250 = vector.extract %slice3A_249[0] : i32 from vector<1xi32>
      %multiple_of3A_251 = tpu.assume_multiple %squeeze3A_250, 16 : i32
      %mul3A_252 = arith.constant 16 : i32
      %mul3A_253 = arith.muli %scan3A_105, %mul3A_252 : i32
      %add3A_254 = arith.constant 11 : i32
      %add3A_255 = arith.addi %mul3A_253, %add3A_254 : i32
      %mul3A_256 = arith.constant 16 : i32
      %mul3A_257 = arith.muli %add3A_255, %mul3A_256 : i32
      %dma_start3A_258 = tpu.memref_slice %arg9[%mul3A_257] : memref<4096xf32, #tpu.memory_space<vmem>> -> memref<16xf32, #tpu.memory_space<vmem>>
      %dma_start3A_259 = tpu.memref_slice %arg2[%multiple_of3A_251] : memref<4194304xf32, #tpu.memory_space<hbm>> -> memref<16xf32, #tpu.memory_space<hbm>>
      %dma_start3A_260 = tpu.memref_slice %arg9[%mul3A_257] : memref<4096xf32, #tpu.memory_space<vmem>> -> memref<16xf32, #tpu.memory_space<vmem>>
      %dma_start3A_261 = tpu.memref_slice %arg2[%multiple_of3A_251] : memref<4194304xf32, #tpu.memory_space<hbm>> -> memref<16xf32, #tpu.memory_space<hbm>>
      tpu.enqueue_dma source(%dma_start3A_261 : memref<16xf32, #tpu.memory_space<hbm>>) target(%dma_start3A_260 : memref<16xf32, #tpu.memory_space<vmem>>) target_semaphore(%arg10 : memref<!tpu.dma_semaphore, #tpu.memory_space<semaphore_mem>>)
      %slice3A_262 = vector.extract_strided_slice %get3A_109 {offsets = [12], sizes = [1], strides = [1]} : vector<16xi32> to vector<1xi32>
      %squeeze3A_263 = vector.extract %slice3A_262[0] : i32 from vector<1xi32>
      %multiple_of3A_264 = tpu.assume_multiple %squeeze3A_263, 16 : i32
      %mul3A_265 = arith.constant 16 : i32
      %mul3A_266 = arith.muli %scan3A_105, %mul3A_265 : i32
      %add3A_267 = arith.constant 12 : i32
      %add3A_268 = arith.addi %mul3A_266, %add3A_267 : i32
      %mul3A_269 = arith.constant 16 : i32
      %mul3A_270 = arith.muli %add3A_268, %mul3A_269 : i32
      %dma_start3A_271 = tpu.memref_slice %arg9[%mul3A_270] : memref<4096xf32, #tpu.memory_space<vmem>> -> memref<16xf32, #tpu.memory_space<vmem>>
      %dma_start3A_272 = tpu.memref_slice %arg2[%multiple_of3A_264] : memref<4194304xf32, #tpu.memory_space<hbm>> -> memref<16xf32, #tpu.memory_space<hbm>>
      %dma_start3A_273 = tpu.memref_slice %arg9[%mul3A_270] : memref<4096xf32, #tpu.memory_space<vmem>> -> memref<16xf32, #tpu.memory_space<vmem>>
      %dma_start3A_274 = tpu.memref_slice %arg2[%multiple_of3A_264] : memref<4194304xf32, #tpu.memory_space<hbm>> -> memref<16xf32, #tpu.memory_space<hbm>>
      tpu.enqueue_dma source(%dma_start3A_274 : memref<16xf32, #tpu.memory_space<hbm>>) target(%dma_start3A_273 : memref<16xf32, #tpu.memory_space<vmem>>) target_semaphore(%arg10 : memref<!tpu.dma_semaphore, #tpu.memory_space<semaphore_mem>>)
      %slice3A_275 = vector.extract_strided_slice %get3A_109 {offsets = [13], sizes = [1], strides = [1]} : vector<16xi32> to vector<1xi32>
      %squeeze3A_276 = vector.extract %slice3A_275[0] : i32 from vector<1xi32>
      %multiple_of3A_277 = tpu.assume_multiple %squeeze3A_276, 16 : i32
      %mul3A_278 = arith.constant 16 : i32
      %mul3A_279 = arith.muli %scan3A_105, %mul3A_278 : i32
      %add3A_280 = arith.constant 13 : i32
      %add3A_281 = arith.addi %mul3A_279, %add3A_280 : i32
      %mul3A_282 = arith.constant 16 : i32
      %mul3A_283 = arith.muli %add3A_281, %mul3A_282 : i32
      %dma_start3A_284 = tpu.memref_slice %arg9[%mul3A_283] : memref<4096xf32, #tpu.memory_space<vmem>> -> memref<16xf32, #tpu.memory_space<vmem>>
      %dma_start3A_285 = tpu.memref_slice %arg2[%multiple_of3A_277] : memref<4194304xf32, #tpu.memory_space<hbm>> -> memref<16xf32, #tpu.memory_space<hbm>>
      %dma_start3A_286 = tpu.memref_slice %arg9[%mul3A_283] : memref<4096xf32, #tpu.memory_space<vmem>> -> memref<16xf32, #tpu.memory_space<vmem>>
      %dma_start3A_287 = tpu.memref_slice %arg2[%multiple_of3A_277] : memref<4194304xf32, #tpu.memory_space<hbm>> -> memref<16xf32, #tpu.memory_space<hbm>>
      tpu.enqueue_dma source(%dma_start3A_287 : memref<16xf32, #tpu.memory_space<hbm>>) target(%dma_start3A_286 : memref<16xf32, #tpu.memory_space<vmem>>) target_semaphore(%arg10 : memref<!tpu.dma_semaphore, #tpu.memory_space<semaphore_mem>>)
      %slice3A_288 = vector.extract_strided_slice %get3A_109 {offsets = [14], sizes = [1], strides = [1]} : vector<16xi32> to vector<1xi32>
      %squeeze3A_289 = vector.extract %slice3A_288[0] : i32 from vector<1xi32>
      %multiple_of3A_290 = tpu.assume_multiple %squeeze3A_289, 16 : i32
      %mul3A_291 = arith.constant 16 : i32
      %mul3A_292 = arith.muli %scan3A_105, %mul3A_291 : i32
      %add3A_293 = arith.constant 14 : i32
      %add3A_294 = arith.addi %mul3A_292, %add3A_293 : i32
      %mul3A_295 = arith.constant 16 : i32
      %mul3A_296 = arith.muli %add3A_294, %mul3A_295 : i32
      %dma_start3A_297 = tpu.memref_slice %arg9[%mul3A_296] : memref<4096xf32, #tpu.memory_space<vmem>> -> memref<16xf32, #tpu.memory_space<vmem>>
      %dma_start3A_298 = tpu.memref_slice %arg2[%multiple_of3A_290] : memref<4194304xf32, #tpu.memory_space<hbm>> -> memref<16xf32, #tpu.memory_space<hbm>>
      %dma_start3A_299 = tpu.memref_slice %arg9[%mul3A_296] : memref<4096xf32, #tpu.memory_space<vmem>> -> memref<16xf32, #tpu.memory_space<vmem>>
      %dma_start3A_300 = tpu.memref_slice %arg2[%multiple_of3A_290] : memref<4194304xf32, #tpu.memory_space<hbm>> -> memref<16xf32, #tpu.memory_space<hbm>>
      tpu.enqueue_dma source(%dma_start3A_300 : memref<16xf32, #tpu.memory_space<hbm>>) target(%dma_start3A_299 : memref<16xf32, #tpu.memory_space<vmem>>) target_semaphore(%arg10 : memref<!tpu.dma_semaphore, #tpu.memory_space<semaphore_mem>>)
      %slice3A_301 = vector.extract_strided_slice %get3A_109 {offsets = [15], sizes = [1], strides = [1]} : vector<16xi32> to vector<1xi32>
      %squeeze3A_302 = vector.extract %slice3A_301[0] : i32 from vector<1xi32>
      %multiple_of3A_303 = tpu.assume_multiple %squeeze3A_302, 16 : i32
      %mul3A_304 = arith.constant 16 : i32
      %mul3A_305 = arith.muli %scan3A_105, %mul3A_304 : i32
      %add3A_306 = arith.constant 15 : i32
      %add3A_307 = arith.addi %mul3A_305, %add3A_306 : i32
      %mul3A_308 = arith.constant 16 : i32
      %mul3A_309 = arith.muli %add3A_307, %mul3A_308 : i32
      %dma_start3A_310 = tpu.memref_slice %arg9[%mul3A_309] : memref<4096xf32, #tpu.memory_space<vmem>> -> memref<16xf32, #tpu.memory_space<vmem>>
      %dma_start3A_311 = tpu.memref_slice %arg2[%multiple_of3A_303] : memref<4194304xf32, #tpu.memory_space<hbm>> -> memref<16xf32, #tpu.memory_space<hbm>>
      %dma_start3A_312 = tpu.memref_slice %arg9[%mul3A_309] : memref<4096xf32, #tpu.memory_space<vmem>> -> memref<16xf32, #tpu.memory_space<vmem>>
      %dma_start3A_313 = tpu.memref_slice %arg2[%multiple_of3A_303] : memref<4194304xf32, #tpu.memory_space<hbm>> -> memref<16xf32, #tpu.memory_space<hbm>>
      tpu.enqueue_dma source(%dma_start3A_313 : memref<16xf32, #tpu.memory_space<hbm>>) target(%dma_start3A_312 : memref<16xf32, #tpu.memory_space<vmem>>) target_semaphore(%arg10 : memref<!tpu.dma_semaphore, #tpu.memory_space<semaphore_mem>>)
    }
    %scan3A_73 = arith.constant 16 : i32
    %dma_wait3A_74 = arith.constant 0 : i32
    %dma_wait3A_75 = tpu.memref_slice %arg2[%dma_wait3A_74] : memref<4194304xf32, #tpu.memory_space<hbm>> -> memref<4096xf32, #tpu.memory_space<hbm>>
    %dma_wait3A_76 = arith.constant 0 : i32
    %dma_wait3A_77 = tpu.memref_slice %arg2[%dma_wait3A_76] : memref<4194304xf32, #tpu.memory_space<hbm>> -> memref<4096xf32, #tpu.memory_space<hbm>>
    tpu.wait_dma2 semaphore(%arg10 : memref<!tpu.dma_semaphore, #tpu.memory_space<semaphore_mem>>) src(%dma_wait3A_77 : memref<4096xf32, #tpu.memory_space<hbm>>) dst(%arg9 : memref<4096xf32, #tpu.memory_space<vmem>>)
    "tpu.region"() ({
      %run_scoped3A = tpu.sem_alloc : memref<!tpu.dma_semaphore, #tpu.memory_space<semaphore_mem>>
      %dma_start3A = arith.constant 0 : i32
      %dma_start3A_105 = tpu.memref_slice %arg5[%add3A_54, %dma_start3A] : memref<128x4096xf32, #tpu.memory_space<hbm>> -> memref<1x4096xf32, #tpu.memory_space<hbm>>
      %dma_start3A_106 = tpu.memref_squeeze %dma_start3A_105 : memref<1x4096xf32, #tpu.memory_space<hbm>> -> memref<4096xf32, #tpu.memory_space<hbm>>
      %dma_start3A_107 = arith.constant 0 : i32
      %dma_start3A_108 = tpu.memref_slice %arg5[%add3A_54, %dma_start3A_107] : memref<128x4096xf32, #tpu.memory_space<hbm>> -> memref<1x4096xf32, #tpu.memory_space<hbm>>
      %dma_start3A_109 = tpu.memref_squeeze %dma_start3A_108 : memref<1x4096xf32, #tpu.memory_space<hbm>> -> memref<4096xf32, #tpu.memory_space<hbm>>
      tpu.enqueue_dma source(%arg9 : memref<4096xf32, #tpu.memory_space<vmem>>) target(%dma_start3A_109 : memref<4096xf32, #tpu.memory_space<hbm>>) target_semaphore(%run_scoped3A : memref<!tpu.dma_semaphore, #tpu.memory_space<semaphore_mem>>)
      %dma_wait3A_110 = arith.constant 0 : i32
      %dma_wait3A_111 = tpu.memref_slice %arg5[%add3A_54, %dma_wait3A_110] : memref<128x4096xf32, #tpu.memory_space<hbm>> -> memref<1x4096xf32, #tpu.memory_space<hbm>>
      %dma_wait3A_112 = tpu.memref_squeeze %dma_wait3A_111 : memref<1x4096xf32, #tpu.memory_space<hbm>> -> memref<4096xf32, #tpu.memory_space<hbm>>
      %dma_wait3A_113 = arith.constant 0 : i32
      %dma_wait3A_114 = tpu.memref_slice %arg5[%add3A_54, %dma_wait3A_113] : memref<128x4096xf32, #tpu.memory_space<hbm>> -> memref<1x4096xf32, #tpu.memory_space<hbm>>
      %dma_wait3A_115 = tpu.memref_squeeze %dma_wait3A_114 : memref<1x4096xf32, #tpu.memory_space<hbm>> -> memref<4096xf32, #tpu.memory_space<hbm>>
      tpu.wait_dma2 semaphore(%run_scoped3A : memref<!tpu.dma_semaphore, #tpu.memory_space<semaphore_mem>>) src(%arg9 : memref<4096xf32, #tpu.memory_space<vmem>>) dst(%dma_wait3A_115 : memref<4096xf32, #tpu.memory_space<hbm>>)
      tpu.yield
    }) : () -> ()
    %mul3A_78 = arith.constant 4 : i32
    %mul3A_79 = arith.muli %add3A, %mul3A_78 : i32
    %add3A_80 = arith.constant 3 : i32
    %add3A_81 = arith.addi %mul3A_79, %add3A_80 : i32
    "tpu.region"() ({
      %run_scoped3A = tpu.sem_alloc : memref<!tpu.dma_semaphore, #tpu.memory_space<semaphore_mem>>
      %dma_start3A = arith.constant 0 : i32
      %dma_start3A_105 = tpu.memref_slice %arg3[%add3A_81, %dma_start3A] : memref<128x2048xf32, #tpu.memory_space<hbm>> -> memref<1x2048xf32, #tpu.memory_space<hbm>>
      %dma_start3A_106 = tpu.memref_squeeze %dma_start3A_105 : memref<1x2048xf32, #tpu.memory_space<hbm>> -> memref<2048xf32, #tpu.memory_space<hbm>>
      %dma_start3A_107 = arith.constant 0 : i32
      %dma_start3A_108 = tpu.memref_slice %arg3[%add3A_81, %dma_start3A_107] : memref<128x2048xf32, #tpu.memory_space<hbm>> -> memref<1x2048xf32, #tpu.memory_space<hbm>>
      %dma_start3A_109 = tpu.memref_squeeze %dma_start3A_108 : memref<1x2048xf32, #tpu.memory_space<hbm>> -> memref<2048xf32, #tpu.memory_space<hbm>>
      tpu.enqueue_dma source(%dma_start3A_109 : memref<2048xf32, #tpu.memory_space<hbm>>) target(%arg6 : memref<2048xf32, #tpu.memory_space<vmem>>) target_semaphore(%run_scoped3A : memref<!tpu.dma_semaphore, #tpu.memory_space<semaphore_mem>>)
      %dma_wait3A_110 = arith.constant 0 : i32
      %dma_wait3A_111 = tpu.memref_slice %arg3[%add3A_81, %dma_wait3A_110] : memref<128x2048xf32, #tpu.memory_space<hbm>> -> memref<1x2048xf32, #tpu.memory_space<hbm>>
      %dma_wait3A_112 = tpu.memref_squeeze %dma_wait3A_111 : memref<1x2048xf32, #tpu.memory_space<hbm>> -> memref<2048xf32, #tpu.memory_space<hbm>>
      %dma_wait3A_113 = arith.constant 0 : i32
      %dma_wait3A_114 = tpu.memref_slice %arg3[%add3A_81, %dma_wait3A_113] : memref<128x2048xf32, #tpu.memory_space<hbm>> -> memref<1x2048xf32, #tpu.memory_space<hbm>>
      %dma_wait3A_115 = tpu.memref_squeeze %dma_wait3A_114 : memref<1x2048xf32, #tpu.memory_space<hbm>> -> memref<2048xf32, #tpu.memory_space<hbm>>
      tpu.wait_dma2 semaphore(%run_scoped3A : memref<!tpu.dma_semaphore, #tpu.memory_space<semaphore_mem>>) src(%dma_wait3A_115 : memref<2048xf32, #tpu.memory_space<hbm>>) dst(%arg6 : memref<2048xf32, #tpu.memory_space<vmem>>)
      tpu.yield
    }) : () -> ()
    "tpu.region"() ({
      %run_scoped3A = tpu.sem_alloc : memref<!tpu.dma_semaphore, #tpu.memory_space<semaphore_mem>>
      %dma_start3A = arith.constant 0 : i32
      %dma_start3A_105 = tpu.memref_slice %arg4[%add3A_81, %dma_start3A] : memref<128x16xf32, #tpu.memory_space<hbm>> -> memref<1x16xf32, #tpu.memory_space<hbm>>
      %dma_start3A_106 = tpu.memref_squeeze %dma_start3A_105 : memref<1x16xf32, #tpu.memory_space<hbm>> -> memref<16xf32, #tpu.memory_space<hbm>>
      %dma_start3A_107 = arith.constant 0 : i32
      %dma_start3A_108 = tpu.memref_slice %arg4[%add3A_81, %dma_start3A_107] : memref<128x16xf32, #tpu.memory_space<hbm>> -> memref<1x16xf32, #tpu.memory_space<hbm>>
      %dma_start3A_109 = tpu.memref_squeeze %dma_start3A_108 : memref<1x16xf32, #tpu.memory_space<hbm>> -> memref<16xf32, #tpu.memory_space<hbm>>
      tpu.enqueue_dma source(%dma_start3A_109 : memref<16xf32, #tpu.memory_space<hbm>>) target(%arg7 : memref<16xf32, #tpu.memory_space<vmem>>) target_semaphore(%run_scoped3A : memref<!tpu.dma_semaphore, #tpu.memory_space<semaphore_mem>>)
      %dma_wait3A_110 = arith.constant 0 : i32
      %dma_wait3A_111 = tpu.memref_slice %arg4[%add3A_81, %dma_wait3A_110] : memref<128x16xf32, #tpu.memory_space<hbm>> -> memref<1x16xf32, #tpu.memory_space<hbm>>
      %dma_wait3A_112 = tpu.memref_squeeze %dma_wait3A_111 : memref<1x16xf32, #tpu.memory_space<hbm>> -> memref<16xf32, #tpu.memory_space<hbm>>
      %dma_wait3A_113 = arith.constant 0 : i32
      %dma_wait3A_114 = tpu.memref_slice %arg4[%add3A_81, %dma_wait3A_113] : memref<128x16xf32, #tpu.memory_space<hbm>> -> memref<1x16xf32, #tpu.memory_space<hbm>>
      %dma_wait3A_115 = tpu.memref_squeeze %dma_wait3A_114 : memref<1x16xf32, #tpu.memory_space<hbm>> -> memref<16xf32, #tpu.memory_space<hbm>>
      tpu.wait_dma2 semaphore(%run_scoped3A : memref<!tpu.dma_semaphore, #tpu.memory_space<semaphore_mem>>) src(%dma_wait3A_115 : memref<16xf32, #tpu.memory_space<hbm>>) dst(%arg7 : memref<16xf32, #tpu.memory_space<vmem>>)
      tpu.yield
    }) : () -> ()
    %get3A_82 = arith.constant 0 : index
    %get3A_83 = tpu.vector_load %arg7[%get3A_82] {strides = array<i32>} : memref<16xf32, #tpu.memory_space<vmem>>, vector<16xf32>,
    %mul3A_84 = arith.constant 2048 : i32
    %mul3A_85 = arith.muli %add3A_81, %mul3A_84 : i32
    %scan3A_86 = arith.constant 0 : i32
    %scan3A_87 = arith.constant 0 : i32
    %scan3A_88 = arith.constant 128 : i32
    %scan3A_89 = arith.addi %scan3A_87, %scan3A_88 : i32
    %scan3A_90 = arith.constant 1 : i32
    %scan3A_91 = scf.for %scan3A_105 = %scan3A_87 to %scan3A_89 step %scan3A_90 iter_args(%scan3A_106 = %scan3A_86) -> (i32)  : i32 {
      %mul3A_107 = arith.constant 16 : i32
      %mul3A_108 = arith.muli %scan3A_105, %mul3A_107 : i32
      %get3A_109 = arith.index_cast %mul3A_108 : i32 to index
      %get3A_110 = tpu.vector_load %arg6[%get3A_109] {strides = array<i32>} : memref<2048xf32, #tpu.memory_space<vmem>>, vector<16xf32>,
      %gt3A = arith.cmpf ogt, %get3A_110, %get3A_83 : vector<16xf32>
      %mul3A_111 = arith.constant 16 : i32
      %mul3A_112 = arith.muli %scan3A_105, %mul3A_111 : i32
      %add3A_113 = arith.addi %mul3A_112, %mul3A_85 : i32
      %add3A_114 = vector.broadcast %add3A_113 : i32 to vector<16xi32>
      %add3A_115 = arith.addi %iota3A, %add3A_114 : vector<16xi32>
      %mul3A_116 = arith.constant 16 : i32
      %mul3A_117 = vector.broadcast %mul3A_116 : i32 to vector<16xi32>
      %mul3A_118 = arith.muli %add3A_115, %mul3A_117 : vector<16xi32>
      %swap3A = arith.index_cast %scan3A_106 : i32 to index
      %swap3A_119 = tpu.vector_load %arg8[%swap3A] masked %gt3A {strides = array<i32>} : memref<2080xi32, #tpu.memory_space<vmem>>, vector<16xi32>, vector<16xi1>
      tpu.vector_store %arg8[%swap3A], %mul3A_118 masked %gt3A {strides = array<i32>} : memref<2080xi32, #tpu.memory_space<vmem>>, vector<16xi32>, vector<16xi1>
      %convert_element_type3A = arith.extui %gt3A : vector<16xi1> to vector<16xi32>
      %reduce_sum3A = arith.constant true
      %reduce_sum3A_120 = vector.broadcast %reduce_sum3A : i1 to vector<16xi1>
      %reduce_sum3A_121 = tpu.scan <sum>, %convert_element_type3A masked %reduce_sum3A_120 : vector<16xi32>, vector<16xi1> -> vector<16xi32>
      %reduce_sum3A_122 = vector.extract %reduce_sum3A_121[15] : i32 from vector<16xi32>
      %add3A_123 = arith.addi %scan3A_106, %reduce_sum3A_122 : i32
      scf.yield %add3A_123 : i32
    }
    %scan3A_92 = arith.constant 128 : i32
    %while3A_93 = arith.constant 0 : i32
    %while3A_94:2 = scf.while (%while3A_105 = %while3A_93, %while3A_106 = %scan3A_91) : (i32, i32) -> (i32, i32) {
      %lt3A = arith.constant 128 : i32
      %lt3A_107 = arith.cmpi slt, %while3A_105, %lt3A : i32
      %lt3A_108 = arith.constant 256 : i32
      %lt3A_109 = arith.cmpi slt, %while3A_106, %lt3A_108 : i32
      %and3A = arith.andi %lt3A_107, %lt3A_109 : i1
      scf.condition(%and3A) %while3A_105, %while3A_106 : i32, i32
    } do {
    ^bb0(%while3A_105: i32, %while3A_106: i32):
      %mul3A_107 = arith.constant 16 : i32
      %mul3A_108 = arith.muli %while3A_105, %mul3A_107 : i32
      %get3A_109 = arith.index_cast %mul3A_108 : i32 to index
      %get3A_110 = tpu.vector_load %arg6[%get3A_109] {strides = array<i32>} : memref<2048xf32, #tpu.memory_space<vmem>>, vector<16xf32>,
      %eq3A = arith.cmpf oeq, %get3A_110, %get3A_83 : vector<16xf32>
      %mul3A_111 = arith.constant 16 : i32
      %mul3A_112 = arith.muli %while3A_105, %mul3A_111 : i32
      %add3A_113 = arith.addi %mul3A_112, %mul3A_85 : i32
      %add3A_114 = vector.broadcast %add3A_113 : i32 to vector<16xi32>
      %add3A_115 = arith.addi %iota3A, %add3A_114 : vector<16xi32>
      %mul3A_116 = arith.constant 16 : i32
      %mul3A_117 = vector.broadcast %mul3A_116 : i32 to vector<16xi32>
      %mul3A_118 = arith.muli %add3A_115, %mul3A_117 : vector<16xi32>
      %swap3A = arith.index_cast %while3A_106 : i32 to index
      %swap3A_119 = tpu.vector_load %arg8[%swap3A] masked %eq3A {strides = array<i32>} : memref<2080xi32, #tpu.memory_space<vmem>>, vector<16xi32>, vector<16xi1>
      tpu.vector_store %arg8[%swap3A], %mul3A_118 masked %eq3A {strides = array<i32>} : memref<2080xi32, #tpu.memory_space<vmem>>, vector<16xi32>, vector<16xi1>
      %add3A_120 = arith.constant 1 : i32
      %add3A_121 = arith.addi %while3A_105, %add3A_120 : i32
      %convert_element_type3A = arith.extui %eq3A : vector<16xi1> to vector<16xi32>
      %reduce_sum3A = arith.constant true
      %reduce_sum3A_122 = vector.broadcast %reduce_sum3A : i1 to vector<16xi1>
      %reduce_sum3A_123 = tpu.scan <sum>, %convert_element_type3A masked %reduce_sum3A_122 : vector<16xi32>, vector<16xi1> -> vector<16xi32>
      %reduce_sum3A_124 = vector.extract %reduce_sum3A_123[15] : i32 from vector<16xi32>
      %add3A_125 = arith.addi %while3A_106, %reduce_sum3A_124 : i32
      scf.yield %add3A_121, %add3A_125 : i32, i32
    }
    %scan3A_95 = arith.constant 0 : i32
    %scan3A_96 = arith.constant 0 : i32
    %scan3A_97 = arith.constant 16 : i32
    %scan3A_98 = arith.addi %scan3A_96, %scan3A_97 : i32
    %scan3A_99 = arith.constant 1 : i32
    scf.for %scan3A_105 = %scan3A_96 to %scan3A_98 step %scan3A_99  : i32 {
      %mul3A_106 = arith.constant 16 : i32
      %mul3A_107 = arith.muli %scan3A_105, %mul3A_106 : i32
      %get3A_108 = arith.index_cast %mul3A_107 : i32 to index
      %get3A_109 = tpu.vector_load %arg8[%get3A_108] {strides = array<i32>} : memref<2080xi32, #tpu.memory_space<vmem>>, vector<16xi32>,
      %slice3A = vector.extract_strided_slice %get3A_109 {offsets = [0], sizes = [1], strides = [1]} : vector<16xi32> to vector<1xi32>
      %squeeze3A = vector.extract %slice3A[0] : i32 from vector<1xi32>
      %multiple_of3A = tpu.assume_multiple %squeeze3A, 16 : i32
      %mul3A_110 = arith.constant 16 : i32
      %mul3A_111 = arith.muli %scan3A_105, %mul3A_110 : i32
      %add3A_112 = arith.constant 0 : i32
      %add3A_113 = arith.addi %mul3A_111, %add3A_112 : i32
      %mul3A_114 = arith.constant 16 : i32
      %mul3A_115 = arith.muli %add3A_113, %mul3A_114 : i32
      %dma_start3A = tpu.memref_slice %arg9[%mul3A_115] : memref<4096xf32, #tpu.memory_space<vmem>> -> memref<16xf32, #tpu.memory_space<vmem>>
      %dma_start3A_116 = tpu.memref_slice %arg2[%multiple_of3A] : memref<4194304xf32, #tpu.memory_space<hbm>> -> memref<16xf32, #tpu.memory_space<hbm>>
      %dma_start3A_117 = tpu.memref_slice %arg9[%mul3A_115] : memref<4096xf32, #tpu.memory_space<vmem>> -> memref<16xf32, #tpu.memory_space<vmem>>
      %dma_start3A_118 = tpu.memref_slice %arg2[%multiple_of3A] : memref<4194304xf32, #tpu.memory_space<hbm>> -> memref<16xf32, #tpu.memory_space<hbm>>
      tpu.enqueue_dma source(%dma_start3A_118 : memref<16xf32, #tpu.memory_space<hbm>>) target(%dma_start3A_117 : memref<16xf32, #tpu.memory_space<vmem>>) target_semaphore(%arg10 : memref<!tpu.dma_semaphore, #tpu.memory_space<semaphore_mem>>)
      %slice3A_119 = vector.extract_strided_slice %get3A_109 {offsets = [1], sizes = [1], strides = [1]} : vector<16xi32> to vector<1xi32>
      %squeeze3A_120 = vector.extract %slice3A_119[0] : i32 from vector<1xi32>
      %multiple_of3A_121 = tpu.assume_multiple %squeeze3A_120, 16 : i32
      %mul3A_122 = arith.constant 16 : i32
      %mul3A_123 = arith.muli %scan3A_105, %mul3A_122 : i32
      %add3A_124 = arith.constant 1 : i32
      %add3A_125 = arith.addi %mul3A_123, %add3A_124 : i32
      %mul3A_126 = arith.constant 16 : i32
      %mul3A_127 = arith.muli %add3A_125, %mul3A_126 : i32
      %dma_start3A_128 = tpu.memref_slice %arg9[%mul3A_127] : memref<4096xf32, #tpu.memory_space<vmem>> -> memref<16xf32, #tpu.memory_space<vmem>>
      %dma_start3A_129 = tpu.memref_slice %arg2[%multiple_of3A_121] : memref<4194304xf32, #tpu.memory_space<hbm>> -> memref<16xf32, #tpu.memory_space<hbm>>
      %dma_start3A_130 = tpu.memref_slice %arg9[%mul3A_127] : memref<4096xf32, #tpu.memory_space<vmem>> -> memref<16xf32, #tpu.memory_space<vmem>>
      %dma_start3A_131 = tpu.memref_slice %arg2[%multiple_of3A_121] : memref<4194304xf32, #tpu.memory_space<hbm>> -> memref<16xf32, #tpu.memory_space<hbm>>
      tpu.enqueue_dma source(%dma_start3A_131 : memref<16xf32, #tpu.memory_space<hbm>>) target(%dma_start3A_130 : memref<16xf32, #tpu.memory_space<vmem>>) target_semaphore(%arg10 : memref<!tpu.dma_semaphore, #tpu.memory_space<semaphore_mem>>)
      %slice3A_132 = vector.extract_strided_slice %get3A_109 {offsets = [2], sizes = [1], strides = [1]} : vector<16xi32> to vector<1xi32>
      %squeeze3A_133 = vector.extract %slice3A_132[0] : i32 from vector<1xi32>
      %multiple_of3A_134 = tpu.assume_multiple %squeeze3A_133, 16 : i32
      %mul3A_135 = arith.constant 16 : i32
      %mul3A_136 = arith.muli %scan3A_105, %mul3A_135 : i32
      %add3A_137 = arith.constant 2 : i32
      %add3A_138 = arith.addi %mul3A_136, %add3A_137 : i32
      %mul3A_139 = arith.constant 16 : i32
      %mul3A_140 = arith.muli %add3A_138, %mul3A_139 : i32
      %dma_start3A_141 = tpu.memref_slice %arg9[%mul3A_140] : memref<4096xf32, #tpu.memory_space<vmem>> -> memref<16xf32, #tpu.memory_space<vmem>>
      %dma_start3A_142 = tpu.memref_slice %arg2[%multiple_of3A_134] : memref<4194304xf32, #tpu.memory_space<hbm>> -> memref<16xf32, #tpu.memory_space<hbm>>
      %dma_start3A_143 = tpu.memref_slice %arg9[%mul3A_140] : memref<4096xf32, #tpu.memory_space<vmem>> -> memref<16xf32, #tpu.memory_space<vmem>>
      %dma_start3A_144 = tpu.memref_slice %arg2[%multiple_of3A_134] : memref<4194304xf32, #tpu.memory_space<hbm>> -> memref<16xf32, #tpu.memory_space<hbm>>
      tpu.enqueue_dma source(%dma_start3A_144 : memref<16xf32, #tpu.memory_space<hbm>>) target(%dma_start3A_143 : memref<16xf32, #tpu.memory_space<vmem>>) target_semaphore(%arg10 : memref<!tpu.dma_semaphore, #tpu.memory_space<semaphore_mem>>)
      %slice3A_145 = vector.extract_strided_slice %get3A_109 {offsets = [3], sizes = [1], strides = [1]} : vector<16xi32> to vector<1xi32>
      %squeeze3A_146 = vector.extract %slice3A_145[0] : i32 from vector<1xi32>
      %multiple_of3A_147 = tpu.assume_multiple %squeeze3A_146, 16 : i32
      %mul3A_148 = arith.constant 16 : i32
      %mul3A_149 = arith.muli %scan3A_105, %mul3A_148 : i32
      %add3A_150 = arith.constant 3 : i32
      %add3A_151 = arith.addi %mul3A_149, %add3A_150 : i32
      %mul3A_152 = arith.constant 16 : i32
      %mul3A_153 = arith.muli %add3A_151, %mul3A_152 : i32
      %dma_start3A_154 = tpu.memref_slice %arg9[%mul3A_153] : memref<4096xf32, #tpu.memory_space<vmem>> -> memref<16xf32, #tpu.memory_space<vmem>>
      %dma_start3A_155 = tpu.memref_slice %arg2[%multiple_of3A_147] : memref<4194304xf32, #tpu.memory_space<hbm>> -> memref<16xf32, #tpu.memory_space<hbm>>
      %dma_start3A_156 = tpu.memref_slice %arg9[%mul3A_153] : memref<4096xf32, #tpu.memory_space<vmem>> -> memref<16xf32, #tpu.memory_space<vmem>>
      %dma_start3A_157 = tpu.memref_slice %arg2[%multiple_of3A_147] : memref<4194304xf32, #tpu.memory_space<hbm>> -> memref<16xf32, #tpu.memory_space<hbm>>
      tpu.enqueue_dma source(%dma_start3A_157 : memref<16xf32, #tpu.memory_space<hbm>>) target(%dma_start3A_156 : memref<16xf32, #tpu.memory_space<vmem>>) target_semaphore(%arg10 : memref<!tpu.dma_semaphore, #tpu.memory_space<semaphore_mem>>)
      %slice3A_158 = vector.extract_strided_slice %get3A_109 {offsets = [4], sizes = [1], strides = [1]} : vector<16xi32> to vector<1xi32>
      %squeeze3A_159 = vector.extract %slice3A_158[0] : i32 from vector<1xi32>
      %multiple_of3A_160 = tpu.assume_multiple %squeeze3A_159, 16 : i32
      %mul3A_161 = arith.constant 16 : i32
      %mul3A_162 = arith.muli %scan3A_105, %mul3A_161 : i32
      %add3A_163 = arith.constant 4 : i32
      %add3A_164 = arith.addi %mul3A_162, %add3A_163 : i32
      %mul3A_165 = arith.constant 16 : i32
      %mul3A_166 = arith.muli %add3A_164, %mul3A_165 : i32
      %dma_start3A_167 = tpu.memref_slice %arg9[%mul3A_166] : memref<4096xf32, #tpu.memory_space<vmem>> -> memref<16xf32, #tpu.memory_space<vmem>>
      %dma_start3A_168 = tpu.memref_slice %arg2[%multiple_of3A_160] : memref<4194304xf32, #tpu.memory_space<hbm>> -> memref<16xf32, #tpu.memory_space<hbm>>
      %dma_start3A_169 = tpu.memref_slice %arg9[%mul3A_166] : memref<4096xf32, #tpu.memory_space<vmem>> -> memref<16xf32, #tpu.memory_space<vmem>>
      %dma_start3A_170 = tpu.memref_slice %arg2[%multiple_of3A_160] : memref<4194304xf32, #tpu.memory_space<hbm>> -> memref<16xf32, #tpu.memory_space<hbm>>
      tpu.enqueue_dma source(%dma_start3A_170 : memref<16xf32, #tpu.memory_space<hbm>>) target(%dma_start3A_169 : memref<16xf32, #tpu.memory_space<vmem>>) target_semaphore(%arg10 : memref<!tpu.dma_semaphore, #tpu.memory_space<semaphore_mem>>)
      %slice3A_171 = vector.extract_strided_slice %get3A_109 {offsets = [5], sizes = [1], strides = [1]} : vector<16xi32> to vector<1xi32>
      %squeeze3A_172 = vector.extract %slice3A_171[0] : i32 from vector<1xi32>
      %multiple_of3A_173 = tpu.assume_multiple %squeeze3A_172, 16 : i32
      %mul3A_174 = arith.constant 16 : i32
      %mul3A_175 = arith.muli %scan3A_105, %mul3A_174 : i32
      %add3A_176 = arith.constant 5 : i32
      %add3A_177 = arith.addi %mul3A_175, %add3A_176 : i32
      %mul3A_178 = arith.constant 16 : i32
      %mul3A_179 = arith.muli %add3A_177, %mul3A_178 : i32
      %dma_start3A_180 = tpu.memref_slice %arg9[%mul3A_179] : memref<4096xf32, #tpu.memory_space<vmem>> -> memref<16xf32, #tpu.memory_space<vmem>>
      %dma_start3A_181 = tpu.memref_slice %arg2[%multiple_of3A_173] : memref<4194304xf32, #tpu.memory_space<hbm>> -> memref<16xf32, #tpu.memory_space<hbm>>
      %dma_start3A_182 = tpu.memref_slice %arg9[%mul3A_179] : memref<4096xf32, #tpu.memory_space<vmem>> -> memref<16xf32, #tpu.memory_space<vmem>>
      %dma_start3A_183 = tpu.memref_slice %arg2[%multiple_of3A_173] : memref<4194304xf32, #tpu.memory_space<hbm>> -> memref<16xf32, #tpu.memory_space<hbm>>
      tpu.enqueue_dma source(%dma_start3A_183 : memref<16xf32, #tpu.memory_space<hbm>>) target(%dma_start3A_182 : memref<16xf32, #tpu.memory_space<vmem>>) target_semaphore(%arg10 : memref<!tpu.dma_semaphore, #tpu.memory_space<semaphore_mem>>)
      %slice3A_184 = vector.extract_strided_slice %get3A_109 {offsets = [6], sizes = [1], strides = [1]} : vector<16xi32> to vector<1xi32>
      %squeeze3A_185 = vector.extract %slice3A_184[0] : i32 from vector<1xi32>
      %multiple_of3A_186 = tpu.assume_multiple %squeeze3A_185, 16 : i32
      %mul3A_187 = arith.constant 16 : i32
      %mul3A_188 = arith.muli %scan3A_105, %mul3A_187 : i32
      %add3A_189 = arith.constant 6 : i32
      %add3A_190 = arith.addi %mul3A_188, %add3A_189 : i32
      %mul3A_191 = arith.constant 16 : i32
      %mul3A_192 = arith.muli %add3A_190, %mul3A_191 : i32
      %dma_start3A_193 = tpu.memref_slice %arg9[%mul3A_192] : memref<4096xf32, #tpu.memory_space<vmem>> -> memref<16xf32, #tpu.memory_space<vmem>>
      %dma_start3A_194 = tpu.memref_slice %arg2[%multiple_of3A_186] : memref<4194304xf32, #tpu.memory_space<hbm>> -> memref<16xf32, #tpu.memory_space<hbm>>
      %dma_start3A_195 = tpu.memref_slice %arg9[%mul3A_192] : memref<4096xf32, #tpu.memory_space<vmem>> -> memref<16xf32, #tpu.memory_space<vmem>>
      %dma_start3A_196 = tpu.memref_slice %arg2[%multiple_of3A_186] : memref<4194304xf32, #tpu.memory_space<hbm>> -> memref<16xf32, #tpu.memory_space<hbm>>
      tpu.enqueue_dma source(%dma_start3A_196 : memref<16xf32, #tpu.memory_space<hbm>>) target(%dma_start3A_195 : memref<16xf32, #tpu.memory_space<vmem>>) target_semaphore(%arg10 : memref<!tpu.dma_semaphore, #tpu.memory_space<semaphore_mem>>)
      %slice3A_197 = vector.extract_strided_slice %get3A_109 {offsets = [7], sizes = [1], strides = [1]} : vector<16xi32> to vector<1xi32>
      %squeeze3A_198 = vector.extract %slice3A_197[0] : i32 from vector<1xi32>
      %multiple_of3A_199 = tpu.assume_multiple %squeeze3A_198, 16 : i32
      %mul3A_200 = arith.constant 16 : i32
      %mul3A_201 = arith.muli %scan3A_105, %mul3A_200 : i32
      %add3A_202 = arith.constant 7 : i32
      %add3A_203 = arith.addi %mul3A_201, %add3A_202 : i32
      %mul3A_204 = arith.constant 16 : i32
      %mul3A_205 = arith.muli %add3A_203, %mul3A_204 : i32
      %dma_start3A_206 = tpu.memref_slice %arg9[%mul3A_205] : memref<4096xf32, #tpu.memory_space<vmem>> -> memref<16xf32, #tpu.memory_space<vmem>>
      %dma_start3A_207 = tpu.memref_slice %arg2[%multiple_of3A_199] : memref<4194304xf32, #tpu.memory_space<hbm>> -> memref<16xf32, #tpu.memory_space<hbm>>
      %dma_start3A_208 = tpu.memref_slice %arg9[%mul3A_205] : memref<4096xf32, #tpu.memory_space<vmem>> -> memref<16xf32, #tpu.memory_space<vmem>>
      %dma_start3A_209 = tpu.memref_slice %arg2[%multiple_of3A_199] : memref<4194304xf32, #tpu.memory_space<hbm>> -> memref<16xf32, #tpu.memory_space<hbm>>
      tpu.enqueue_dma source(%dma_start3A_209 : memref<16xf32, #tpu.memory_space<hbm>>) target(%dma_start3A_208 : memref<16xf32, #tpu.memory_space<vmem>>) target_semaphore(%arg10 : memref<!tpu.dma_semaphore, #tpu.memory_space<semaphore_mem>>)
      %slice3A_210 = vector.extract_strided_slice %get3A_109 {offsets = [8], sizes = [1], strides = [1]} : vector<16xi32> to vector<1xi32>
      %squeeze3A_211 = vector.extract %slice3A_210[0] : i32 from vector<1xi32>
      %multiple_of3A_212 = tpu.assume_multiple %squeeze3A_211, 16 : i32
      %mul3A_213 = arith.constant 16 : i32
      %mul3A_214 = arith.muli %scan3A_105, %mul3A_213 : i32
      %add3A_215 = arith.constant 8 : i32
      %add3A_216 = arith.addi %mul3A_214, %add3A_215 : i32
      %mul3A_217 = arith.constant 16 : i32
      %mul3A_218 = arith.muli %add3A_216, %mul3A_217 : i32
      %dma_start3A_219 = tpu.memref_slice %arg9[%mul3A_218] : memref<4096xf32, #tpu.memory_space<vmem>> -> memref<16xf32, #tpu.memory_space<vmem>>
      %dma_start3A_220 = tpu.memref_slice %arg2[%multiple_of3A_212] : memref<4194304xf32, #tpu.memory_space<hbm>> -> memref<16xf32, #tpu.memory_space<hbm>>
      %dma_start3A_221 = tpu.memref_slice %arg9[%mul3A_218] : memref<4096xf32, #tpu.memory_space<vmem>> -> memref<16xf32, #tpu.memory_space<vmem>>
      %dma_start3A_222 = tpu.memref_slice %arg2[%multiple_of3A_212] : memref<4194304xf32, #tpu.memory_space<hbm>> -> memref<16xf32, #tpu.memory_space<hbm>>
      tpu.enqueue_dma source(%dma_start3A_222 : memref<16xf32, #tpu.memory_space<hbm>>) target(%dma_start3A_221 : memref<16xf32, #tpu.memory_space<vmem>>) target_semaphore(%arg10 : memref<!tpu.dma_semaphore, #tpu.memory_space<semaphore_mem>>)
      %slice3A_223 = vector.extract_strided_slice %get3A_109 {offsets = [9], sizes = [1], strides = [1]} : vector<16xi32> to vector<1xi32>
      %squeeze3A_224 = vector.extract %slice3A_223[0] : i32 from vector<1xi32>
      %multiple_of3A_225 = tpu.assume_multiple %squeeze3A_224, 16 : i32
      %mul3A_226 = arith.constant 16 : i32
      %mul3A_227 = arith.muli %scan3A_105, %mul3A_226 : i32
      %add3A_228 = arith.constant 9 : i32
      %add3A_229 = arith.addi %mul3A_227, %add3A_228 : i32
      %mul3A_230 = arith.constant 16 : i32
      %mul3A_231 = arith.muli %add3A_229, %mul3A_230 : i32
      %dma_start3A_232 = tpu.memref_slice %arg9[%mul3A_231] : memref<4096xf32, #tpu.memory_space<vmem>> -> memref<16xf32, #tpu.memory_space<vmem>>
      %dma_start3A_233 = tpu.memref_slice %arg2[%multiple_of3A_225] : memref<4194304xf32, #tpu.memory_space<hbm>> -> memref<16xf32, #tpu.memory_space<hbm>>
      %dma_start3A_234 = tpu.memref_slice %arg9[%mul3A_231] : memref<4096xf32, #tpu.memory_space<vmem>> -> memref<16xf32, #tpu.memory_space<vmem>>
      %dma_start3A_235 = tpu.memref_slice %arg2[%multiple_of3A_225] : memref<4194304xf32, #tpu.memory_space<hbm>> -> memref<16xf32, #tpu.memory_space<hbm>>
      tpu.enqueue_dma source(%dma_start3A_235 : memref<16xf32, #tpu.memory_space<hbm>>) target(%dma_start3A_234 : memref<16xf32, #tpu.memory_space<vmem>>) target_semaphore(%arg10 : memref<!tpu.dma_semaphore, #tpu.memory_space<semaphore_mem>>)
      %slice3A_236 = vector.extract_strided_slice %get3A_109 {offsets = [10], sizes = [1], strides = [1]} : vector<16xi32> to vector<1xi32>
      %squeeze3A_237 = vector.extract %slice3A_236[0] : i32 from vector<1xi32>
      %multiple_of3A_238 = tpu.assume_multiple %squeeze3A_237, 16 : i32
      %mul3A_239 = arith.constant 16 : i32
      %mul3A_240 = arith.muli %scan3A_105, %mul3A_239 : i32
      %add3A_241 = arith.constant 10 : i32
      %add3A_242 = arith.addi %mul3A_240, %add3A_241 : i32
      %mul3A_243 = arith.constant 16 : i32
      %mul3A_244 = arith.muli %add3A_242, %mul3A_243 : i32
      %dma_start3A_245 = tpu.memref_slice %arg9[%mul3A_244] : memref<4096xf32, #tpu.memory_space<vmem>> -> memref<16xf32, #tpu.memory_space<vmem>>
      %dma_start3A_246 = tpu.memref_slice %arg2[%multiple_of3A_238] : memref<4194304xf32, #tpu.memory_space<hbm>> -> memref<16xf32, #tpu.memory_space<hbm>>
      %dma_start3A_247 = tpu.memref_slice %arg9[%mul3A_244] : memref<4096xf32, #tpu.memory_space<vmem>> -> memref<16xf32, #tpu.memory_space<vmem>>
      %dma_start3A_248 = tpu.memref_slice %arg2[%multiple_of3A_238] : memref<4194304xf32, #tpu.memory_space<hbm>> -> memref<16xf32, #tpu.memory_space<hbm>>
      tpu.enqueue_dma source(%dma_start3A_248 : memref<16xf32, #tpu.memory_space<hbm>>) target(%dma_start3A_247 : memref<16xf32, #tpu.memory_space<vmem>>) target_semaphore(%arg10 : memref<!tpu.dma_semaphore, #tpu.memory_space<semaphore_mem>>)
      %slice3A_249 = vector.extract_strided_slice %get3A_109 {offsets = [11], sizes = [1], strides = [1]} : vector<16xi32> to vector<1xi32>
      %squeeze3A_250 = vector.extract %slice3A_249[0] : i32 from vector<1xi32>
      %multiple_of3A_251 = tpu.assume_multiple %squeeze3A_250, 16 : i32
      %mul3A_252 = arith.constant 16 : i32
      %mul3A_253 = arith.muli %scan3A_105, %mul3A_252 : i32
      %add3A_254 = arith.constant 11 : i32
      %add3A_255 = arith.addi %mul3A_253, %add3A_254 : i32
      %mul3A_256 = arith.constant 16 : i32
      %mul3A_257 = arith.muli %add3A_255, %mul3A_256 : i32
      %dma_start3A_258 = tpu.memref_slice %arg9[%mul3A_257] : memref<4096xf32, #tpu.memory_space<vmem>> -> memref<16xf32, #tpu.memory_space<vmem>>
      %dma_start3A_259 = tpu.memref_slice %arg2[%multiple_of3A_251] : memref<4194304xf32, #tpu.memory_space<hbm>> -> memref<16xf32, #tpu.memory_space<hbm>>
      %dma_start3A_260 = tpu.memref_slice %arg9[%mul3A_257] : memref<4096xf32, #tpu.memory_space<vmem>> -> memref<16xf32, #tpu.memory_space<vmem>>
      %dma_start3A_261 = tpu.memref_slice %arg2[%multiple_of3A_251] : memref<4194304xf32, #tpu.memory_space<hbm>> -> memref<16xf32, #tpu.memory_space<hbm>>
      tpu.enqueue_dma source(%dma_start3A_261 : memref<16xf32, #tpu.memory_space<hbm>>) target(%dma_start3A_260 : memref<16xf32, #tpu.memory_space<vmem>>) target_semaphore(%arg10 : memref<!tpu.dma_semaphore, #tpu.memory_space<semaphore_mem>>)
      %slice3A_262 = vector.extract_strided_slice %get3A_109 {offsets = [12], sizes = [1], strides = [1]} : vector<16xi32> to vector<1xi32>
      %squeeze3A_263 = vector.extract %slice3A_262[0] : i32 from vector<1xi32>
      %multiple_of3A_264 = tpu.assume_multiple %squeeze3A_263, 16 : i32
      %mul3A_265 = arith.constant 16 : i32
      %mul3A_266 = arith.muli %scan3A_105, %mul3A_265 : i32
      %add3A_267 = arith.constant 12 : i32
      %add3A_268 = arith.addi %mul3A_266, %add3A_267 : i32
      %mul3A_269 = arith.constant 16 : i32
      %mul3A_270 = arith.muli %add3A_268, %mul3A_269 : i32
      %dma_start3A_271 = tpu.memref_slice %arg9[%mul3A_270] : memref<4096xf32, #tpu.memory_space<vmem>> -> memref<16xf32, #tpu.memory_space<vmem>>
      %dma_start3A_272 = tpu.memref_slice %arg2[%multiple_of3A_264] : memref<4194304xf32, #tpu.memory_space<hbm>> -> memref<16xf32, #tpu.memory_space<hbm>>
      %dma_start3A_273 = tpu.memref_slice %arg9[%mul3A_270] : memref<4096xf32, #tpu.memory_space<vmem>> -> memref<16xf32, #tpu.memory_space<vmem>>
      %dma_start3A_274 = tpu.memref_slice %arg2[%multiple_of3A_264] : memref<4194304xf32, #tpu.memory_space<hbm>> -> memref<16xf32, #tpu.memory_space<hbm>>
      tpu.enqueue_dma source(%dma_start3A_274 : memref<16xf32, #tpu.memory_space<hbm>>) target(%dma_start3A_273 : memref<16xf32, #tpu.memory_space<vmem>>) target_semaphore(%arg10 : memref<!tpu.dma_semaphore, #tpu.memory_space<semaphore_mem>>)
      %slice3A_275 = vector.extract_strided_slice %get3A_109 {offsets = [13], sizes = [1], strides = [1]} : vector<16xi32> to vector<1xi32>
      %squeeze3A_276 = vector.extract %slice3A_275[0] : i32 from vector<1xi32>
      %multiple_of3A_277 = tpu.assume_multiple %squeeze3A_276, 16 : i32
      %mul3A_278 = arith.constant 16 : i32
      %mul3A_279 = arith.muli %scan3A_105, %mul3A_278 : i32
      %add3A_280 = arith.constant 13 : i32
      %add3A_281 = arith.addi %mul3A_279, %add3A_280 : i32
      %mul3A_282 = arith.constant 16 : i32
      %mul3A_283 = arith.muli %add3A_281, %mul3A_282 : i32
      %dma_start3A_284 = tpu.memref_slice %arg9[%mul3A_283] : memref<4096xf32, #tpu.memory_space<vmem>> -> memref<16xf32, #tpu.memory_space<vmem>>
      %dma_start3A_285 = tpu.memref_slice %arg2[%multiple_of3A_277] : memref<4194304xf32, #tpu.memory_space<hbm>> -> memref<16xf32, #tpu.memory_space<hbm>>
      %dma_start3A_286 = tpu.memref_slice %arg9[%mul3A_283] : memref<4096xf32, #tpu.memory_space<vmem>> -> memref<16xf32, #tpu.memory_space<vmem>>
      %dma_start3A_287 = tpu.memref_slice %arg2[%multiple_of3A_277] : memref<4194304xf32, #tpu.memory_space<hbm>> -> memref<16xf32, #tpu.memory_space<hbm>>
      tpu.enqueue_dma source(%dma_start3A_287 : memref<16xf32, #tpu.memory_space<hbm>>) target(%dma_start3A_286 : memref<16xf32, #tpu.memory_space<vmem>>) target_semaphore(%arg10 : memref<!tpu.dma_semaphore, #tpu.memory_space<semaphore_mem>>)
      %slice3A_288 = vector.extract_strided_slice %get3A_109 {offsets = [14], sizes = [1], strides = [1]} : vector<16xi32> to vector<1xi32>
      %squeeze3A_289 = vector.extract %slice3A_288[0] : i32 from vector<1xi32>
      %multiple_of3A_290 = tpu.assume_multiple %squeeze3A_289, 16 : i32
      %mul3A_291 = arith.constant 16 : i32
      %mul3A_292 = arith.muli %scan3A_105, %mul3A_291 : i32
      %add3A_293 = arith.constant 14 : i32
      %add3A_294 = arith.addi %mul3A_292, %add3A_293 : i32
      %mul3A_295 = arith.constant 16 : i32
      %mul3A_296 = arith.muli %add3A_294, %mul3A_295 : i32
      %dma_start3A_297 = tpu.memref_slice %arg9[%mul3A_296] : memref<4096xf32, #tpu.memory_space<vmem>> -> memref<16xf32, #tpu.memory_space<vmem>>
      %dma_start3A_298 = tpu.memref_slice %arg2[%multiple_of3A_290] : memref<4194304xf32, #tpu.memory_space<hbm>> -> memref<16xf32, #tpu.memory_space<hbm>>
      %dma_start3A_299 = tpu.memref_slice %arg9[%mul3A_296] : memref<4096xf32, #tpu.memory_space<vmem>> -> memref<16xf32, #tpu.memory_space<vmem>>
      %dma_start3A_300 = tpu.memref_slice %arg2[%multiple_of3A_290] : memref<4194304xf32, #tpu.memory_space<hbm>> -> memref<16xf32, #tpu.memory_space<hbm>>
      tpu.enqueue_dma source(%dma_start3A_300 : memref<16xf32, #tpu.memory_space<hbm>>) target(%dma_start3A_299 : memref<16xf32, #tpu.memory_space<vmem>>) target_semaphore(%arg10 : memref<!tpu.dma_semaphore, #tpu.memory_space<semaphore_mem>>)
      %slice3A_301 = vector.extract_strided_slice %get3A_109 {offsets = [15], sizes = [1], strides = [1]} : vector<16xi32> to vector<1xi32>
      %squeeze3A_302 = vector.extract %slice3A_301[0] : i32 from vector<1xi32>
      %multiple_of3A_303 = tpu.assume_multiple %squeeze3A_302, 16 : i32
      %mul3A_304 = arith.constant 16 : i32
      %mul3A_305 = arith.muli %scan3A_105, %mul3A_304 : i32
      %add3A_306 = arith.constant 15 : i32
      %add3A_307 = arith.addi %mul3A_305, %add3A_306 : i32
      %mul3A_308 = arith.constant 16 : i32
      %mul3A_309 = arith.muli %add3A_307, %mul3A_308 : i32
      %dma_start3A_310 = tpu.memref_slice %arg9[%mul3A_309] : memref<4096xf32, #tpu.memory_space<vmem>> -> memref<16xf32, #tpu.memory_space<vmem>>
      %dma_start3A_311 = tpu.memref_slice %arg2[%multiple_of3A_303] : memref<4194304xf32, #tpu.memory_space<hbm>> -> memref<16xf32, #tpu.memory_space<hbm>>
      %dma_start3A_312 = tpu.memref_slice %arg9[%mul3A_309] : memref<4096xf32, #tpu.memory_space<vmem>> -> memref<16xf32, #tpu.memory_space<vmem>>
      %dma_start3A_313 = tpu.memref_slice %arg2[%multiple_of3A_303] : memref<4194304xf32, #tpu.memory_space<hbm>> -> memref<16xf32, #tpu.memory_space<hbm>>
      tpu.enqueue_dma source(%dma_start3A_313 : memref<16xf32, #tpu.memory_space<hbm>>) target(%dma_start3A_312 : memref<16xf32, #tpu.memory_space<vmem>>) target_semaphore(%arg10 : memref<!tpu.dma_semaphore, #tpu.memory_space<semaphore_mem>>)
    }
    %scan3A_100 = arith.constant 16 : i32
    %dma_wait3A_101 = arith.constant 0 : i32
    %dma_wait3A_102 = tpu.memref_slice %arg2[%dma_wait3A_101] : memref<4194304xf32, #tpu.memory_space<hbm>> -> memref<4096xf32, #tpu.memory_space<hbm>>
    %dma_wait3A_103 = arith.constant 0 : i32
    %dma_wait3A_104 = tpu.memref_slice %arg2[%dma_wait3A_103] : memref<4194304xf32, #tpu.memory_space<hbm>> -> memref<4096xf32, #tpu.memory_space<hbm>>
    tpu.wait_dma2 semaphore(%arg10 : memref<!tpu.dma_semaphore, #tpu.memory_space<semaphore_mem>>) src(%dma_wait3A_104 : memref<4096xf32, #tpu.memory_space<hbm>>) dst(%arg9 : memref<4096xf32, #tpu.memory_space<vmem>>)
    "tpu.region"() ({
      %run_scoped3A = tpu.sem_alloc : memref<!tpu.dma_semaphore, #tpu.memory_space<semaphore_mem>>
      %dma_start3A = arith.constant 0 : i32
      %dma_start3A_105 = tpu.memref_slice %arg5[%add3A_81, %dma_start3A] : memref<128x4096xf32, #tpu.memory_space<hbm>> -> memref<1x4096xf32, #tpu.memory_space<hbm>>
      %dma_start3A_106 = tpu.memref_squeeze %dma_start3A_105 : memref<1x4096xf32, #tpu.memory_space<hbm>> -> memref<4096xf32, #tpu.memory_space<hbm>>
      %dma_start3A_107 = arith.constant 0 : i32
      %dma_start3A_108 = tpu.memref_slice %arg5[%add3A_81, %dma_start3A_107] : memref<128x4096xf32, #tpu.memory_space<hbm>> -> memref<1x4096xf32, #tpu.memory_space<hbm>>
      %dma_start3A_109 = tpu.memref_squeeze %dma_start3A_108 : memref<1x4096xf32, #tpu.memory_space<hbm>> -> memref<4096xf32, #tpu.memory_space<hbm>>
      tpu.enqueue_dma source(%arg9 : memref<4096xf32, #tpu.memory_space<vmem>>) target(%dma_start3A_109 : memref<4096xf32, #tpu.memory_space<hbm>>) target_semaphore(%run_scoped3A : memref<!tpu.dma_semaphore, #tpu.memory_space<semaphore_mem>>)
      %dma_wait3A_110 = arith.constant 0 : i32
      %dma_wait3A_111 = tpu.memref_slice %arg5[%add3A_81, %dma_wait3A_110] : memref<128x4096xf32, #tpu.memory_space<hbm>> -> memref<1x4096xf32, #tpu.memory_space<hbm>>
      %dma_wait3A_112 = tpu.memref_squeeze %dma_wait3A_111 : memref<1x4096xf32, #tpu.memory_space<hbm>> -> memref<4096xf32, #tpu.memory_space<hbm>>
      %dma_wait3A_113 = arith.constant 0 : i32
      %dma_wait3A_114 = tpu.memref_slice %arg5[%add3A_81, %dma_wait3A_113] : memref<128x4096xf32, #tpu.memory_space<hbm>> -> memref<1x4096xf32, #tpu.memory_space<hbm>>
      %dma_wait3A_115 = tpu.memref_squeeze %dma_wait3A_114 : memref<1x4096xf32, #tpu.memory_space<hbm>> -> memref<4096xf32, #tpu.memory_space<hbm>>
      tpu.wait_dma2 semaphore(%run_scoped3A : memref<!tpu.dma_semaphore, #tpu.memory_space<semaphore_mem>>) src(%arg9 : memref<4096xf32, #tpu.memory_space<vmem>>) dst(%dma_wait3A_115 : memref<4096xf32, #tpu.memory_space<hbm>>)
      tpu.yield
    }) : () -> ()
    return
  }
}

module attributes {stable_mosaic.version = 14 : i64} {
  func.func @_stage_a1_body(%arg0: i32, %arg1: memref<8x32768xf32, #tpu.memory_space<vmem>>, %arg2: memref<8x32768xf32, #tpu.memory_space<vmem>>) attributes {dimension_semantics = [#tpu.dimension_semantics<parallel>], iteration_bounds = array<i64: 16>, scalar_prefetch = 0 : i64, scratch_operands = 0 : i64, tpu.core_type = #tpu.core_type<tc>, window_params = [{transform_indices = @transform_0, window_bounds = array<i64: 8, 32768>}, {transform_indices = @transform_1, window_bounds = array<i64: 8, 32768>}]} {
    %get3A = arith.constant 0 : index
    %get3A_0 = arith.constant 0 : index
    %get3A_1 = vector.load %arg1[%get3A, %get3A_0] : memref<8x32768xf32, #tpu.memory_space<vmem>>, vector<8x32768xf32>
    %iota3A = tpu.iota {dimensions = array<i32: 1>} : vector<8x32768xi32>
    %jit3A = arith.constant 16 : i32
    %eq3A = arith.constant 0 : i32
    %eq3A_2 = arith.cmpi eq, %jit3A, %eq3A : i32
    %jit3A_3 = arith.constant 1 : i32
    %select_n3A = arith.select %eq3A_2, %jit3A_3, %jit3A : i32
    %rem3A = vector.broadcast %select_n3A : i32 to vector<8x32768xi32>
    %rem3A_4 = arith.remsi %iota3A, %rem3A : vector<8x32768xi32>
    %ne3A = arith.constant 0 : i32
    %ne3A_5 = vector.broadcast %ne3A : i32 to vector<8x32768xi32>
    %ne3A_6 = arith.cmpi ne, %rem3A_4, %ne3A_5 : vector<8x32768xi32>
    %lt3A = arith.constant 0 : i32
    %lt3A_7 = vector.broadcast %lt3A : i32 to vector<8x32768xi32>
    %lt3A_8 = arith.cmpi slt, %rem3A_4, %lt3A_7 : vector<8x32768xi32>
    %lt3A_9 = arith.constant 0 : i32
    %lt3A_10 = arith.cmpi slt, %select_n3A, %lt3A_9 : i32
    %ne3A_11 = vector.broadcast %lt3A_10 : i1 to vector<8x32768xi1>
    %ne3A_12 = vector.broadcast %ne3A_11 : vector<8x32768xi1> to vector<8x32768xi1>
    %ne3A_13 = arith.xori %lt3A_8, %ne3A_12 : vector<8x32768xi1>
    %and3A = arith.andi %ne3A_13, %ne3A_6 : vector<8x32768xi1>
    %add3A = vector.broadcast %select_n3A : i32 to vector<8x32768xi32>
    %add3A_14 = arith.addi %rem3A_4, %add3A : vector<8x32768xi32>
    %select_n3A_15 = arith.select %and3A, %add3A_14, %rem3A_4 : vector<8x32768xi1>, vector<8x32768xi32>
    %slice3A = vector.extract_strided_slice %get3A_1 {offsets = [0, 1], sizes = [8, 32767], strides = [1, 1]} : vector<8x32768xf32> to vector<8x32767xf32>
    %broadcast_in_dim3A = arith.constant 0xFF800000 : f32
    %broadcast_in_dim3A_16 = vector.broadcast %broadcast_in_dim3A : f32 to vector<8x1xf32>
    %concatenate3A = tpu.concatenate %slice3A, %broadcast_in_dim3A_16 in 1 : vector<8x32767xf32>, vector<8x1xf32> -> vector<8x32768xf32>
    %lt3A_17 = arith.constant 15 : i32
    %lt3A_18 = vector.broadcast %lt3A_17 : i32 to vector<8x32768xi32>
    %lt3A_19 = arith.cmpi slt, %select_n3A_15, %lt3A_18 : vector<8x32768xi32>
    %max3A = arith.maximumf %get3A_1, %concatenate3A : vector<8x32768xf32>
    %select_n3A_20 = arith.select %lt3A_19, %max3A, %get3A_1 : vector<8x32768xi1>, vector<8x32768xf32>
    %slice3A_21 = vector.extract_strided_slice %select_n3A_20 {offsets = [0, 2], sizes = [8, 32766], strides = [1, 1]} : vector<8x32768xf32> to vector<8x32766xf32>
    %broadcast_in_dim3A_22 = arith.constant 0xFF800000 : f32
    %broadcast_in_dim3A_23 = vector.broadcast %broadcast_in_dim3A_22 : f32 to vector<8x2xf32>
    %concatenate3A_24 = tpu.concatenate %slice3A_21, %broadcast_in_dim3A_23 in 1 : vector<8x32766xf32>, vector<8x2xf32> -> vector<8x32768xf32>
    %lt3A_25 = arith.constant 14 : i32
    %lt3A_26 = vector.broadcast %lt3A_25 : i32 to vector<8x32768xi32>
    %lt3A_27 = arith.cmpi slt, %select_n3A_15, %lt3A_26 : vector<8x32768xi32>
    %max3A_28 = arith.maximumf %select_n3A_20, %concatenate3A_24 : vector<8x32768xf32>
    %select_n3A_29 = arith.select %lt3A_27, %max3A_28, %select_n3A_20 : vector<8x32768xi1>, vector<8x32768xf32>
    %slice3A_30 = vector.extract_strided_slice %select_n3A_29 {offsets = [0, 4], sizes = [8, 32764], strides = [1, 1]} : vector<8x32768xf32> to vector<8x32764xf32>
    %broadcast_in_dim3A_31 = arith.constant 0xFF800000 : f32
    %broadcast_in_dim3A_32 = vector.broadcast %broadcast_in_dim3A_31 : f32 to vector<8x4xf32>
    %concatenate3A_33 = tpu.concatenate %slice3A_30, %broadcast_in_dim3A_32 in 1 : vector<8x32764xf32>, vector<8x4xf32> -> vector<8x32768xf32>
    %lt3A_34 = arith.constant 12 : i32
    %lt3A_35 = vector.broadcast %lt3A_34 : i32 to vector<8x32768xi32>
    %lt3A_36 = arith.cmpi slt, %select_n3A_15, %lt3A_35 : vector<8x32768xi32>
    %max3A_37 = arith.maximumf %select_n3A_29, %concatenate3A_33 : vector<8x32768xf32>
    %select_n3A_38 = arith.select %lt3A_36, %max3A_37, %select_n3A_29 : vector<8x32768xi1>, vector<8x32768xf32>
    %slice3A_39 = vector.extract_strided_slice %select_n3A_38 {offsets = [0, 8], sizes = [8, 32760], strides = [1, 1]} : vector<8x32768xf32> to vector<8x32760xf32>
    %broadcast_in_dim3A_40 = arith.constant 0xFF800000 : f32
    %broadcast_in_dim3A_41 = vector.broadcast %broadcast_in_dim3A_40 : f32 to vector<8x8xf32>
    %concatenate3A_42 = tpu.concatenate %slice3A_39, %broadcast_in_dim3A_41 in 1 : vector<8x32760xf32>, vector<8x8xf32> -> vector<8x32768xf32>
    %lt3A_43 = arith.constant 8 : i32
    %lt3A_44 = vector.broadcast %lt3A_43 : i32 to vector<8x32768xi32>
    %lt3A_45 = arith.cmpi slt, %select_n3A_15, %lt3A_44 : vector<8x32768xi32>
    %max3A_46 = arith.maximumf %select_n3A_38, %concatenate3A_42 : vector<8x32768xf32>
    %select_n3A_47 = arith.select %lt3A_45, %max3A_46, %select_n3A_38 : vector<8x32768xi1>, vector<8x32768xf32>
    %swap3A = arith.constant 0 : index
    %swap3A_48 = arith.constant 0 : index
    %swap3A_49 = vector.load %arg2[%swap3A, %swap3A_48] : memref<8x32768xf32, #tpu.memory_space<vmem>>, vector<8x32768xf32>
    tpu.vector_store %arg2[%swap3A, %swap3A_48], %select_n3A_47 {strides = array<i32>} : memref<8x32768xf32, #tpu.memory_space<vmem>>, vector<8x32768xf32>,
    return
  }
  func.func @transform_0(%arg0: i32) -> (i32, i32) {
    %c0_i32 = arith.constant 0 : i32
    %c0_i32_0 = arith.constant 0 : i32
    return %arg0, %c0_i32 : i32, i32
  }
  func.func @transform_1(%arg0: i32) -> (i32, i32) {
    %c0_i32 = arith.constant 0 : i32
    %c0_i32_0 = arith.constant 0 : i32
    return %arg0, %c0_i32 : i32, i32
  }
}

module attributes {stable_mosaic.version = 14 : i64} {
  func.func @_stage_a2_body(%arg0: i32, %arg1: memref<128x2048xf32, #tpu.memory_space<vmem>>, %arg2: memref<128x16xf32, #tpu.memory_space<vmem>>) attributes {dimension_semantics = [#tpu.dimension_semantics<arbitrary>], iteration_bounds = array<i64: 1>, scalar_prefetch = 0 : i64, scratch_operands = 0 : i64, tpu.core_type = #tpu.core_type<tc>, window_params = [{pipeline_mode = #tpu.pipeline_mode<synchronous>, transform_indices = @transform_0, window_bounds = array<i64: 128, 2048>}, {pipeline_mode = #tpu.pipeline_mode<synchronous>, transform_indices = @transform_1, window_bounds = array<i64: 128, 16>}]} {
    %get3A = arith.constant 0 : index
    %get3A_0 = arith.constant 0 : index
    %get3A_1 = vector.load %arg1[%get3A, %get3A_0] : memref<128x2048xf32, #tpu.memory_space<vmem>>, vector<128x2048xf32>
    %bitcast_convert_type3A = tpu.bitcast %get3A_1 : vector<128x2048xf32> -> vector<128x2048xi32>
    %ge3A = arith.constant 0 : i32
    %ge3A_2 = vector.broadcast %ge3A : i32 to vector<128x2048xi32>
    %ge3A_3 = arith.cmpi sge, %bitcast_convert_type3A, %ge3A_2 : vector<128x2048xi32>
    %xor3A = arith.constant 2147483647 : i32
    %xor3A_4 = vector.broadcast %xor3A : i32 to vector<128x2048xi32>
    %xor3A_5 = arith.xori %bitcast_convert_type3A, %xor3A_4 : vector<128x2048xi32>
    %select_n3A = arith.select %ge3A_3, %bitcast_convert_type3A, %xor3A_5 : vector<128x2048xi1>, vector<128x2048xi32>
    %broadcast_in_dim3A = arith.constant -2147483648 : i32
    %broadcast_in_dim3A_6 = vector.broadcast %broadcast_in_dim3A : i32 to vector<128x1xi32>
    %add3A = arith.constant -2147483648 : i32
    %add3A_7 = vector.broadcast %add3A : i32 to vector<128x1xi32>
    %add3A_8 = arith.addi %broadcast_in_dim3A_6, %add3A_7 : vector<128x1xi32>
    %ge3A_9 = vector.broadcast %add3A_8 : vector<128x1xi32> to vector<128x2048xi32>
    %ge3A_10 = arith.cmpi sge, %select_n3A, %ge3A_9 : vector<128x2048xi32>
    %convert_element_type3A = arith.extui %ge3A_10 : vector<128x2048xi1> to vector<128x2048xi32>
    %reduce_sum3A = arith.constant dense<0> : vector<128xi32>
    %reduce_sum3A_11 = vector.multi_reduction <add>, %convert_element_type3A, %reduce_sum3A [1] : vector<128x2048xi32> to vector<128xi32>
    %broadcast_in_dim3A_12 = vector.shape_cast %reduce_sum3A_11 : vector<128xi32> to vector<128x1xi32>
    %ge3A_13 = arith.constant 256 : i32
    %ge3A_14 = vector.broadcast %ge3A_13 : i32 to vector<128x1xi32>
    %ge3A_15 = arith.cmpi sge, %broadcast_in_dim3A_12, %ge3A_14 : vector<128x1xi32>
    %select_n3A_16 = arith.select %ge3A_15, %add3A_8, %broadcast_in_dim3A_6 : vector<128x1xi1>, vector<128x1xi32>
    %add3A_17 = arith.constant 1073741824 : i32
    %add3A_18 = vector.broadcast %add3A_17 : i32 to vector<128x1xi32>
    %add3A_19 = arith.addi %select_n3A_16, %add3A_18 : vector<128x1xi32>
    %ge3A_20 = vector.broadcast %add3A_19 : vector<128x1xi32> to vector<128x2048xi32>
    %ge3A_21 = arith.cmpi sge, %select_n3A, %ge3A_20 : vector<128x2048xi32>
    %convert_element_type3A_22 = arith.extui %ge3A_21 : vector<128x2048xi1> to vector<128x2048xi32>
    %reduce_sum3A_23 = arith.constant dense<0> : vector<128xi32>
    %reduce_sum3A_24 = vector.multi_reduction <add>, %convert_element_type3A_22, %reduce_sum3A_23 [1] : vector<128x2048xi32> to vector<128xi32>
    %broadcast_in_dim3A_25 = vector.shape_cast %reduce_sum3A_24 : vector<128xi32> to vector<128x1xi32>
    %ge3A_26 = arith.constant 256 : i32
    %ge3A_27 = vector.broadcast %ge3A_26 : i32 to vector<128x1xi32>
    %ge3A_28 = arith.cmpi sge, %broadcast_in_dim3A_25, %ge3A_27 : vector<128x1xi32>
    %select_n3A_29 = arith.select %ge3A_28, %add3A_19, %select_n3A_16 : vector<128x1xi1>, vector<128x1xi32>
    %add3A_30 = arith.constant 536870912 : i32
    %add3A_31 = vector.broadcast %add3A_30 : i32 to vector<128x1xi32>
    %add3A_32 = arith.addi %select_n3A_29, %add3A_31 : vector<128x1xi32>
    %ge3A_33 = vector.broadcast %add3A_32 : vector<128x1xi32> to vector<128x2048xi32>
    %ge3A_34 = arith.cmpi sge, %select_n3A, %ge3A_33 : vector<128x2048xi32>
    %convert_element_type3A_35 = arith.extui %ge3A_34 : vector<128x2048xi1> to vector<128x2048xi32>
    %reduce_sum3A_36 = arith.constant dense<0> : vector<128xi32>
    %reduce_sum3A_37 = vector.multi_reduction <add>, %convert_element_type3A_35, %reduce_sum3A_36 [1] : vector<128x2048xi32> to vector<128xi32>
    %broadcast_in_dim3A_38 = vector.shape_cast %reduce_sum3A_37 : vector<128xi32> to vector<128x1xi32>
    %ge3A_39 = arith.constant 256 : i32
    %ge3A_40 = vector.broadcast %ge3A_39 : i32 to vector<128x1xi32>
    %ge3A_41 = arith.cmpi sge, %broadcast_in_dim3A_38, %ge3A_40 : vector<128x1xi32>
    %select_n3A_42 = arith.select %ge3A_41, %add3A_32, %select_n3A_29 : vector<128x1xi1>, vector<128x1xi32>
    %add3A_43 = arith.constant 268435456 : i32
    %add3A_44 = vector.broadcast %add3A_43 : i32 to vector<128x1xi32>
    %add3A_45 = arith.addi %select_n3A_42, %add3A_44 : vector<128x1xi32>
    %ge3A_46 = vector.broadcast %add3A_45 : vector<128x1xi32> to vector<128x2048xi32>
    %ge3A_47 = arith.cmpi sge, %select_n3A, %ge3A_46 : vector<128x2048xi32>
    %convert_element_type3A_48 = arith.extui %ge3A_47 : vector<128x2048xi1> to vector<128x2048xi32>
    %reduce_sum3A_49 = arith.constant dense<0> : vector<128xi32>
    %reduce_sum3A_50 = vector.multi_reduction <add>, %convert_element_type3A_48, %reduce_sum3A_49 [1] : vector<128x2048xi32> to vector<128xi32>
    %broadcast_in_dim3A_51 = vector.shape_cast %reduce_sum3A_50 : vector<128xi32> to vector<128x1xi32>
    %ge3A_52 = arith.constant 256 : i32
    %ge3A_53 = vector.broadcast %ge3A_52 : i32 to vector<128x1xi32>
    %ge3A_54 = arith.cmpi sge, %broadcast_in_dim3A_51, %ge3A_53 : vector<128x1xi32>
    %select_n3A_55 = arith.select %ge3A_54, %add3A_45, %select_n3A_42 : vector<128x1xi1>, vector<128x1xi32>
    %add3A_56 = arith.constant 134217728 : i32
    %add3A_57 = vector.broadcast %add3A_56 : i32 to vector<128x1xi32>
    %add3A_58 = arith.addi %select_n3A_55, %add3A_57 : vector<128x1xi32>
    %ge3A_59 = vector.broadcast %add3A_58 : vector<128x1xi32> to vector<128x2048xi32>
    %ge3A_60 = arith.cmpi sge, %select_n3A, %ge3A_59 : vector<128x2048xi32>
    %convert_element_type3A_61 = arith.extui %ge3A_60 : vector<128x2048xi1> to vector<128x2048xi32>
    %reduce_sum3A_62 = arith.constant dense<0> : vector<128xi32>
    %reduce_sum3A_63 = vector.multi_reduction <add>, %convert_element_type3A_61, %reduce_sum3A_62 [1] : vector<128x2048xi32> to vector<128xi32>
    %broadcast_in_dim3A_64 = vector.shape_cast %reduce_sum3A_63 : vector<128xi32> to vector<128x1xi32>
    %ge3A_65 = arith.constant 256 : i32
    %ge3A_66 = vector.broadcast %ge3A_65 : i32 to vector<128x1xi32>
    %ge3A_67 = arith.cmpi sge, %broadcast_in_dim3A_64, %ge3A_66 : vector<128x1xi32>
    %select_n3A_68 = arith.select %ge3A_67, %add3A_58, %select_n3A_55 : vector<128x1xi1>, vector<128x1xi32>
    %add3A_69 = arith.constant 67108864 : i32
    %add3A_70 = vector.broadcast %add3A_69 : i32 to vector<128x1xi32>
    %add3A_71 = arith.addi %select_n3A_68, %add3A_70 : vector<128x1xi32>
    %ge3A_72 = vector.broadcast %add3A_71 : vector<128x1xi32> to vector<128x2048xi32>
    %ge3A_73 = arith.cmpi sge, %select_n3A, %ge3A_72 : vector<128x2048xi32>
    %convert_element_type3A_74 = arith.extui %ge3A_73 : vector<128x2048xi1> to vector<128x2048xi32>
    %reduce_sum3A_75 = arith.constant dense<0> : vector<128xi32>
    %reduce_sum3A_76 = vector.multi_reduction <add>, %convert_element_type3A_74, %reduce_sum3A_75 [1] : vector<128x2048xi32> to vector<128xi32>
    %broadcast_in_dim3A_77 = vector.shape_cast %reduce_sum3A_76 : vector<128xi32> to vector<128x1xi32>
    %ge3A_78 = arith.constant 256 : i32
    %ge3A_79 = vector.broadcast %ge3A_78 : i32 to vector<128x1xi32>
    %ge3A_80 = arith.cmpi sge, %broadcast_in_dim3A_77, %ge3A_79 : vector<128x1xi32>
    %select_n3A_81 = arith.select %ge3A_80, %add3A_71, %select_n3A_68 : vector<128x1xi1>, vector<128x1xi32>
    %add3A_82 = arith.constant 33554432 : i32
    %add3A_83 = vector.broadcast %add3A_82 : i32 to vector<128x1xi32>
    %add3A_84 = arith.addi %select_n3A_81, %add3A_83 : vector<128x1xi32>
    %ge3A_85 = vector.broadcast %add3A_84 : vector<128x1xi32> to vector<128x2048xi32>
    %ge3A_86 = arith.cmpi sge, %select_n3A, %ge3A_85 : vector<128x2048xi32>
    %convert_element_type3A_87 = arith.extui %ge3A_86 : vector<128x2048xi1> to vector<128x2048xi32>
    %reduce_sum3A_88 = arith.constant dense<0> : vector<128xi32>
    %reduce_sum3A_89 = vector.multi_reduction <add>, %convert_element_type3A_87, %reduce_sum3A_88 [1] : vector<128x2048xi32> to vector<128xi32>
    %broadcast_in_dim3A_90 = vector.shape_cast %reduce_sum3A_89 : vector<128xi32> to vector<128x1xi32>
    %ge3A_91 = arith.constant 256 : i32
    %ge3A_92 = vector.broadcast %ge3A_91 : i32 to vector<128x1xi32>
    %ge3A_93 = arith.cmpi sge, %broadcast_in_dim3A_90, %ge3A_92 : vector<128x1xi32>
    %select_n3A_94 = arith.select %ge3A_93, %add3A_84, %select_n3A_81 : vector<128x1xi1>, vector<128x1xi32>
    %add3A_95 = arith.constant 16777216 : i32
    %add3A_96 = vector.broadcast %add3A_95 : i32 to vector<128x1xi32>
    %add3A_97 = arith.addi %select_n3A_94, %add3A_96 : vector<128x1xi32>
    %ge3A_98 = vector.broadcast %add3A_97 : vector<128x1xi32> to vector<128x2048xi32>
    %ge3A_99 = arith.cmpi sge, %select_n3A, %ge3A_98 : vector<128x2048xi32>
    %convert_element_type3A_100 = arith.extui %ge3A_99 : vector<128x2048xi1> to vector<128x2048xi32>
    %reduce_sum3A_101 = arith.constant dense<0> : vector<128xi32>
    %reduce_sum3A_102 = vector.multi_reduction <add>, %convert_element_type3A_100, %reduce_sum3A_101 [1] : vector<128x2048xi32> to vector<128xi32>
    %broadcast_in_dim3A_103 = vector.shape_cast %reduce_sum3A_102 : vector<128xi32> to vector<128x1xi32>
    %ge3A_104 = arith.constant 256 : i32
    %ge3A_105 = vector.broadcast %ge3A_104 : i32 to vector<128x1xi32>
    %ge3A_106 = arith.cmpi sge, %broadcast_in_dim3A_103, %ge3A_105 : vector<128x1xi32>
    %select_n3A_107 = arith.select %ge3A_106, %add3A_97, %select_n3A_94 : vector<128x1xi1>, vector<128x1xi32>
    %add3A_108 = arith.constant 8388608 : i32
    %add3A_109 = vector.broadcast %add3A_108 : i32 to vector<128x1xi32>
    %add3A_110 = arith.addi %select_n3A_107, %add3A_109 : vector<128x1xi32>
    %ge3A_111 = vector.broadcast %add3A_110 : vector<128x1xi32> to vector<128x2048xi32>
    %ge3A_112 = arith.cmpi sge, %select_n3A, %ge3A_111 : vector<128x2048xi32>
    %convert_element_type3A_113 = arith.extui %ge3A_112 : vector<128x2048xi1> to vector<128x2048xi32>
    %reduce_sum3A_114 = arith.constant dense<0> : vector<128xi32>
    %reduce_sum3A_115 = vector.multi_reduction <add>, %convert_element_type3A_113, %reduce_sum3A_114 [1] : vector<128x2048xi32> to vector<128xi32>
    %broadcast_in_dim3A_116 = vector.shape_cast %reduce_sum3A_115 : vector<128xi32> to vector<128x1xi32>
    %ge3A_117 = arith.constant 256 : i32
    %ge3A_118 = vector.broadcast %ge3A_117 : i32 to vector<128x1xi32>
    %ge3A_119 = arith.cmpi sge, %broadcast_in_dim3A_116, %ge3A_118 : vector<128x1xi32>
    %select_n3A_120 = arith.select %ge3A_119, %add3A_110, %select_n3A_107 : vector<128x1xi1>, vector<128x1xi32>
    %add3A_121 = arith.constant 4194304 : i32
    %add3A_122 = vector.broadcast %add3A_121 : i32 to vector<128x1xi32>
    %add3A_123 = arith.addi %select_n3A_120, %add3A_122 : vector<128x1xi32>
    %ge3A_124 = vector.broadcast %add3A_123 : vector<128x1xi32> to vector<128x2048xi32>
    %ge3A_125 = arith.cmpi sge, %select_n3A, %ge3A_124 : vector<128x2048xi32>
    %convert_element_type3A_126 = arith.extui %ge3A_125 : vector<128x2048xi1> to vector<128x2048xi32>
    %reduce_sum3A_127 = arith.constant dense<0> : vector<128xi32>
    %reduce_sum3A_128 = vector.multi_reduction <add>, %convert_element_type3A_126, %reduce_sum3A_127 [1] : vector<128x2048xi32> to vector<128xi32>
    %broadcast_in_dim3A_129 = vector.shape_cast %reduce_sum3A_128 : vector<128xi32> to vector<128x1xi32>
    %ge3A_130 = arith.constant 256 : i32
    %ge3A_131 = vector.broadcast %ge3A_130 : i32 to vector<128x1xi32>
    %ge3A_132 = arith.cmpi sge, %broadcast_in_dim3A_129, %ge3A_131 : vector<128x1xi32>
    %select_n3A_133 = arith.select %ge3A_132, %add3A_123, %select_n3A_120 : vector<128x1xi1>, vector<128x1xi32>
    %add3A_134 = arith.constant 2097152 : i32
    %add3A_135 = vector.broadcast %add3A_134 : i32 to vector<128x1xi32>
    %add3A_136 = arith.addi %select_n3A_133, %add3A_135 : vector<128x1xi32>
    %ge3A_137 = vector.broadcast %add3A_136 : vector<128x1xi32> to vector<128x2048xi32>
    %ge3A_138 = arith.cmpi sge, %select_n3A, %ge3A_137 : vector<128x2048xi32>
    %convert_element_type3A_139 = arith.extui %ge3A_138 : vector<128x2048xi1> to vector<128x2048xi32>
    %reduce_sum3A_140 = arith.constant dense<0> : vector<128xi32>
    %reduce_sum3A_141 = vector.multi_reduction <add>, %convert_element_type3A_139, %reduce_sum3A_140 [1] : vector<128x2048xi32> to vector<128xi32>
    %broadcast_in_dim3A_142 = vector.shape_cast %reduce_sum3A_141 : vector<128xi32> to vector<128x1xi32>
    %ge3A_143 = arith.constant 256 : i32
    %ge3A_144 = vector.broadcast %ge3A_143 : i32 to vector<128x1xi32>
    %ge3A_145 = arith.cmpi sge, %broadcast_in_dim3A_142, %ge3A_144 : vector<128x1xi32>
    %select_n3A_146 = arith.select %ge3A_145, %add3A_136, %select_n3A_133 : vector<128x1xi1>, vector<128x1xi32>
    %add3A_147 = arith.constant 1048576 : i32
    %add3A_148 = vector.broadcast %add3A_147 : i32 to vector<128x1xi32>
    %add3A_149 = arith.addi %select_n3A_146, %add3A_148 : vector<128x1xi32>
    %ge3A_150 = vector.broadcast %add3A_149 : vector<128x1xi32> to vector<128x2048xi32>
    %ge3A_151 = arith.cmpi sge, %select_n3A, %ge3A_150 : vector<128x2048xi32>
    %convert_element_type3A_152 = arith.extui %ge3A_151 : vector<128x2048xi1> to vector<128x2048xi32>
    %reduce_sum3A_153 = arith.constant dense<0> : vector<128xi32>
    %reduce_sum3A_154 = vector.multi_reduction <add>, %convert_element_type3A_152, %reduce_sum3A_153 [1] : vector<128x2048xi32> to vector<128xi32>
    %broadcast_in_dim3A_155 = vector.shape_cast %reduce_sum3A_154 : vector<128xi32> to vector<128x1xi32>
    %ge3A_156 = arith.constant 256 : i32
    %ge3A_157 = vector.broadcast %ge3A_156 : i32 to vector<128x1xi32>
    %ge3A_158 = arith.cmpi sge, %broadcast_in_dim3A_155, %ge3A_157 : vector<128x1xi32>
    %select_n3A_159 = arith.select %ge3A_158, %add3A_149, %select_n3A_146 : vector<128x1xi1>, vector<128x1xi32>
    %add3A_160 = arith.constant 524288 : i32
    %add3A_161 = vector.broadcast %add3A_160 : i32 to vector<128x1xi32>
    %add3A_162 = arith.addi %select_n3A_159, %add3A_161 : vector<128x1xi32>
    %ge3A_163 = vector.broadcast %add3A_162 : vector<128x1xi32> to vector<128x2048xi32>
    %ge3A_164 = arith.cmpi sge, %select_n3A, %ge3A_163 : vector<128x2048xi32>
    %convert_element_type3A_165 = arith.extui %ge3A_164 : vector<128x2048xi1> to vector<128x2048xi32>
    %reduce_sum3A_166 = arith.constant dense<0> : vector<128xi32>
    %reduce_sum3A_167 = vector.multi_reduction <add>, %convert_element_type3A_165, %reduce_sum3A_166 [1] : vector<128x2048xi32> to vector<128xi32>
    %broadcast_in_dim3A_168 = vector.shape_cast %reduce_sum3A_167 : vector<128xi32> to vector<128x1xi32>
    %ge3A_169 = arith.constant 256 : i32
    %ge3A_170 = vector.broadcast %ge3A_169 : i32 to vector<128x1xi32>
    %ge3A_171 = arith.cmpi sge, %broadcast_in_dim3A_168, %ge3A_170 : vector<128x1xi32>
    %select_n3A_172 = arith.select %ge3A_171, %add3A_162, %select_n3A_159 : vector<128x1xi1>, vector<128x1xi32>
    %add3A_173 = arith.constant 262144 : i32
    %add3A_174 = vector.broadcast %add3A_173 : i32 to vector<128x1xi32>
    %add3A_175 = arith.addi %select_n3A_172, %add3A_174 : vector<128x1xi32>
    %ge3A_176 = vector.broadcast %add3A_175 : vector<128x1xi32> to vector<128x2048xi32>
    %ge3A_177 = arith.cmpi sge, %select_n3A, %ge3A_176 : vector<128x2048xi32>
    %convert_element_type3A_178 = arith.extui %ge3A_177 : vector<128x2048xi1> to vector<128x2048xi32>
    %reduce_sum3A_179 = arith.constant dense<0> : vector<128xi32>
    %reduce_sum3A_180 = vector.multi_reduction <add>, %convert_element_type3A_178, %reduce_sum3A_179 [1] : vector<128x2048xi32> to vector<128xi32>
    %broadcast_in_dim3A_181 = vector.shape_cast %reduce_sum3A_180 : vector<128xi32> to vector<128x1xi32>
    %ge3A_182 = arith.constant 256 : i32
    %ge3A_183 = vector.broadcast %ge3A_182 : i32 to vector<128x1xi32>
    %ge3A_184 = arith.cmpi sge, %broadcast_in_dim3A_181, %ge3A_183 : vector<128x1xi32>
    %select_n3A_185 = arith.select %ge3A_184, %add3A_175, %select_n3A_172 : vector<128x1xi1>, vector<128x1xi32>
    %add3A_186 = arith.constant 131072 : i32
    %add3A_187 = vector.broadcast %add3A_186 : i32 to vector<128x1xi32>
    %add3A_188 = arith.addi %select_n3A_185, %add3A_187 : vector<128x1xi32>
    %ge3A_189 = vector.broadcast %add3A_188 : vector<128x1xi32> to vector<128x2048xi32>
    %ge3A_190 = arith.cmpi sge, %select_n3A, %ge3A_189 : vector<128x2048xi32>
    %convert_element_type3A_191 = arith.extui %ge3A_190 : vector<128x2048xi1> to vector<128x2048xi32>
    %reduce_sum3A_192 = arith.constant dense<0> : vector<128xi32>
    %reduce_sum3A_193 = vector.multi_reduction <add>, %convert_element_type3A_191, %reduce_sum3A_192 [1] : vector<128x2048xi32> to vector<128xi32>
    %broadcast_in_dim3A_194 = vector.shape_cast %reduce_sum3A_193 : vector<128xi32> to vector<128x1xi32>
    %ge3A_195 = arith.constant 256 : i32
    %ge3A_196 = vector.broadcast %ge3A_195 : i32 to vector<128x1xi32>
    %ge3A_197 = arith.cmpi sge, %broadcast_in_dim3A_194, %ge3A_196 : vector<128x1xi32>
    %select_n3A_198 = arith.select %ge3A_197, %add3A_188, %select_n3A_185 : vector<128x1xi1>, vector<128x1xi32>
    %add3A_199 = arith.constant 65536 : i32
    %add3A_200 = vector.broadcast %add3A_199 : i32 to vector<128x1xi32>
    %add3A_201 = arith.addi %select_n3A_198, %add3A_200 : vector<128x1xi32>
    %ge3A_202 = vector.broadcast %add3A_201 : vector<128x1xi32> to vector<128x2048xi32>
    %ge3A_203 = arith.cmpi sge, %select_n3A, %ge3A_202 : vector<128x2048xi32>
    %convert_element_type3A_204 = arith.extui %ge3A_203 : vector<128x2048xi1> to vector<128x2048xi32>
    %reduce_sum3A_205 = arith.constant dense<0> : vector<128xi32>
    %reduce_sum3A_206 = vector.multi_reduction <add>, %convert_element_type3A_204, %reduce_sum3A_205 [1] : vector<128x2048xi32> to vector<128xi32>
    %broadcast_in_dim3A_207 = vector.shape_cast %reduce_sum3A_206 : vector<128xi32> to vector<128x1xi32>
    %ge3A_208 = arith.constant 256 : i32
    %ge3A_209 = vector.broadcast %ge3A_208 : i32 to vector<128x1xi32>
    %ge3A_210 = arith.cmpi sge, %broadcast_in_dim3A_207, %ge3A_209 : vector<128x1xi32>
    %select_n3A_211 = arith.select %ge3A_210, %add3A_201, %select_n3A_198 : vector<128x1xi1>, vector<128x1xi32>
    %add3A_212 = arith.constant 32768 : i32
    %add3A_213 = vector.broadcast %add3A_212 : i32 to vector<128x1xi32>
    %add3A_214 = arith.addi %select_n3A_211, %add3A_213 : vector<128x1xi32>
    %ge3A_215 = vector.broadcast %add3A_214 : vector<128x1xi32> to vector<128x2048xi32>
    %ge3A_216 = arith.cmpi sge, %select_n3A, %ge3A_215 : vector<128x2048xi32>
    %convert_element_type3A_217 = arith.extui %ge3A_216 : vector<128x2048xi1> to vector<128x2048xi32>
    %reduce_sum3A_218 = arith.constant dense<0> : vector<128xi32>
    %reduce_sum3A_219 = vector.multi_reduction <add>, %convert_element_type3A_217, %reduce_sum3A_218 [1] : vector<128x2048xi32> to vector<128xi32>
    %broadcast_in_dim3A_220 = vector.shape_cast %reduce_sum3A_219 : vector<128xi32> to vector<128x1xi32>
    %ge3A_221 = arith.constant 256 : i32
    %ge3A_222 = vector.broadcast %ge3A_221 : i32 to vector<128x1xi32>
    %ge3A_223 = arith.cmpi sge, %broadcast_in_dim3A_220, %ge3A_222 : vector<128x1xi32>
    %select_n3A_224 = arith.select %ge3A_223, %add3A_214, %select_n3A_211 : vector<128x1xi1>, vector<128x1xi32>
    %add3A_225 = arith.constant 16384 : i32
    %add3A_226 = vector.broadcast %add3A_225 : i32 to vector<128x1xi32>
    %add3A_227 = arith.addi %select_n3A_224, %add3A_226 : vector<128x1xi32>
    %ge3A_228 = vector.broadcast %add3A_227 : vector<128x1xi32> to vector<128x2048xi32>
    %ge3A_229 = arith.cmpi sge, %select_n3A, %ge3A_228 : vector<128x2048xi32>
    %convert_element_type3A_230 = arith.extui %ge3A_229 : vector<128x2048xi1> to vector<128x2048xi32>
    %reduce_sum3A_231 = arith.constant dense<0> : vector<128xi32>
    %reduce_sum3A_232 = vector.multi_reduction <add>, %convert_element_type3A_230, %reduce_sum3A_231 [1] : vector<128x2048xi32> to vector<128xi32>
    %broadcast_in_dim3A_233 = vector.shape_cast %reduce_sum3A_232 : vector<128xi32> to vector<128x1xi32>
    %ge3A_234 = arith.constant 256 : i32
    %ge3A_235 = vector.broadcast %ge3A_234 : i32 to vector<128x1xi32>
    %ge3A_236 = arith.cmpi sge, %broadcast_in_dim3A_233, %ge3A_235 : vector<128x1xi32>
    %select_n3A_237 = arith.select %ge3A_236, %add3A_227, %select_n3A_224 : vector<128x1xi1>, vector<128x1xi32>
    %add3A_238 = arith.constant 8192 : i32
    %add3A_239 = vector.broadcast %add3A_238 : i32 to vector<128x1xi32>
    %add3A_240 = arith.addi %select_n3A_237, %add3A_239 : vector<128x1xi32>
    %ge3A_241 = vector.broadcast %add3A_240 : vector<128x1xi32> to vector<128x2048xi32>
    %ge3A_242 = arith.cmpi sge, %select_n3A, %ge3A_241 : vector<128x2048xi32>
    %convert_element_type3A_243 = arith.extui %ge3A_242 : vector<128x2048xi1> to vector<128x2048xi32>
    %reduce_sum3A_244 = arith.constant dense<0> : vector<128xi32>
    %reduce_sum3A_245 = vector.multi_reduction <add>, %convert_element_type3A_243, %reduce_sum3A_244 [1] : vector<128x2048xi32> to vector<128xi32>
    %broadcast_in_dim3A_246 = vector.shape_cast %reduce_sum3A_245 : vector<128xi32> to vector<128x1xi32>
    %ge3A_247 = arith.constant 256 : i32
    %ge3A_248 = vector.broadcast %ge3A_247 : i32 to vector<128x1xi32>
    %ge3A_249 = arith.cmpi sge, %broadcast_in_dim3A_246, %ge3A_248 : vector<128x1xi32>
    %select_n3A_250 = arith.select %ge3A_249, %add3A_240, %select_n3A_237 : vector<128x1xi1>, vector<128x1xi32>
    %add3A_251 = arith.constant 4096 : i32
    %add3A_252 = vector.broadcast %add3A_251 : i32 to vector<128x1xi32>
    %add3A_253 = arith.addi %select_n3A_250, %add3A_252 : vector<128x1xi32>
    %ge3A_254 = vector.broadcast %add3A_253 : vector<128x1xi32> to vector<128x2048xi32>
    %ge3A_255 = arith.cmpi sge, %select_n3A, %ge3A_254 : vector<128x2048xi32>
    %convert_element_type3A_256 = arith.extui %ge3A_255 : vector<128x2048xi1> to vector<128x2048xi32>
    %reduce_sum3A_257 = arith.constant dense<0> : vector<128xi32>
    %reduce_sum3A_258 = vector.multi_reduction <add>, %convert_element_type3A_256, %reduce_sum3A_257 [1] : vector<128x2048xi32> to vector<128xi32>
    %broadcast_in_dim3A_259 = vector.shape_cast %reduce_sum3A_258 : vector<128xi32> to vector<128x1xi32>
    %ge3A_260 = arith.constant 256 : i32
    %ge3A_261 = vector.broadcast %ge3A_260 : i32 to vector<128x1xi32>
    %ge3A_262 = arith.cmpi sge, %broadcast_in_dim3A_259, %ge3A_261 : vector<128x1xi32>
    %select_n3A_263 = arith.select %ge3A_262, %add3A_253, %select_n3A_250 : vector<128x1xi1>, vector<128x1xi32>
    %add3A_264 = arith.constant 2048 : i32
    %add3A_265 = vector.broadcast %add3A_264 : i32 to vector<128x1xi32>
    %add3A_266 = arith.addi %select_n3A_263, %add3A_265 : vector<128x1xi32>
    %ge3A_267 = vector.broadcast %add3A_266 : vector<128x1xi32> to vector<128x2048xi32>
    %ge3A_268 = arith.cmpi sge, %select_n3A, %ge3A_267 : vector<128x2048xi32>
    %convert_element_type3A_269 = arith.extui %ge3A_268 : vector<128x2048xi1> to vector<128x2048xi32>
    %reduce_sum3A_270 = arith.constant dense<0> : vector<128xi32>
    %reduce_sum3A_271 = vector.multi_reduction <add>, %convert_element_type3A_269, %reduce_sum3A_270 [1] : vector<128x2048xi32> to vector<128xi32>
    %broadcast_in_dim3A_272 = vector.shape_cast %reduce_sum3A_271 : vector<128xi32> to vector<128x1xi32>
    %ge3A_273 = arith.constant 256 : i32
    %ge3A_274 = vector.broadcast %ge3A_273 : i32 to vector<128x1xi32>
    %ge3A_275 = arith.cmpi sge, %broadcast_in_dim3A_272, %ge3A_274 : vector<128x1xi32>
    %select_n3A_276 = arith.select %ge3A_275, %add3A_266, %select_n3A_263 : vector<128x1xi1>, vector<128x1xi32>
    %add3A_277 = arith.constant 1024 : i32
    %add3A_278 = vector.broadcast %add3A_277 : i32 to vector<128x1xi32>
    %add3A_279 = arith.addi %select_n3A_276, %add3A_278 : vector<128x1xi32>
    %ge3A_280 = vector.broadcast %add3A_279 : vector<128x1xi32> to vector<128x2048xi32>
    %ge3A_281 = arith.cmpi sge, %select_n3A, %ge3A_280 : vector<128x2048xi32>
    %convert_element_type3A_282 = arith.extui %ge3A_281 : vector<128x2048xi1> to vector<128x2048xi32>
    %reduce_sum3A_283 = arith.constant dense<0> : vector<128xi32>
    %reduce_sum3A_284 = vector.multi_reduction <add>, %convert_element_type3A_282, %reduce_sum3A_283 [1] : vector<128x2048xi32> to vector<128xi32>
    %broadcast_in_dim3A_285 = vector.shape_cast %reduce_sum3A_284 : vector<128xi32> to vector<128x1xi32>
    %ge3A_286 = arith.constant 256 : i32
    %ge3A_287 = vector.broadcast %ge3A_286 : i32 to vector<128x1xi32>
    %ge3A_288 = arith.cmpi sge, %broadcast_in_dim3A_285, %ge3A_287 : vector<128x1xi32>
    %select_n3A_289 = arith.select %ge3A_288, %add3A_279, %select_n3A_276 : vector<128x1xi1>, vector<128x1xi32>
    %add3A_290 = arith.constant 512 : i32
    %add3A_291 = vector.broadcast %add3A_290 : i32 to vector<128x1xi32>
    %add3A_292 = arith.addi %select_n3A_289, %add3A_291 : vector<128x1xi32>
    %ge3A_293 = vector.broadcast %add3A_292 : vector<128x1xi32> to vector<128x2048xi32>
    %ge3A_294 = arith.cmpi sge, %select_n3A, %ge3A_293 : vector<128x2048xi32>
    %convert_element_type3A_295 = arith.extui %ge3A_294 : vector<128x2048xi1> to vector<128x2048xi32>
    %reduce_sum3A_296 = arith.constant dense<0> : vector<128xi32>
    %reduce_sum3A_297 = vector.multi_reduction <add>, %convert_element_type3A_295, %reduce_sum3A_296 [1] : vector<128x2048xi32> to vector<128xi32>
    %broadcast_in_dim3A_298 = vector.shape_cast %reduce_sum3A_297 : vector<128xi32> to vector<128x1xi32>
    %ge3A_299 = arith.constant 256 : i32
    %ge3A_300 = vector.broadcast %ge3A_299 : i32 to vector<128x1xi32>
    %ge3A_301 = arith.cmpi sge, %broadcast_in_dim3A_298, %ge3A_300 : vector<128x1xi32>
    %select_n3A_302 = arith.select %ge3A_301, %add3A_292, %select_n3A_289 : vector<128x1xi1>, vector<128x1xi32>
    %add3A_303 = arith.constant 256 : i32
    %add3A_304 = vector.broadcast %add3A_303 : i32 to vector<128x1xi32>
    %add3A_305 = arith.addi %select_n3A_302, %add3A_304 : vector<128x1xi32>
    %ge3A_306 = vector.broadcast %add3A_305 : vector<128x1xi32> to vector<128x2048xi32>
    %ge3A_307 = arith.cmpi sge, %select_n3A, %ge3A_306 : vector<128x2048xi32>
    %convert_element_type3A_308 = arith.extui %ge3A_307 : vector<128x2048xi1> to vector<128x2048xi32>
    %reduce_sum3A_309 = arith.constant dense<0> : vector<128xi32>
    %reduce_sum3A_310 = vector.multi_reduction <add>, %convert_element_type3A_308, %reduce_sum3A_309 [1] : vector<128x2048xi32> to vector<128xi32>
    %broadcast_in_dim3A_311 = vector.shape_cast %reduce_sum3A_310 : vector<128xi32> to vector<128x1xi32>
    %ge3A_312 = arith.constant 256 : i32
    %ge3A_313 = vector.broadcast %ge3A_312 : i32 to vector<128x1xi32>
    %ge3A_314 = arith.cmpi sge, %broadcast_in_dim3A_311, %ge3A_313 : vector<128x1xi32>
    %select_n3A_315 = arith.select %ge3A_314, %add3A_305, %select_n3A_302 : vector<128x1xi1>, vector<128x1xi32>
    %add3A_316 = arith.constant 128 : i32
    %add3A_317 = vector.broadcast %add3A_316 : i32 to vector<128x1xi32>
    %add3A_318 = arith.addi %select_n3A_315, %add3A_317 : vector<128x1xi32>
    %ge3A_319 = vector.broadcast %add3A_318 : vector<128x1xi32> to vector<128x2048xi32>
    %ge3A_320 = arith.cmpi sge, %select_n3A, %ge3A_319 : vector<128x2048xi32>
    %convert_element_type3A_321 = arith.extui %ge3A_320 : vector<128x2048xi1> to vector<128x2048xi32>
    %reduce_sum3A_322 = arith.constant dense<0> : vector<128xi32>
    %reduce_sum3A_323 = vector.multi_reduction <add>, %convert_element_type3A_321, %reduce_sum3A_322 [1] : vector<128x2048xi32> to vector<128xi32>
    %broadcast_in_dim3A_324 = vector.shape_cast %reduce_sum3A_323 : vector<128xi32> to vector<128x1xi32>
    %ge3A_325 = arith.constant 256 : i32
    %ge3A_326 = vector.broadcast %ge3A_325 : i32 to vector<128x1xi32>
    %ge3A_327 = arith.cmpi sge, %broadcast_in_dim3A_324, %ge3A_326 : vector<128x1xi32>
    %select_n3A_328 = arith.select %ge3A_327, %add3A_318, %select_n3A_315 : vector<128x1xi1>, vector<128x1xi32>
    %add3A_329 = arith.constant 64 : i32
    %add3A_330 = vector.broadcast %add3A_329 : i32 to vector<128x1xi32>
    %add3A_331 = arith.addi %select_n3A_328, %add3A_330 : vector<128x1xi32>
    %ge3A_332 = vector.broadcast %add3A_331 : vector<128x1xi32> to vector<128x2048xi32>
    %ge3A_333 = arith.cmpi sge, %select_n3A, %ge3A_332 : vector<128x2048xi32>
    %convert_element_type3A_334 = arith.extui %ge3A_333 : vector<128x2048xi1> to vector<128x2048xi32>
    %reduce_sum3A_335 = arith.constant dense<0> : vector<128xi32>
    %reduce_sum3A_336 = vector.multi_reduction <add>, %convert_element_type3A_334, %reduce_sum3A_335 [1] : vector<128x2048xi32> to vector<128xi32>
    %broadcast_in_dim3A_337 = vector.shape_cast %reduce_sum3A_336 : vector<128xi32> to vector<128x1xi32>
    %ge3A_338 = arith.constant 256 : i32
    %ge3A_339 = vector.broadcast %ge3A_338 : i32 to vector<128x1xi32>
    %ge3A_340 = arith.cmpi sge, %broadcast_in_dim3A_337, %ge3A_339 : vector<128x1xi32>
    %select_n3A_341 = arith.select %ge3A_340, %add3A_331, %select_n3A_328 : vector<128x1xi1>, vector<128x1xi32>
    %add3A_342 = arith.constant 32 : i32
    %add3A_343 = vector.broadcast %add3A_342 : i32 to vector<128x1xi32>
    %add3A_344 = arith.addi %select_n3A_341, %add3A_343 : vector<128x1xi32>
    %ge3A_345 = vector.broadcast %add3A_344 : vector<128x1xi32> to vector<128x2048xi32>
    %ge3A_346 = arith.cmpi sge, %select_n3A, %ge3A_345 : vector<128x2048xi32>
    %convert_element_type3A_347 = arith.extui %ge3A_346 : vector<128x2048xi1> to vector<128x2048xi32>
    %reduce_sum3A_348 = arith.constant dense<0> : vector<128xi32>
    %reduce_sum3A_349 = vector.multi_reduction <add>, %convert_element_type3A_347, %reduce_sum3A_348 [1] : vector<128x2048xi32> to vector<128xi32>
    %broadcast_in_dim3A_350 = vector.shape_cast %reduce_sum3A_349 : vector<128xi32> to vector<128x1xi32>
    %ge3A_351 = arith.constant 256 : i32
    %ge3A_352 = vector.broadcast %ge3A_351 : i32 to vector<128x1xi32>
    %ge3A_353 = arith.cmpi sge, %broadcast_in_dim3A_350, %ge3A_352 : vector<128x1xi32>
    %select_n3A_354 = arith.select %ge3A_353, %add3A_344, %select_n3A_341 : vector<128x1xi1>, vector<128x1xi32>
    %add3A_355 = arith.constant 16 : i32
    %add3A_356 = vector.broadcast %add3A_355 : i32 to vector<128x1xi32>
    %add3A_357 = arith.addi %select_n3A_354, %add3A_356 : vector<128x1xi32>
    %ge3A_358 = vector.broadcast %add3A_357 : vector<128x1xi32> to vector<128x2048xi32>
    %ge3A_359 = arith.cmpi sge, %select_n3A, %ge3A_358 : vector<128x2048xi32>
    %convert_element_type3A_360 = arith.extui %ge3A_359 : vector<128x2048xi1> to vector<128x2048xi32>
    %reduce_sum3A_361 = arith.constant dense<0> : vector<128xi32>
    %reduce_sum3A_362 = vector.multi_reduction <add>, %convert_element_type3A_360, %reduce_sum3A_361 [1] : vector<128x2048xi32> to vector<128xi32>
    %broadcast_in_dim3A_363 = vector.shape_cast %reduce_sum3A_362 : vector<128xi32> to vector<128x1xi32>
    %ge3A_364 = arith.constant 256 : i32
    %ge3A_365 = vector.broadcast %ge3A_364 : i32 to vector<128x1xi32>
    %ge3A_366 = arith.cmpi sge, %broadcast_in_dim3A_363, %ge3A_365 : vector<128x1xi32>
    %select_n3A_367 = arith.select %ge3A_366, %add3A_357, %select_n3A_354 : vector<128x1xi1>, vector<128x1xi32>
    %add3A_368 = arith.constant 8 : i32
    %add3A_369 = vector.broadcast %add3A_368 : i32 to vector<128x1xi32>
    %add3A_370 = arith.addi %select_n3A_367, %add3A_369 : vector<128x1xi32>
    %ge3A_371 = vector.broadcast %add3A_370 : vector<128x1xi32> to vector<128x2048xi32>
    %ge3A_372 = arith.cmpi sge, %select_n3A, %ge3A_371 : vector<128x2048xi32>
    %convert_element_type3A_373 = arith.extui %ge3A_372 : vector<128x2048xi1> to vector<128x2048xi32>
    %reduce_sum3A_374 = arith.constant dense<0> : vector<128xi32>
    %reduce_sum3A_375 = vector.multi_reduction <add>, %convert_element_type3A_373, %reduce_sum3A_374 [1] : vector<128x2048xi32> to vector<128xi32>
    %broadcast_in_dim3A_376 = vector.shape_cast %reduce_sum3A_375 : vector<128xi32> to vector<128x1xi32>
    %ge3A_377 = arith.constant 256 : i32
    %ge3A_378 = vector.broadcast %ge3A_377 : i32 to vector<128x1xi32>
    %ge3A_379 = arith.cmpi sge, %broadcast_in_dim3A_376, %ge3A_378 : vector<128x1xi32>
    %select_n3A_380 = arith.select %ge3A_379, %add3A_370, %select_n3A_367 : vector<128x1xi1>, vector<128x1xi32>
    %add3A_381 = arith.constant 4 : i32
    %add3A_382 = vector.broadcast %add3A_381 : i32 to vector<128x1xi32>
    %add3A_383 = arith.addi %select_n3A_380, %add3A_382 : vector<128x1xi32>
    %ge3A_384 = vector.broadcast %add3A_383 : vector<128x1xi32> to vector<128x2048xi32>
    %ge3A_385 = arith.cmpi sge, %select_n3A, %ge3A_384 : vector<128x2048xi32>
    %convert_element_type3A_386 = arith.extui %ge3A_385 : vector<128x2048xi1> to vector<128x2048xi32>
    %reduce_sum3A_387 = arith.constant dense<0> : vector<128xi32>
    %reduce_sum3A_388 = vector.multi_reduction <add>, %convert_element_type3A_386, %reduce_sum3A_387 [1] : vector<128x2048xi32> to vector<128xi32>
    %broadcast_in_dim3A_389 = vector.shape_cast %reduce_sum3A_388 : vector<128xi32> to vector<128x1xi32>
    %ge3A_390 = arith.constant 256 : i32
    %ge3A_391 = vector.broadcast %ge3A_390 : i32 to vector<128x1xi32>
    %ge3A_392 = arith.cmpi sge, %broadcast_in_dim3A_389, %ge3A_391 : vector<128x1xi32>
    %select_n3A_393 = arith.select %ge3A_392, %add3A_383, %select_n3A_380 : vector<128x1xi1>, vector<128x1xi32>
    %add3A_394 = arith.constant 2 : i32
    %add3A_395 = vector.broadcast %add3A_394 : i32 to vector<128x1xi32>
    %add3A_396 = arith.addi %select_n3A_393, %add3A_395 : vector<128x1xi32>
    %ge3A_397 = vector.broadcast %add3A_396 : vector<128x1xi32> to vector<128x2048xi32>
    %ge3A_398 = arith.cmpi sge, %select_n3A, %ge3A_397 : vector<128x2048xi32>
    %convert_element_type3A_399 = arith.extui %ge3A_398 : vector<128x2048xi1> to vector<128x2048xi32>
    %reduce_sum3A_400 = arith.constant dense<0> : vector<128xi32>
    %reduce_sum3A_401 = vector.multi_reduction <add>, %convert_element_type3A_399, %reduce_sum3A_400 [1] : vector<128x2048xi32> to vector<128xi32>
    %broadcast_in_dim3A_402 = vector.shape_cast %reduce_sum3A_401 : vector<128xi32> to vector<128x1xi32>
    %ge3A_403 = arith.constant 256 : i32
    %ge3A_404 = vector.broadcast %ge3A_403 : i32 to vector<128x1xi32>
    %ge3A_405 = arith.cmpi sge, %broadcast_in_dim3A_402, %ge3A_404 : vector<128x1xi32>
    %select_n3A_406 = arith.select %ge3A_405, %add3A_396, %select_n3A_393 : vector<128x1xi1>, vector<128x1xi32>
    %add3A_407 = arith.constant 1 : i32
    %add3A_408 = vector.broadcast %add3A_407 : i32 to vector<128x1xi32>
    %add3A_409 = arith.addi %select_n3A_406, %add3A_408 : vector<128x1xi32>
    %ge3A_410 = vector.broadcast %add3A_409 : vector<128x1xi32> to vector<128x2048xi32>
    %ge3A_411 = arith.cmpi sge, %select_n3A, %ge3A_410 : vector<128x2048xi32>
    %convert_element_type3A_412 = arith.extui %ge3A_411 : vector<128x2048xi1> to vector<128x2048xi32>
    %reduce_sum3A_413 = arith.constant dense<0> : vector<128xi32>
    %reduce_sum3A_414 = vector.multi_reduction <add>, %convert_element_type3A_412, %reduce_sum3A_413 [1] : vector<128x2048xi32> to vector<128xi32>
    %broadcast_in_dim3A_415 = vector.shape_cast %reduce_sum3A_414 : vector<128xi32> to vector<128x1xi32>
    %ge3A_416 = arith.constant 256 : i32
    %ge3A_417 = vector.broadcast %ge3A_416 : i32 to vector<128x1xi32>
    %ge3A_418 = arith.cmpi sge, %broadcast_in_dim3A_415, %ge3A_417 : vector<128x1xi32>
    %select_n3A_419 = arith.select %ge3A_418, %add3A_409, %select_n3A_406 : vector<128x1xi1>, vector<128x1xi32>
    %ge3A_420 = arith.constant 0 : i32
    %ge3A_421 = vector.broadcast %ge3A_420 : i32 to vector<128x1xi32>
    %ge3A_422 = arith.cmpi sge, %select_n3A_419, %ge3A_421 : vector<128x1xi32>
    %xor3A_423 = arith.constant 2147483647 : i32
    %xor3A_424 = vector.broadcast %xor3A_423 : i32 to vector<128x1xi32>
    %xor3A_425 = arith.xori %select_n3A_419, %xor3A_424 : vector<128x1xi32>
    %select_n3A_426 = arith.select %ge3A_422, %select_n3A_419, %xor3A_425 : vector<128x1xi1>, vector<128x1xi32>
    %bitcast_convert_type3A_427 = tpu.bitcast %select_n3A_426 : vector<128x1xi32> -> vector<128x1xf32>
    %broadcast_in_dim3A_428 = vector.shape_cast %bitcast_convert_type3A_427 : vector<128x1xf32> to vector<128x1xf32>
    %broadcast_in_dim3A_429 = vector.broadcast %broadcast_in_dim3A_428 : vector<128x1xf32> to vector<128x16xf32>
    %swap3A = arith.constant 0 : index
    %swap3A_430 = arith.constant 0 : index
    %swap3A_431 = vector.load %arg2[%swap3A, %swap3A_430] : memref<128x16xf32, #tpu.memory_space<vmem>>, vector<128x16xf32>
    tpu.vector_store %arg2[%swap3A, %swap3A_430], %broadcast_in_dim3A_429 {strides = array<i32>} : memref<128x16xf32, #tpu.memory_space<vmem>>, vector<128x16xf32>,
    return
  }
  func.func @transform_0(%arg0: i32) -> (i32, i32) {
    %c0_i32 = arith.constant 0 : i32
    %c0_i32_0 = arith.constant 0 : i32
    %c0_i32_1 = arith.constant 0 : i32
    return %c0_i32, %c0_i32_0 : i32, i32
  }
  func.func @transform_1(%arg0: i32) -> (i32, i32) {
    %c0_i32 = arith.constant 0 : i32
    %c0_i32_0 = arith.constant 0 : i32
    %c0_i32_1 = arith.constant 0 : i32
    return %c0_i32, %c0_i32_0 : i32, i32
  }
}

module attributes {stable_mosaic.version = 14 : i64} {
  func.func @_stage_c_fused_body(%arg0: i32, %arg1: memref<128x4096xf32, #tpu.memory_space<vmem>>, %arg2: memref<8x32768xf32, #tpu.memory_space<vmem>>, %arg3: memref<8x32768xf32, #tpu.memory_space<vmem>>, %arg4: memref<128x16xf32, #tpu.memory_space<vmem>>) attributes {dimension_semantics = [#tpu.dimension_semantics<arbitrary>], iteration_bounds = array<i64: 17>, scalar_prefetch = 0 : i64, scratch_operands = 1 : i64, tpu.core_type = #tpu.core_type<tc>, window_params = [{pipeline_mode = #tpu.pipeline_mode<synchronous>, transform_indices = @transform_0, window_bounds = array<i64: 128, 4096>}, {transform_indices = @transform_1, window_bounds = array<i64: 8, 32768>}, {transform_indices = @transform_2, window_bounds = array<i64: 8, 32768>}]} {
    %eq3A = arith.constant 0 : i32
    %eq3A_0 = arith.cmpi eq, %arg0, %eq3A : i32
    %convert_element_type3A = arith.extui %eq3A_0 : i1 to i32
    %cond3A = arith.constant 0 : i32
    %cond3A_1 = arith.cmpi ne, %convert_element_type3A, %cond3A : i32
    scf.if %cond3A_1 {
      %get3A_15 = arith.constant 0 : index
      %get3A_16 = arith.constant 0 : index
      %get3A_17 = vector.load %arg1[%get3A_15, %get3A_16] : memref<128x4096xf32, #tpu.memory_space<vmem>>, vector<128x4096xf32>
      %bitcast_convert_type3A = tpu.bitcast %get3A_17 : vector<128x4096xf32> -> vector<128x4096xi32>
      %ge3A_18 = arith.constant 0 : i32
      %ge3A_19 = vector.broadcast %ge3A_18 : i32 to vector<128x4096xi32>
      %ge3A_20 = arith.cmpi sge, %bitcast_convert_type3A, %ge3A_19 : vector<128x4096xi32>
      %xor3A = arith.constant 2147483647 : i32
      %xor3A_21 = vector.broadcast %xor3A : i32 to vector<128x4096xi32>
      %xor3A_22 = arith.xori %bitcast_convert_type3A, %xor3A_21 : vector<128x4096xi32>
      %select_n3A = arith.select %ge3A_20, %bitcast_convert_type3A, %xor3A_22 : vector<128x4096xi1>, vector<128x4096xi32>
      %broadcast_in_dim3A = arith.constant -2147483648 : i32
      %broadcast_in_dim3A_23 = vector.broadcast %broadcast_in_dim3A : i32 to vector<128x1xi32>
      %add3A = arith.constant -2147483648 : i32
      %add3A_24 = vector.broadcast %add3A : i32 to vector<128x1xi32>
      %add3A_25 = arith.addi %broadcast_in_dim3A_23, %add3A_24 : vector<128x1xi32>
      %ge3A_26 = vector.broadcast %add3A_25 : vector<128x1xi32> to vector<128x4096xi32>
      %ge3A_27 = arith.cmpi sge, %select_n3A, %ge3A_26 : vector<128x4096xi32>
      %convert_element_type3A_28 = arith.extui %ge3A_27 : vector<128x4096xi1> to vector<128x4096xi32>
      %reduce_sum3A = arith.constant dense<0> : vector<128xi32>
      %reduce_sum3A_29 = vector.multi_reduction <add>, %convert_element_type3A_28, %reduce_sum3A [1] : vector<128x4096xi32> to vector<128xi32>
      %broadcast_in_dim3A_30 = vector.shape_cast %reduce_sum3A_29 : vector<128xi32> to vector<128x1xi32>
      %ge3A_31 = arith.constant 256 : i32
      %ge3A_32 = vector.broadcast %ge3A_31 : i32 to vector<128x1xi32>
      %ge3A_33 = arith.cmpi sge, %broadcast_in_dim3A_30, %ge3A_32 : vector<128x1xi32>
      %select_n3A_34 = arith.select %ge3A_33, %add3A_25, %broadcast_in_dim3A_23 : vector<128x1xi1>, vector<128x1xi32>
      %add3A_35 = arith.constant 1073741824 : i32
      %add3A_36 = vector.broadcast %add3A_35 : i32 to vector<128x1xi32>
      %add3A_37 = arith.addi %select_n3A_34, %add3A_36 : vector<128x1xi32>
      %ge3A_38 = vector.broadcast %add3A_37 : vector<128x1xi32> to vector<128x4096xi32>
      %ge3A_39 = arith.cmpi sge, %select_n3A, %ge3A_38 : vector<128x4096xi32>
      %convert_element_type3A_40 = arith.extui %ge3A_39 : vector<128x4096xi1> to vector<128x4096xi32>
      %reduce_sum3A_41 = arith.constant dense<0> : vector<128xi32>
      %reduce_sum3A_42 = vector.multi_reduction <add>, %convert_element_type3A_40, %reduce_sum3A_41 [1] : vector<128x4096xi32> to vector<128xi32>
      %broadcast_in_dim3A_43 = vector.shape_cast %reduce_sum3A_42 : vector<128xi32> to vector<128x1xi32>
      %ge3A_44 = arith.constant 256 : i32
      %ge3A_45 = vector.broadcast %ge3A_44 : i32 to vector<128x1xi32>
      %ge3A_46 = arith.cmpi sge, %broadcast_in_dim3A_43, %ge3A_45 : vector<128x1xi32>
      %select_n3A_47 = arith.select %ge3A_46, %add3A_37, %select_n3A_34 : vector<128x1xi1>, vector<128x1xi32>
      %add3A_48 = arith.constant 536870912 : i32
      %add3A_49 = vector.broadcast %add3A_48 : i32 to vector<128x1xi32>
      %add3A_50 = arith.addi %select_n3A_47, %add3A_49 : vector<128x1xi32>
      %ge3A_51 = vector.broadcast %add3A_50 : vector<128x1xi32> to vector<128x4096xi32>
      %ge3A_52 = arith.cmpi sge, %select_n3A, %ge3A_51 : vector<128x4096xi32>
      %convert_element_type3A_53 = arith.extui %ge3A_52 : vector<128x4096xi1> to vector<128x4096xi32>
      %reduce_sum3A_54 = arith.constant dense<0> : vector<128xi32>
      %reduce_sum3A_55 = vector.multi_reduction <add>, %convert_element_type3A_53, %reduce_sum3A_54 [1] : vector<128x4096xi32> to vector<128xi32>
      %broadcast_in_dim3A_56 = vector.shape_cast %reduce_sum3A_55 : vector<128xi32> to vector<128x1xi32>
      %ge3A_57 = arith.constant 256 : i32
      %ge3A_58 = vector.broadcast %ge3A_57 : i32 to vector<128x1xi32>
      %ge3A_59 = arith.cmpi sge, %broadcast_in_dim3A_56, %ge3A_58 : vector<128x1xi32>
      %select_n3A_60 = arith.select %ge3A_59, %add3A_50, %select_n3A_47 : vector<128x1xi1>, vector<128x1xi32>
      %add3A_61 = arith.constant 268435456 : i32
      %add3A_62 = vector.broadcast %add3A_61 : i32 to vector<128x1xi32>
      %add3A_63 = arith.addi %select_n3A_60, %add3A_62 : vector<128x1xi32>
      %ge3A_64 = vector.broadcast %add3A_63 : vector<128x1xi32> to vector<128x4096xi32>
      %ge3A_65 = arith.cmpi sge, %select_n3A, %ge3A_64 : vector<128x4096xi32>
      %convert_element_type3A_66 = arith.extui %ge3A_65 : vector<128x4096xi1> to vector<128x4096xi32>
      %reduce_sum3A_67 = arith.constant dense<0> : vector<128xi32>
      %reduce_sum3A_68 = vector.multi_reduction <add>, %convert_element_type3A_66, %reduce_sum3A_67 [1] : vector<128x4096xi32> to vector<128xi32>
      %broadcast_in_dim3A_69 = vector.shape_cast %reduce_sum3A_68 : vector<128xi32> to vector<128x1xi32>
      %ge3A_70 = arith.constant 256 : i32
      %ge3A_71 = vector.broadcast %ge3A_70 : i32 to vector<128x1xi32>
      %ge3A_72 = arith.cmpi sge, %broadcast_in_dim3A_69, %ge3A_71 : vector<128x1xi32>
      %select_n3A_73 = arith.select %ge3A_72, %add3A_63, %select_n3A_60 : vector<128x1xi1>, vector<128x1xi32>
      %add3A_74 = arith.constant 134217728 : i32
      %add3A_75 = vector.broadcast %add3A_74 : i32 to vector<128x1xi32>
      %add3A_76 = arith.addi %select_n3A_73, %add3A_75 : vector<128x1xi32>
      %ge3A_77 = vector.broadcast %add3A_76 : vector<128x1xi32> to vector<128x4096xi32>
      %ge3A_78 = arith.cmpi sge, %select_n3A, %ge3A_77 : vector<128x4096xi32>
      %convert_element_type3A_79 = arith.extui %ge3A_78 : vector<128x4096xi1> to vector<128x4096xi32>
      %reduce_sum3A_80 = arith.constant dense<0> : vector<128xi32>
      %reduce_sum3A_81 = vector.multi_reduction <add>, %convert_element_type3A_79, %reduce_sum3A_80 [1] : vector<128x4096xi32> to vector<128xi32>
      %broadcast_in_dim3A_82 = vector.shape_cast %reduce_sum3A_81 : vector<128xi32> to vector<128x1xi32>
      %ge3A_83 = arith.constant 256 : i32
      %ge3A_84 = vector.broadcast %ge3A_83 : i32 to vector<128x1xi32>
      %ge3A_85 = arith.cmpi sge, %broadcast_in_dim3A_82, %ge3A_84 : vector<128x1xi32>
      %select_n3A_86 = arith.select %ge3A_85, %add3A_76, %select_n3A_73 : vector<128x1xi1>, vector<128x1xi32>
      %add3A_87 = arith.constant 67108864 : i32
      %add3A_88 = vector.broadcast %add3A_87 : i32 to vector<128x1xi32>
      %add3A_89 = arith.addi %select_n3A_86, %add3A_88 : vector<128x1xi32>
      %ge3A_90 = vector.broadcast %add3A_89 : vector<128x1xi32> to vector<128x4096xi32>
      %ge3A_91 = arith.cmpi sge, %select_n3A, %ge3A_90 : vector<128x4096xi32>
      %convert_element_type3A_92 = arith.extui %ge3A_91 : vector<128x4096xi1> to vector<128x4096xi32>
      %reduce_sum3A_93 = arith.constant dense<0> : vector<128xi32>
      %reduce_sum3A_94 = vector.multi_reduction <add>, %convert_element_type3A_92, %reduce_sum3A_93 [1] : vector<128x4096xi32> to vector<128xi32>
      %broadcast_in_dim3A_95 = vector.shape_cast %reduce_sum3A_94 : vector<128xi32> to vector<128x1xi32>
      %ge3A_96 = arith.constant 256 : i32
      %ge3A_97 = vector.broadcast %ge3A_96 : i32 to vector<128x1xi32>
      %ge3A_98 = arith.cmpi sge, %broadcast_in_dim3A_95, %ge3A_97 : vector<128x1xi32>
      %select_n3A_99 = arith.select %ge3A_98, %add3A_89, %select_n3A_86 : vector<128x1xi1>, vector<128x1xi32>
      %add3A_100 = arith.constant 33554432 : i32
      %add3A_101 = vector.broadcast %add3A_100 : i32 to vector<128x1xi32>
      %add3A_102 = arith.addi %select_n3A_99, %add3A_101 : vector<128x1xi32>
      %ge3A_103 = vector.broadcast %add3A_102 : vector<128x1xi32> to vector<128x4096xi32>
      %ge3A_104 = arith.cmpi sge, %select_n3A, %ge3A_103 : vector<128x4096xi32>
      %convert_element_type3A_105 = arith.extui %ge3A_104 : vector<128x4096xi1> to vector<128x4096xi32>
      %reduce_sum3A_106 = arith.constant dense<0> : vector<128xi32>
      %reduce_sum3A_107 = vector.multi_reduction <add>, %convert_element_type3A_105, %reduce_sum3A_106 [1] : vector<128x4096xi32> to vector<128xi32>
      %broadcast_in_dim3A_108 = vector.shape_cast %reduce_sum3A_107 : vector<128xi32> to vector<128x1xi32>
      %ge3A_109 = arith.constant 256 : i32
      %ge3A_110 = vector.broadcast %ge3A_109 : i32 to vector<128x1xi32>
      %ge3A_111 = arith.cmpi sge, %broadcast_in_dim3A_108, %ge3A_110 : vector<128x1xi32>
      %select_n3A_112 = arith.select %ge3A_111, %add3A_102, %select_n3A_99 : vector<128x1xi1>, vector<128x1xi32>
      %add3A_113 = arith.constant 16777216 : i32
      %add3A_114 = vector.broadcast %add3A_113 : i32 to vector<128x1xi32>
      %add3A_115 = arith.addi %select_n3A_112, %add3A_114 : vector<128x1xi32>
      %ge3A_116 = vector.broadcast %add3A_115 : vector<128x1xi32> to vector<128x4096xi32>
      %ge3A_117 = arith.cmpi sge, %select_n3A, %ge3A_116 : vector<128x4096xi32>
      %convert_element_type3A_118 = arith.extui %ge3A_117 : vector<128x4096xi1> to vector<128x4096xi32>
      %reduce_sum3A_119 = arith.constant dense<0> : vector<128xi32>
      %reduce_sum3A_120 = vector.multi_reduction <add>, %convert_element_type3A_118, %reduce_sum3A_119 [1] : vector<128x4096xi32> to vector<128xi32>
      %broadcast_in_dim3A_121 = vector.shape_cast %reduce_sum3A_120 : vector<128xi32> to vector<128x1xi32>
      %ge3A_122 = arith.constant 256 : i32
      %ge3A_123 = vector.broadcast %ge3A_122 : i32 to vector<128x1xi32>
      %ge3A_124 = arith.cmpi sge, %broadcast_in_dim3A_121, %ge3A_123 : vector<128x1xi32>
      %select_n3A_125 = arith.select %ge3A_124, %add3A_115, %select_n3A_112 : vector<128x1xi1>, vector<128x1xi32>
      %add3A_126 = arith.constant 8388608 : i32
      %add3A_127 = vector.broadcast %add3A_126 : i32 to vector<128x1xi32>
      %add3A_128 = arith.addi %select_n3A_125, %add3A_127 : vector<128x1xi32>
      %ge3A_129 = vector.broadcast %add3A_128 : vector<128x1xi32> to vector<128x4096xi32>
      %ge3A_130 = arith.cmpi sge, %select_n3A, %ge3A_129 : vector<128x4096xi32>
      %convert_element_type3A_131 = arith.extui %ge3A_130 : vector<128x4096xi1> to vector<128x4096xi32>
      %reduce_sum3A_132 = arith.constant dense<0> : vector<128xi32>
      %reduce_sum3A_133 = vector.multi_reduction <add>, %convert_element_type3A_131, %reduce_sum3A_132 [1] : vector<128x4096xi32> to vector<128xi32>
      %broadcast_in_dim3A_134 = vector.shape_cast %reduce_sum3A_133 : vector<128xi32> to vector<128x1xi32>
      %ge3A_135 = arith.constant 256 : i32
      %ge3A_136 = vector.broadcast %ge3A_135 : i32 to vector<128x1xi32>
      %ge3A_137 = arith.cmpi sge, %broadcast_in_dim3A_134, %ge3A_136 : vector<128x1xi32>
      %select_n3A_138 = arith.select %ge3A_137, %add3A_128, %select_n3A_125 : vector<128x1xi1>, vector<128x1xi32>
      %add3A_139 = arith.constant 4194304 : i32
      %add3A_140 = vector.broadcast %add3A_139 : i32 to vector<128x1xi32>
      %add3A_141 = arith.addi %select_n3A_138, %add3A_140 : vector<128x1xi32>
      %ge3A_142 = vector.broadcast %add3A_141 : vector<128x1xi32> to vector<128x4096xi32>
      %ge3A_143 = arith.cmpi sge, %select_n3A, %ge3A_142 : vector<128x4096xi32>
      %convert_element_type3A_144 = arith.extui %ge3A_143 : vector<128x4096xi1> to vector<128x4096xi32>
      %reduce_sum3A_145 = arith.constant dense<0> : vector<128xi32>
      %reduce_sum3A_146 = vector.multi_reduction <add>, %convert_element_type3A_144, %reduce_sum3A_145 [1] : vector<128x4096xi32> to vector<128xi32>
      %broadcast_in_dim3A_147 = vector.shape_cast %reduce_sum3A_146 : vector<128xi32> to vector<128x1xi32>
      %ge3A_148 = arith.constant 256 : i32
      %ge3A_149 = vector.broadcast %ge3A_148 : i32 to vector<128x1xi32>
      %ge3A_150 = arith.cmpi sge, %broadcast_in_dim3A_147, %ge3A_149 : vector<128x1xi32>
      %select_n3A_151 = arith.select %ge3A_150, %add3A_141, %select_n3A_138 : vector<128x1xi1>, vector<128x1xi32>
      %add3A_152 = arith.constant 2097152 : i32
      %add3A_153 = vector.broadcast %add3A_152 : i32 to vector<128x1xi32>
      %add3A_154 = arith.addi %select_n3A_151, %add3A_153 : vector<128x1xi32>
      %ge3A_155 = vector.broadcast %add3A_154 : vector<128x1xi32> to vector<128x4096xi32>
      %ge3A_156 = arith.cmpi sge, %select_n3A, %ge3A_155 : vector<128x4096xi32>
      %convert_element_type3A_157 = arith.extui %ge3A_156 : vector<128x4096xi1> to vector<128x4096xi32>
      %reduce_sum3A_158 = arith.constant dense<0> : vector<128xi32>
      %reduce_sum3A_159 = vector.multi_reduction <add>, %convert_element_type3A_157, %reduce_sum3A_158 [1] : vector<128x4096xi32> to vector<128xi32>
      %broadcast_in_dim3A_160 = vector.shape_cast %reduce_sum3A_159 : vector<128xi32> to vector<128x1xi32>
      %ge3A_161 = arith.constant 256 : i32
      %ge3A_162 = vector.broadcast %ge3A_161 : i32 to vector<128x1xi32>
      %ge3A_163 = arith.cmpi sge, %broadcast_in_dim3A_160, %ge3A_162 : vector<128x1xi32>
      %select_n3A_164 = arith.select %ge3A_163, %add3A_154, %select_n3A_151 : vector<128x1xi1>, vector<128x1xi32>
      %add3A_165 = arith.constant 1048576 : i32
      %add3A_166 = vector.broadcast %add3A_165 : i32 to vector<128x1xi32>
      %add3A_167 = arith.addi %select_n3A_164, %add3A_166 : vector<128x1xi32>
      %ge3A_168 = vector.broadcast %add3A_167 : vector<128x1xi32> to vector<128x4096xi32>
      %ge3A_169 = arith.cmpi sge, %select_n3A, %ge3A_168 : vector<128x4096xi32>
      %convert_element_type3A_170 = arith.extui %ge3A_169 : vector<128x4096xi1> to vector<128x4096xi32>
      %reduce_sum3A_171 = arith.constant dense<0> : vector<128xi32>
      %reduce_sum3A_172 = vector.multi_reduction <add>, %convert_element_type3A_170, %reduce_sum3A_171 [1] : vector<128x4096xi32> to vector<128xi32>
      %broadcast_in_dim3A_173 = vector.shape_cast %reduce_sum3A_172 : vector<128xi32> to vector<128x1xi32>
      %ge3A_174 = arith.constant 256 : i32
      %ge3A_175 = vector.broadcast %ge3A_174 : i32 to vector<128x1xi32>
      %ge3A_176 = arith.cmpi sge, %broadcast_in_dim3A_173, %ge3A_175 : vector<128x1xi32>
      %select_n3A_177 = arith.select %ge3A_176, %add3A_167, %select_n3A_164 : vector<128x1xi1>, vector<128x1xi32>
      %add3A_178 = arith.constant 524288 : i32
      %add3A_179 = vector.broadcast %add3A_178 : i32 to vector<128x1xi32>
      %add3A_180 = arith.addi %select_n3A_177, %add3A_179 : vector<128x1xi32>
      %ge3A_181 = vector.broadcast %add3A_180 : vector<128x1xi32> to vector<128x4096xi32>
      %ge3A_182 = arith.cmpi sge, %select_n3A, %ge3A_181 : vector<128x4096xi32>
      %convert_element_type3A_183 = arith.extui %ge3A_182 : vector<128x4096xi1> to vector<128x4096xi32>
      %reduce_sum3A_184 = arith.constant dense<0> : vector<128xi32>
      %reduce_sum3A_185 = vector.multi_reduction <add>, %convert_element_type3A_183, %reduce_sum3A_184 [1] : vector<128x4096xi32> to vector<128xi32>
      %broadcast_in_dim3A_186 = vector.shape_cast %reduce_sum3A_185 : vector<128xi32> to vector<128x1xi32>
      %ge3A_187 = arith.constant 256 : i32
      %ge3A_188 = vector.broadcast %ge3A_187 : i32 to vector<128x1xi32>
      %ge3A_189 = arith.cmpi sge, %broadcast_in_dim3A_186, %ge3A_188 : vector<128x1xi32>
      %select_n3A_190 = arith.select %ge3A_189, %add3A_180, %select_n3A_177 : vector<128x1xi1>, vector<128x1xi32>
      %add3A_191 = arith.constant 262144 : i32
      %add3A_192 = vector.broadcast %add3A_191 : i32 to vector<128x1xi32>
      %add3A_193 = arith.addi %select_n3A_190, %add3A_192 : vector<128x1xi32>
      %ge3A_194 = vector.broadcast %add3A_193 : vector<128x1xi32> to vector<128x4096xi32>
      %ge3A_195 = arith.cmpi sge, %select_n3A, %ge3A_194 : vector<128x4096xi32>
      %convert_element_type3A_196 = arith.extui %ge3A_195 : vector<128x4096xi1> to vector<128x4096xi32>
      %reduce_sum3A_197 = arith.constant dense<0> : vector<128xi32>
      %reduce_sum3A_198 = vector.multi_reduction <add>, %convert_element_type3A_196, %reduce_sum3A_197 [1] : vector<128x4096xi32> to vector<128xi32>
      %broadcast_in_dim3A_199 = vector.shape_cast %reduce_sum3A_198 : vector<128xi32> to vector<128x1xi32>
      %ge3A_200 = arith.constant 256 : i32
      %ge3A_201 = vector.broadcast %ge3A_200 : i32 to vector<128x1xi32>
      %ge3A_202 = arith.cmpi sge, %broadcast_in_dim3A_199, %ge3A_201 : vector<128x1xi32>
      %select_n3A_203 = arith.select %ge3A_202, %add3A_193, %select_n3A_190 : vector<128x1xi1>, vector<128x1xi32>
      %add3A_204 = arith.constant 131072 : i32
      %add3A_205 = vector.broadcast %add3A_204 : i32 to vector<128x1xi32>
      %add3A_206 = arith.addi %select_n3A_203, %add3A_205 : vector<128x1xi32>
      %ge3A_207 = vector.broadcast %add3A_206 : vector<128x1xi32> to vector<128x4096xi32>
      %ge3A_208 = arith.cmpi sge, %select_n3A, %ge3A_207 : vector<128x4096xi32>
      %convert_element_type3A_209 = arith.extui %ge3A_208 : vector<128x4096xi1> to vector<128x4096xi32>
      %reduce_sum3A_210 = arith.constant dense<0> : vector<128xi32>
      %reduce_sum3A_211 = vector.multi_reduction <add>, %convert_element_type3A_209, %reduce_sum3A_210 [1] : vector<128x4096xi32> to vector<128xi32>
      %broadcast_in_dim3A_212 = vector.shape_cast %reduce_sum3A_211 : vector<128xi32> to vector<128x1xi32>
      %ge3A_213 = arith.constant 256 : i32
      %ge3A_214 = vector.broadcast %ge3A_213 : i32 to vector<128x1xi32>
      %ge3A_215 = arith.cmpi sge, %broadcast_in_dim3A_212, %ge3A_214 : vector<128x1xi32>
      %select_n3A_216 = arith.select %ge3A_215, %add3A_206, %select_n3A_203 : vector<128x1xi1>, vector<128x1xi32>
      %add3A_217 = arith.constant 65536 : i32
      %add3A_218 = vector.broadcast %add3A_217 : i32 to vector<128x1xi32>
      %add3A_219 = arith.addi %select_n3A_216, %add3A_218 : vector<128x1xi32>
      %ge3A_220 = vector.broadcast %add3A_219 : vector<128x1xi32> to vector<128x4096xi32>
      %ge3A_221 = arith.cmpi sge, %select_n3A, %ge3A_220 : vector<128x4096xi32>
      %convert_element_type3A_222 = arith.extui %ge3A_221 : vector<128x4096xi1> to vector<128x4096xi32>
      %reduce_sum3A_223 = arith.constant dense<0> : vector<128xi32>
      %reduce_sum3A_224 = vector.multi_reduction <add>, %convert_element_type3A_222, %reduce_sum3A_223 [1] : vector<128x4096xi32> to vector<128xi32>
      %broadcast_in_dim3A_225 = vector.shape_cast %reduce_sum3A_224 : vector<128xi32> to vector<128x1xi32>
      %ge3A_226 = arith.constant 256 : i32
      %ge3A_227 = vector.broadcast %ge3A_226 : i32 to vector<128x1xi32>
      %ge3A_228 = arith.cmpi sge, %broadcast_in_dim3A_225, %ge3A_227 : vector<128x1xi32>
      %select_n3A_229 = arith.select %ge3A_228, %add3A_219, %select_n3A_216 : vector<128x1xi1>, vector<128x1xi32>
      %add3A_230 = arith.constant 32768 : i32
      %add3A_231 = vector.broadcast %add3A_230 : i32 to vector<128x1xi32>
      %add3A_232 = arith.addi %select_n3A_229, %add3A_231 : vector<128x1xi32>
      %ge3A_233 = vector.broadcast %add3A_232 : vector<128x1xi32> to vector<128x4096xi32>
      %ge3A_234 = arith.cmpi sge, %select_n3A, %ge3A_233 : vector<128x4096xi32>
      %convert_element_type3A_235 = arith.extui %ge3A_234 : vector<128x4096xi1> to vector<128x4096xi32>
      %reduce_sum3A_236 = arith.constant dense<0> : vector<128xi32>
      %reduce_sum3A_237 = vector.multi_reduction <add>, %convert_element_type3A_235, %reduce_sum3A_236 [1] : vector<128x4096xi32> to vector<128xi32>
      %broadcast_in_dim3A_238 = vector.shape_cast %reduce_sum3A_237 : vector<128xi32> to vector<128x1xi32>
      %ge3A_239 = arith.constant 256 : i32
      %ge3A_240 = vector.broadcast %ge3A_239 : i32 to vector<128x1xi32>
      %ge3A_241 = arith.cmpi sge, %broadcast_in_dim3A_238, %ge3A_240 : vector<128x1xi32>
      %select_n3A_242 = arith.select %ge3A_241, %add3A_232, %select_n3A_229 : vector<128x1xi1>, vector<128x1xi32>
      %add3A_243 = arith.constant 16384 : i32
      %add3A_244 = vector.broadcast %add3A_243 : i32 to vector<128x1xi32>
      %add3A_245 = arith.addi %select_n3A_242, %add3A_244 : vector<128x1xi32>
      %ge3A_246 = vector.broadcast %add3A_245 : vector<128x1xi32> to vector<128x4096xi32>
      %ge3A_247 = arith.cmpi sge, %select_n3A, %ge3A_246 : vector<128x4096xi32>
      %convert_element_type3A_248 = arith.extui %ge3A_247 : vector<128x4096xi1> to vector<128x4096xi32>
      %reduce_sum3A_249 = arith.constant dense<0> : vector<128xi32>
      %reduce_sum3A_250 = vector.multi_reduction <add>, %convert_element_type3A_248, %reduce_sum3A_249 [1] : vector<128x4096xi32> to vector<128xi32>
      %broadcast_in_dim3A_251 = vector.shape_cast %reduce_sum3A_250 : vector<128xi32> to vector<128x1xi32>
      %ge3A_252 = arith.constant 256 : i32
      %ge3A_253 = vector.broadcast %ge3A_252 : i32 to vector<128x1xi32>
      %ge3A_254 = arith.cmpi sge, %broadcast_in_dim3A_251, %ge3A_253 : vector<128x1xi32>
      %select_n3A_255 = arith.select %ge3A_254, %add3A_245, %select_n3A_242 : vector<128x1xi1>, vector<128x1xi32>
      %add3A_256 = arith.constant 8192 : i32
      %add3A_257 = vector.broadcast %add3A_256 : i32 to vector<128x1xi32>
      %add3A_258 = arith.addi %select_n3A_255, %add3A_257 : vector<128x1xi32>
      %ge3A_259 = vector.broadcast %add3A_258 : vector<128x1xi32> to vector<128x4096xi32>
      %ge3A_260 = arith.cmpi sge, %select_n3A, %ge3A_259 : vector<128x4096xi32>
      %convert_element_type3A_261 = arith.extui %ge3A_260 : vector<128x4096xi1> to vector<128x4096xi32>
      %reduce_sum3A_262 = arith.constant dense<0> : vector<128xi32>
      %reduce_sum3A_263 = vector.multi_reduction <add>, %convert_element_type3A_261, %reduce_sum3A_262 [1] : vector<128x4096xi32> to vector<128xi32>
      %broadcast_in_dim3A_264 = vector.shape_cast %reduce_sum3A_263 : vector<128xi32> to vector<128x1xi32>
      %ge3A_265 = arith.constant 256 : i32
      %ge3A_266 = vector.broadcast %ge3A_265 : i32 to vector<128x1xi32>
      %ge3A_267 = arith.cmpi sge, %broadcast_in_dim3A_264, %ge3A_266 : vector<128x1xi32>
      %select_n3A_268 = arith.select %ge3A_267, %add3A_258, %select_n3A_255 : vector<128x1xi1>, vector<128x1xi32>
      %add3A_269 = arith.constant 4096 : i32
      %add3A_270 = vector.broadcast %add3A_269 : i32 to vector<128x1xi32>
      %add3A_271 = arith.addi %select_n3A_268, %add3A_270 : vector<128x1xi32>
      %ge3A_272 = vector.broadcast %add3A_271 : vector<128x1xi32> to vector<128x4096xi32>
      %ge3A_273 = arith.cmpi sge, %select_n3A, %ge3A_272 : vector<128x4096xi32>
      %convert_element_type3A_274 = arith.extui %ge3A_273 : vector<128x4096xi1> to vector<128x4096xi32>
      %reduce_sum3A_275 = arith.constant dense<0> : vector<128xi32>
      %reduce_sum3A_276 = vector.multi_reduction <add>, %convert_element_type3A_274, %reduce_sum3A_275 [1] : vector<128x4096xi32> to vector<128xi32>
      %broadcast_in_dim3A_277 = vector.shape_cast %reduce_sum3A_276 : vector<128xi32> to vector<128x1xi32>
      %ge3A_278 = arith.constant 256 : i32
      %ge3A_279 = vector.broadcast %ge3A_278 : i32 to vector<128x1xi32>
      %ge3A_280 = arith.cmpi sge, %broadcast_in_dim3A_277, %ge3A_279 : vector<128x1xi32>
      %select_n3A_281 = arith.select %ge3A_280, %add3A_271, %select_n3A_268 : vector<128x1xi1>, vector<128x1xi32>
      %add3A_282 = arith.constant 2048 : i32
      %add3A_283 = vector.broadcast %add3A_282 : i32 to vector<128x1xi32>
      %add3A_284 = arith.addi %select_n3A_281, %add3A_283 : vector<128x1xi32>
      %ge3A_285 = vector.broadcast %add3A_284 : vector<128x1xi32> to vector<128x4096xi32>
      %ge3A_286 = arith.cmpi sge, %select_n3A, %ge3A_285 : vector<128x4096xi32>
      %convert_element_type3A_287 = arith.extui %ge3A_286 : vector<128x4096xi1> to vector<128x4096xi32>
      %reduce_sum3A_288 = arith.constant dense<0> : vector<128xi32>
      %reduce_sum3A_289 = vector.multi_reduction <add>, %convert_element_type3A_287, %reduce_sum3A_288 [1] : vector<128x4096xi32> to vector<128xi32>
      %broadcast_in_dim3A_290 = vector.shape_cast %reduce_sum3A_289 : vector<128xi32> to vector<128x1xi32>
      %ge3A_291 = arith.constant 256 : i32
      %ge3A_292 = vector.broadcast %ge3A_291 : i32 to vector<128x1xi32>
      %ge3A_293 = arith.cmpi sge, %broadcast_in_dim3A_290, %ge3A_292 : vector<128x1xi32>
      %select_n3A_294 = arith.select %ge3A_293, %add3A_284, %select_n3A_281 : vector<128x1xi1>, vector<128x1xi32>
      %add3A_295 = arith.constant 1024 : i32
      %add3A_296 = vector.broadcast %add3A_295 : i32 to vector<128x1xi32>
      %add3A_297 = arith.addi %select_n3A_294, %add3A_296 : vector<128x1xi32>
      %ge3A_298 = vector.broadcast %add3A_297 : vector<128x1xi32> to vector<128x4096xi32>
      %ge3A_299 = arith.cmpi sge, %select_n3A, %ge3A_298 : vector<128x4096xi32>
      %convert_element_type3A_300 = arith.extui %ge3A_299 : vector<128x4096xi1> to vector<128x4096xi32>
      %reduce_sum3A_301 = arith.constant dense<0> : vector<128xi32>
      %reduce_sum3A_302 = vector.multi_reduction <add>, %convert_element_type3A_300, %reduce_sum3A_301 [1] : vector<128x4096xi32> to vector<128xi32>
      %broadcast_in_dim3A_303 = vector.shape_cast %reduce_sum3A_302 : vector<128xi32> to vector<128x1xi32>
      %ge3A_304 = arith.constant 256 : i32
      %ge3A_305 = vector.broadcast %ge3A_304 : i32 to vector<128x1xi32>
      %ge3A_306 = arith.cmpi sge, %broadcast_in_dim3A_303, %ge3A_305 : vector<128x1xi32>
      %select_n3A_307 = arith.select %ge3A_306, %add3A_297, %select_n3A_294 : vector<128x1xi1>, vector<128x1xi32>
      %add3A_308 = arith.constant 512 : i32
      %add3A_309 = vector.broadcast %add3A_308 : i32 to vector<128x1xi32>
      %add3A_310 = arith.addi %select_n3A_307, %add3A_309 : vector<128x1xi32>
      %ge3A_311 = vector.broadcast %add3A_310 : vector<128x1xi32> to vector<128x4096xi32>
      %ge3A_312 = arith.cmpi sge, %select_n3A, %ge3A_311 : vector<128x4096xi32>
      %convert_element_type3A_313 = arith.extui %ge3A_312 : vector<128x4096xi1> to vector<128x4096xi32>
      %reduce_sum3A_314 = arith.constant dense<0> : vector<128xi32>
      %reduce_sum3A_315 = vector.multi_reduction <add>, %convert_element_type3A_313, %reduce_sum3A_314 [1] : vector<128x4096xi32> to vector<128xi32>
      %broadcast_in_dim3A_316 = vector.shape_cast %reduce_sum3A_315 : vector<128xi32> to vector<128x1xi32>
      %ge3A_317 = arith.constant 256 : i32
      %ge3A_318 = vector.broadcast %ge3A_317 : i32 to vector<128x1xi32>
      %ge3A_319 = arith.cmpi sge, %broadcast_in_dim3A_316, %ge3A_318 : vector<128x1xi32>
      %select_n3A_320 = arith.select %ge3A_319, %add3A_310, %select_n3A_307 : vector<128x1xi1>, vector<128x1xi32>
      %add3A_321 = arith.constant 256 : i32
      %add3A_322 = vector.broadcast %add3A_321 : i32 to vector<128x1xi32>
      %add3A_323 = arith.addi %select_n3A_320, %add3A_322 : vector<128x1xi32>
      %ge3A_324 = vector.broadcast %add3A_323 : vector<128x1xi32> to vector<128x4096xi32>
      %ge3A_325 = arith.cmpi sge, %select_n3A, %ge3A_324 : vector<128x4096xi32>
      %convert_element_type3A_326 = arith.extui %ge3A_325 : vector<128x4096xi1> to vector<128x4096xi32>
      %reduce_sum3A_327 = arith.constant dense<0> : vector<128xi32>
      %reduce_sum3A_328 = vector.multi_reduction <add>, %convert_element_type3A_326, %reduce_sum3A_327 [1] : vector<128x4096xi32> to vector<128xi32>
      %broadcast_in_dim3A_329 = vector.shape_cast %reduce_sum3A_328 : vector<128xi32> to vector<128x1xi32>
      %ge3A_330 = arith.constant 256 : i32
      %ge3A_331 = vector.broadcast %ge3A_330 : i32 to vector<128x1xi32>
      %ge3A_332 = arith.cmpi sge, %broadcast_in_dim3A_329, %ge3A_331 : vector<128x1xi32>
      %select_n3A_333 = arith.select %ge3A_332, %add3A_323, %select_n3A_320 : vector<128x1xi1>, vector<128x1xi32>
      %add3A_334 = arith.constant 128 : i32
      %add3A_335 = vector.broadcast %add3A_334 : i32 to vector<128x1xi32>
      %add3A_336 = arith.addi %select_n3A_333, %add3A_335 : vector<128x1xi32>
      %ge3A_337 = vector.broadcast %add3A_336 : vector<128x1xi32> to vector<128x4096xi32>
      %ge3A_338 = arith.cmpi sge, %select_n3A, %ge3A_337 : vector<128x4096xi32>
      %convert_element_type3A_339 = arith.extui %ge3A_338 : vector<128x4096xi1> to vector<128x4096xi32>
      %reduce_sum3A_340 = arith.constant dense<0> : vector<128xi32>
      %reduce_sum3A_341 = vector.multi_reduction <add>, %convert_element_type3A_339, %reduce_sum3A_340 [1] : vector<128x4096xi32> to vector<128xi32>
      %broadcast_in_dim3A_342 = vector.shape_cast %reduce_sum3A_341 : vector<128xi32> to vector<128x1xi32>
      %ge3A_343 = arith.constant 256 : i32
      %ge3A_344 = vector.broadcast %ge3A_343 : i32 to vector<128x1xi32>
      %ge3A_345 = arith.cmpi sge, %broadcast_in_dim3A_342, %ge3A_344 : vector<128x1xi32>
      %select_n3A_346 = arith.select %ge3A_345, %add3A_336, %select_n3A_333 : vector<128x1xi1>, vector<128x1xi32>
      %add3A_347 = arith.constant 64 : i32
      %add3A_348 = vector.broadcast %add3A_347 : i32 to vector<128x1xi32>
      %add3A_349 = arith.addi %select_n3A_346, %add3A_348 : vector<128x1xi32>
      %ge3A_350 = vector.broadcast %add3A_349 : vector<128x1xi32> to vector<128x4096xi32>
      %ge3A_351 = arith.cmpi sge, %select_n3A, %ge3A_350 : vector<128x4096xi32>
      %convert_element_type3A_352 = arith.extui %ge3A_351 : vector<128x4096xi1> to vector<128x4096xi32>
      %reduce_sum3A_353 = arith.constant dense<0> : vector<128xi32>
      %reduce_sum3A_354 = vector.multi_reduction <add>, %convert_element_type3A_352, %reduce_sum3A_353 [1] : vector<128x4096xi32> to vector<128xi32>
      %broadcast_in_dim3A_355 = vector.shape_cast %reduce_sum3A_354 : vector<128xi32> to vector<128x1xi32>
      %ge3A_356 = arith.constant 256 : i32
      %ge3A_357 = vector.broadcast %ge3A_356 : i32 to vector<128x1xi32>
      %ge3A_358 = arith.cmpi sge, %broadcast_in_dim3A_355, %ge3A_357 : vector<128x1xi32>
      %select_n3A_359 = arith.select %ge3A_358, %add3A_349, %select_n3A_346 : vector<128x1xi1>, vector<128x1xi32>
      %add3A_360 = arith.constant 32 : i32
      %add3A_361 = vector.broadcast %add3A_360 : i32 to vector<128x1xi32>
      %add3A_362 = arith.addi %select_n3A_359, %add3A_361 : vector<128x1xi32>
      %ge3A_363 = vector.broadcast %add3A_362 : vector<128x1xi32> to vector<128x4096xi32>
      %ge3A_364 = arith.cmpi sge, %select_n3A, %ge3A_363 : vector<128x4096xi32>
      %convert_element_type3A_365 = arith.extui %ge3A_364 : vector<128x4096xi1> to vector<128x4096xi32>
      %reduce_sum3A_366 = arith.constant dense<0> : vector<128xi32>
      %reduce_sum3A_367 = vector.multi_reduction <add>, %convert_element_type3A_365, %reduce_sum3A_366 [1] : vector<128x4096xi32> to vector<128xi32>
      %broadcast_in_dim3A_368 = vector.shape_cast %reduce_sum3A_367 : vector<128xi32> to vector<128x1xi32>
      %ge3A_369 = arith.constant 256 : i32
      %ge3A_370 = vector.broadcast %ge3A_369 : i32 to vector<128x1xi32>
      %ge3A_371 = arith.cmpi sge, %broadcast_in_dim3A_368, %ge3A_370 : vector<128x1xi32>
      %select_n3A_372 = arith.select %ge3A_371, %add3A_362, %select_n3A_359 : vector<128x1xi1>, vector<128x1xi32>
      %add3A_373 = arith.constant 16 : i32
      %add3A_374 = vector.broadcast %add3A_373 : i32 to vector<128x1xi32>
      %add3A_375 = arith.addi %select_n3A_372, %add3A_374 : vector<128x1xi32>
      %ge3A_376 = vector.broadcast %add3A_375 : vector<128x1xi32> to vector<128x4096xi32>
      %ge3A_377 = arith.cmpi sge, %select_n3A, %ge3A_376 : vector<128x4096xi32>
      %convert_element_type3A_378 = arith.extui %ge3A_377 : vector<128x4096xi1> to vector<128x4096xi32>
      %reduce_sum3A_379 = arith.constant dense<0> : vector<128xi32>
      %reduce_sum3A_380 = vector.multi_reduction <add>, %convert_element_type3A_378, %reduce_sum3A_379 [1] : vector<128x4096xi32> to vector<128xi32>
      %broadcast_in_dim3A_381 = vector.shape_cast %reduce_sum3A_380 : vector<128xi32> to vector<128x1xi32>
      %ge3A_382 = arith.constant 256 : i32
      %ge3A_383 = vector.broadcast %ge3A_382 : i32 to vector<128x1xi32>
      %ge3A_384 = arith.cmpi sge, %broadcast_in_dim3A_381, %ge3A_383 : vector<128x1xi32>
      %select_n3A_385 = arith.select %ge3A_384, %add3A_375, %select_n3A_372 : vector<128x1xi1>, vector<128x1xi32>
      %add3A_386 = arith.constant 8 : i32
      %add3A_387 = vector.broadcast %add3A_386 : i32 to vector<128x1xi32>
      %add3A_388 = arith.addi %select_n3A_385, %add3A_387 : vector<128x1xi32>
      %ge3A_389 = vector.broadcast %add3A_388 : vector<128x1xi32> to vector<128x4096xi32>
      %ge3A_390 = arith.cmpi sge, %select_n3A, %ge3A_389 : vector<128x4096xi32>
      %convert_element_type3A_391 = arith.extui %ge3A_390 : vector<128x4096xi1> to vector<128x4096xi32>
      %reduce_sum3A_392 = arith.constant dense<0> : vector<128xi32>
      %reduce_sum3A_393 = vector.multi_reduction <add>, %convert_element_type3A_391, %reduce_sum3A_392 [1] : vector<128x4096xi32> to vector<128xi32>
      %broadcast_in_dim3A_394 = vector.shape_cast %reduce_sum3A_393 : vector<128xi32> to vector<128x1xi32>
      %ge3A_395 = arith.constant 256 : i32
      %ge3A_396 = vector.broadcast %ge3A_395 : i32 to vector<128x1xi32>
      %ge3A_397 = arith.cmpi sge, %broadcast_in_dim3A_394, %ge3A_396 : vector<128x1xi32>
      %select_n3A_398 = arith.select %ge3A_397, %add3A_388, %select_n3A_385 : vector<128x1xi1>, vector<128x1xi32>
      %add3A_399 = arith.constant 4 : i32
      %add3A_400 = vector.broadcast %add3A_399 : i32 to vector<128x1xi32>
      %add3A_401 = arith.addi %select_n3A_398, %add3A_400 : vector<128x1xi32>
      %ge3A_402 = vector.broadcast %add3A_401 : vector<128x1xi32> to vector<128x4096xi32>
      %ge3A_403 = arith.cmpi sge, %select_n3A, %ge3A_402 : vector<128x4096xi32>
      %convert_element_type3A_404 = arith.extui %ge3A_403 : vector<128x4096xi1> to vector<128x4096xi32>
      %reduce_sum3A_405 = arith.constant dense<0> : vector<128xi32>
      %reduce_sum3A_406 = vector.multi_reduction <add>, %convert_element_type3A_404, %reduce_sum3A_405 [1] : vector<128x4096xi32> to vector<128xi32>
      %broadcast_in_dim3A_407 = vector.shape_cast %reduce_sum3A_406 : vector<128xi32> to vector<128x1xi32>
      %ge3A_408 = arith.constant 256 : i32
      %ge3A_409 = vector.broadcast %ge3A_408 : i32 to vector<128x1xi32>
      %ge3A_410 = arith.cmpi sge, %broadcast_in_dim3A_407, %ge3A_409 : vector<128x1xi32>
      %select_n3A_411 = arith.select %ge3A_410, %add3A_401, %select_n3A_398 : vector<128x1xi1>, vector<128x1xi32>
      %add3A_412 = arith.constant 2 : i32
      %add3A_413 = vector.broadcast %add3A_412 : i32 to vector<128x1xi32>
      %add3A_414 = arith.addi %select_n3A_411, %add3A_413 : vector<128x1xi32>
      %ge3A_415 = vector.broadcast %add3A_414 : vector<128x1xi32> to vector<128x4096xi32>
      %ge3A_416 = arith.cmpi sge, %select_n3A, %ge3A_415 : vector<128x4096xi32>
      %convert_element_type3A_417 = arith.extui %ge3A_416 : vector<128x4096xi1> to vector<128x4096xi32>
      %reduce_sum3A_418 = arith.constant dense<0> : vector<128xi32>
      %reduce_sum3A_419 = vector.multi_reduction <add>, %convert_element_type3A_417, %reduce_sum3A_418 [1] : vector<128x4096xi32> to vector<128xi32>
      %broadcast_in_dim3A_420 = vector.shape_cast %reduce_sum3A_419 : vector<128xi32> to vector<128x1xi32>
      %ge3A_421 = arith.constant 256 : i32
      %ge3A_422 = vector.broadcast %ge3A_421 : i32 to vector<128x1xi32>
      %ge3A_423 = arith.cmpi sge, %broadcast_in_dim3A_420, %ge3A_422 : vector<128x1xi32>
      %select_n3A_424 = arith.select %ge3A_423, %add3A_414, %select_n3A_411 : vector<128x1xi1>, vector<128x1xi32>
      %add3A_425 = arith.constant 1 : i32
      %add3A_426 = vector.broadcast %add3A_425 : i32 to vector<128x1xi32>
      %add3A_427 = arith.addi %select_n3A_424, %add3A_426 : vector<128x1xi32>
      %ge3A_428 = vector.broadcast %add3A_427 : vector<128x1xi32> to vector<128x4096xi32>
      %ge3A_429 = arith.cmpi sge, %select_n3A, %ge3A_428 : vector<128x4096xi32>
      %convert_element_type3A_430 = arith.extui %ge3A_429 : vector<128x4096xi1> to vector<128x4096xi32>
      %reduce_sum3A_431 = arith.constant dense<0> : vector<128xi32>
      %reduce_sum3A_432 = vector.multi_reduction <add>, %convert_element_type3A_430, %reduce_sum3A_431 [1] : vector<128x4096xi32> to vector<128xi32>
      %broadcast_in_dim3A_433 = vector.shape_cast %reduce_sum3A_432 : vector<128xi32> to vector<128x1xi32>
      %ge3A_434 = arith.constant 256 : i32
      %ge3A_435 = vector.broadcast %ge3A_434 : i32 to vector<128x1xi32>
      %ge3A_436 = arith.cmpi sge, %broadcast_in_dim3A_433, %ge3A_435 : vector<128x1xi32>
      %select_n3A_437 = arith.select %ge3A_436, %add3A_427, %select_n3A_424 : vector<128x1xi1>, vector<128x1xi32>
      %ge3A_438 = arith.constant 0 : i32
      %ge3A_439 = vector.broadcast %ge3A_438 : i32 to vector<128x1xi32>
      %ge3A_440 = arith.cmpi sge, %select_n3A_437, %ge3A_439 : vector<128x1xi32>
      %xor3A_441 = arith.constant 2147483647 : i32
      %xor3A_442 = vector.broadcast %xor3A_441 : i32 to vector<128x1xi32>
      %xor3A_443 = arith.xori %select_n3A_437, %xor3A_442 : vector<128x1xi32>
      %select_n3A_444 = arith.select %ge3A_440, %select_n3A_437, %xor3A_443 : vector<128x1xi1>, vector<128x1xi32>
      %bitcast_convert_type3A_445 = tpu.bitcast %select_n3A_444 : vector<128x1xi32> -> vector<128x1xf32>
      %broadcast_in_dim3A_446 = vector.shape_cast %bitcast_convert_type3A_445 : vector<128x1xf32> to vector<128x1xf32>
      %broadcast_in_dim3A_447 = vector.broadcast %broadcast_in_dim3A_446 : vector<128x1xf32> to vector<128x16xf32>
      %swap3A_448 = arith.constant 0 : index
      %swap3A_449 = arith.constant 0 : index
      %swap3A_450 = vector.load %arg4[%swap3A_448, %swap3A_449] : memref<128x16xf32, #tpu.memory_space<vmem>>, vector<128x16xf32>
      tpu.vector_store %arg4[%swap3A_448, %swap3A_449], %broadcast_in_dim3A_447 {strides = array<i32>} : memref<128x16xf32, #tpu.memory_space<vmem>>, vector<128x16xf32>,
    } else {
    }
    %sub3A = arith.constant 1 : i32
    %sub3A_2 = arith.subi %arg0, %sub3A : i32
    %max3A = arith.constant 0 : i32
    %max3A_3 = arith.maxsi %sub3A_2, %max3A : i32
    %mul3A = arith.constant 8 : i32
    %mul3A_4 = arith.muli %max3A_3, %mul3A : i32
    %get3A = arith.index_cast %mul3A_4 : i32 to index
    %get3A_5 = arith.constant 0 : index
    %get3A_6 = vector.load %arg4[%get3A, %get3A_5] : memref<128x16xf32, #tpu.memory_space<vmem>>, vector<8x1xf32>
    %get3A_7 = arith.constant 0 : index
    %get3A_8 = arith.constant 0 : index
    %get3A_9 = vector.load %arg2[%get3A_7, %get3A_8] : memref<8x32768xf32, #tpu.memory_space<vmem>>, vector<8x32768xf32>
    %ge3A = vector.broadcast %get3A_6 : vector<8x1xf32> to vector<8x32768xf32>
    %ge3A_10 = arith.cmpf oge, %get3A_9, %ge3A : vector<8x32768xf32>
    %convert_element_type3A_11 = arith.extui %ge3A_10 : vector<8x32768xi1> to vector<8x32768xi32>
    %convert_element_type3A_12 = arith.sitofp %convert_element_type3A_11 : vector<8x32768xi32> to vector<8x32768xf32>
    %swap3A = arith.constant 0 : index
    %swap3A_13 = arith.constant 0 : index
    %swap3A_14 = vector.load %arg3[%swap3A, %swap3A_13] : memref<8x32768xf32, #tpu.memory_space<vmem>>, vector<8x32768xf32>
    tpu.vector_store %arg3[%swap3A, %swap3A_13], %convert_element_type3A_12 {strides = array<i32>} : memref<8x32768xf32, #tpu.memory_space<vmem>>, vector<8x32768xf32>,
    return
  }
  func.func @transform_0(%arg0: i32) -> (i32, i32) {
    %c0_i32 = arith.constant 0 : i32
    %c0_i32_0 = arith.constant 0 : i32
    %c0_i32_1 = arith.constant 0 : i32
    return %c0_i32, %c0_i32_0 : i32, i32
  }
  func.func @transform_1(%arg0: i32) -> (i32, i32) {
    %sub3A = arith.constant 1 : i32
    %sub3A_0 = arith.subi %arg0, %sub3A : i32
    %max3A = arith.constant 0 : i32
    %max3A_1 = arith.maxsi %sub3A_0, %max3A : i32
    %c0_i32 = arith.constant 0 : i32
    %c0_i32_2 = arith.constant 0 : i32
    return %max3A_1, %c0_i32 : i32, i32
  }
  func.func @transform_2(%arg0: i32) -> (i32, i32) {
    %sub3A = arith.constant 1 : i32
    %sub3A_0 = arith.subi %arg0, %sub3A : i32
    %max3A = arith.constant 0 : i32
    %max3A_1 = arith.maxsi %sub3A_0, %max3A : i32
    %c0_i32 = arith.constant 0 : i32
    %c0_i32_2 = arith.constant 0 : i32
    return %max3A_1, %c0_i32 : i32, i32
  }
}

</mosaic_0001>

<sc_bundles>
// kernel: kernel.6.cloned.1.call-start
scs
__scs_entry_jumppad:
0x0: {  	(pc) =	sbr.rel $0x88, $3  }
0x1: {  	(tag) =	ssettag $0x0;
	lr =	simm.s32 $0x1  }
0x2: {  	[smem:$0x3FA0] =	sst lr;
	_ =	strace $0xD0000000  }
0x3: {  	_ = 	snop  }
0x4: {  	_ = 	snop  }
0x5: {  	_ = 	snop  }
0x6: {  	_ = 	snop  }
0x7: {  	_ = 	snop  }
__scs_overlays_trampoline_lowered:
0x8: {  	[smem:$0x3FAF] =	sst s0  }
0x9: {  	[smem:$0x3FB0] =	sst s1  }
0xa: {  	[smem:$0x3FB1] =	sst s2  }
0xb: {  	[smem:$0x3FB2] =	sst s3  }
0xc: {  	[smem:$0x3FB3] =	sst s4  }
0xd: {  	[smem:$0x3FB4] =	sst s5  }
0xe: {  	[smem:$0x3FB5] =	sst s6  }
0xf: {  	[smem:$0x3FB6] =	sst s7  }
0x10: {  	[smem:$0x3FB7] =	sst s8  }
0x11: {  	[smem:$0x3FB8] =	sst s9;
	s0 =	simm.s32 @!p0 $0x0  }
0x12: {  	s1 =	sld [smem:$0x3F9E];
	s0 =	simm.s32 @p0 $0x1  }
0x13: {  	[smem:$0x3FB9] =	sst s0;
	s0 =	simm.s32 @!p1 $0x0  }
0x14: {  	s2 =	sld [smem:$0x3F9D];
	s0 =	simm.s32 @p1 $0x1  }
0x15: {  	[smem:$0x3FBA] =	sst s0;
	s0 =	simm.s32 @!p2 $0x0  }
0x16: {  	s3 =	sld [smem:$0x3FDB];
	s0 =	simm.s32 @p2 $0x1  }
0x17: {  	s4 =	simm.s32 $0x1BF5;
	[smem:$0x3FBC] =	sst s0  }
0x18: {  	s0 =	sld [smem:$0x3F9F];
	_ =	swait.ge [sflag:s4], $0x0  }
0x19: {  	s7 =	sld [smem:$0x3FA0]  }
0x1a: {  	s8 =	sadd.s32 $0xFFFFE003, lr  }
0x1b: {  	s9 =	sadd.s32 $0xFFFFFEF7, lr;
	s5 =	simm.s32 $0xFFFFFFFF;
	p2 =	slt.u32 s8, $0xFFFFF086  }
0x1c: {  	p1 =	slt.u32 s9, $0xF7A;
	s5 =	simm.s32 @!p2 $0x0  }
0x1d: {  	s5 =	simm.s32 @p1 $0x1;
	p0 =	seq.s32 s7, s2  }
0x1e: {  	s7 =	smul.u32 @!p0 $0xF7A, s2;
	p2 =	seq.s32 @!p0 s5, $0x0  }
0x1f: {  	s9 =	smul.u32 $0xF7A, s1;
	s8 =	simm.s32 @!p0 $0x1BF5;
	p2 =	por !p2, p0  }
0x20: {  	[sflag:s8] =	ssyncset.s32 @!p0 $0xFFFFF086;
	s6 =	sadd.s32 @!p0 s3, s7;
	s7 =	simm.s32 @!p0 $0x108  }
0x21: {  	s3 =	sadd.s32 s3, s9;
	s6 =	sadd.s32 @!p0 $0x88, s6;
	s7 =	simm.s32 @p2 $0x1082  }
0x22: {  	[simem:s7], [sflag:s8] =	dma.local @!p0 [hbm:s6], $0xF7A  }
0x23: {  	s9 =	sor.u32 $0xD0000000, s2;
	s6 =	simm.s32 $0x108;
	_ =	swait.ge @!p0 [sflag:s8], $0x0  }
0x24: {  	s3 =	sadd.s32 $0x88, s3;
	s6 =	simm.s32 @!p1 $0x1082;
	[sflag:s4] =	ssyncset.s32 $0xFFFFF086  }
0x25: {  	[simem:s6], [sflag:s4] =	dma.local [hbm:s3], $0xF7A  }
0x26: {  	[smem:$0x3FA0] =	sst s1;
	(tag) =	ssettag s2;
	_ =	strace s9  }
0x27: {  	s1 =	sld [smem:$0x3FB0]  }
0x28: {  	s2 =	sld [smem:$0x3FB1]  }
0x29: {  	s4 =	sld [smem:$0x3FB3]  }
0x2a: {  	p0 =	seq.s32 s5, $0x0;
	s5 =	sld [smem:$0x3FB4]  }
0x2b: {  	s6 =	sld [smem:$0x3FB5]  }
0x2c: {  	s7 =	sld [smem:$0x3FB6]  }
0x2d: {  	s3 =	simm.s32 $0x108;
	s8 =	sld [smem:$0x3FB7]  }
0x2e: {  	s3 =	simm.s32 @!p0 $0x1082;
	s9 =	sld [smem:$0x3FB8]  }
0x2f: {  	lr =	sadd.s32 s0, s3;
	s0 =	sld [smem:$0x3FAF]  }
0x30: {  	s3 =	sld [smem:$0x3FB2]  }
0x31: {  	[smem:$0x3FBB] =	sst s10  }
0x32: {  	s10 =	sld [smem:$0x3FB9];
	_ =	sdelay $0x3  }
0x33: {  	p0 =	seq.s32 s10, $0x1;
	s10 =	sld [smem:$0x3FBB];
	_ =	sdelay $0x3  }
0x34: {  	[smem:$0x3FBB] =	sst s10  }
0x35: {  	s10 =	sld [smem:$0x3FBA];
	_ =	sdelay $0x3  }
0x36: {  	p1 =	seq.s32 s10, $0x1;
	s10 =	sld [smem:$0x3FBB];
	_ =	sdelay $0x3  }
0x37: {  	[smem:$0x3FBB] =	sst s10  }
0x38: {  	s10 =	sld [smem:$0x3FBC]  }
0x39: {  	_ = 	snop;
	(pc) =	sbr.ind lr, $3  }
0x3a: {  	_ = 	snop  }
0x3b: {  	_ = 	snop  }
0x3c: {  	p2 =	seq.s32 s10, $0x1;
	s10 =	sld [smem:$0x3FBB]  }
0x3d: {  	_ =	shalt  }
0x3e: {  	_ =	shalt  }
0x3f: {  	_ =	shalt  }
0x40: {  	_ =	shalt  }
0x41: {  	_ =	shalt  }
0x42: {  	_ =	shalt  }
0x43: {  	_ =	shalt  }
0x44: {  	_ =	shalt  }
0x45: {  	_ =	shalt  }
0x46: {  	_ =	shalt  }
0x47: {  	_ =	shalt  }
0x48: {  	_ =	shalt  }
0x49: {  	_ =	shalt  }
0x4a: {  	_ =	shalt  }
0x4b: {  	_ =	shalt  }
0x4c: {  	_ =	shalt  }
0x4d: {  	_ =	shalt  }
0x4e: {  	_ =	shalt  }
0x4f: {  	_ =	shalt  }
0x50: {  	_ =	shalt  }
0x51: {  	_ =	shalt  }
0x52: {  	_ =	shalt  }
0x53: {  	_ =	shalt  }
0x54: {  	_ =	shalt  }
0x55: {  	_ =	shalt  }
0x56: {  	_ =	shalt  }
0x57: {  	_ =	shalt  }
0x58: {  	_ =	shalt  }
0x59: {  	_ =	shalt  }
0x5a: {  	_ =	shalt  }
0x5b: {  	_ =	shalt  }
0x5c: {  	_ =	shalt  }
0x5d: {  	_ =	shalt  }
0x5e: {  	_ =	shalt  }
0x5f: {  	_ =	shalt  }
0x60: {  	_ =	shalt  }
0x61: {  	_ =	shalt  }
0x62: {  	_ =	shalt  }
0x63: {  	_ =	shalt  }
0x64: {  	_ =	shalt  }
0x65: {  	_ =	shalt  }
0x66: {  	_ =	shalt  }
0x67: {  	_ =	shalt  }
0x68: {  	_ =	shalt  }
0x69: {  	_ =	shalt  }
0x6a: {  	_ =	shalt  }
0x6b: {  	_ =	shalt  }
0x6c: {  	_ =	shalt  }
0x6d: {  	_ =	shalt  }
0x6e: {  	_ =	shalt  }
0x6f: {  	_ =	shalt  }
0x70: {  	_ =	shalt  }
0x71: {  	_ =	shalt  }
0x72: {  	_ =	shalt  }
0x73: {  	_ =	shalt  }
0x74: {  	_ =	shalt  }
0x75: {  	_ =	shalt  }
0x76: {  	_ =	shalt  }
0x77: {  	_ =	shalt  }
0x78: {  	_ =	shalt  }
0x79: {  	_ =	shalt  }
0x7a: {  	_ =	shalt  }
0x7b: {  	_ =	shalt  }
0x7c: {  	_ =	shalt  }
0x7d: {  	_ =	shalt  }
0x7e: {  	_ =	shalt  }
0x7f: {  	_ =	shalt  }
0x80: {  	_ =	shalt  }
0x81: {  	_ =	shalt  }
0x82: {  	_ =	shalt  }
0x83: {  	_ =	shalt  }
0x84: {  	_ =	shalt  }
0x85: {  	_ =	shalt  }
0x86: {  	_ =	shalt  }
0x87: {  	_ =	shalt  }
.Lfunc_end0:
.L_simem_size_0:
called_computation_lowered:
.L_overlay_start_0:
0x88: {  	s2 =	sld [smem:$0x3FD9]  }
0x89: {  	s3 =	sld [smem:$0x3FFE];
	_ =	sdelay $0x1  }
0x8a: {  	s1 =	srdreg.scid  }
0x8b: {  	s0 =	sand.u32 $0x1, s1  }
0x8c: {  	s17 =	sshll.u32 s0, $0xA;
	s2 =	sadd.s32 s3, s2  }
0x8d: {  	s2 =	sadd.s32 s2, s17  }
0x8e: {  	[smem:$0x3FC7] =	sst s2  }
0x8f: {  	_ = 	snop  }
0x90: {  	s2 =	sld [smem:$0x3FD0];
	(tm) =	ssettm $0x1  }
0x91: {  	s18 =	sld [smem:$0x3FFB];
	_ =	sdelay $0x3  }
0x92: {  	_ =	strace s18  }
0x93: {  	s3 =	sld [smem:$0x3FFC];
	_ =	sdelay $0x3  }
0x94: {  	_ =	strace s3  }
0x95: {  	s3 =	sld [smem:$0x3FFD];
	_ =	sdelay $0x3  }
0x96: {  	_ =	strace s3  }
0x97: {  	_ =	strace $0x8FFFFFFF  }
0x98: {  	s19 =	sld [smem:$0x3FDB];
	_ =	sdelay $0x1  }
0x99: {  	s4 =	simm.s32 $_scs_section_size  }
0x9a: {  	s5 =	simm.s32 $_size__tile_overlayer_lowered;
	s6 =	simm.s32 $_tile_overlayer_lowered  }
0x9b: {  	s22 =	simm.s32 $0x1BFF;
	s21 =	sshll.u32 s6, $0x1;
	s3 =	sadd.s32 s4, s19  }
0x9c: {  	s7 =	simm.s32 $0x0;
	s20 =	sshll.u32 s5, $0x1;
	s5 =	sadd.s32 s21, s3  }
0x9d: {  	[timem:s7], [sflag:s22] =	dma.local [hbm:s5], s20  }
0x9e: {  	_ =	swait.ge [sflag:s22], s20  }
0x9f: {  	s4 =	ssub.s32 $0x0, s20;
	[sflag:s22] =	ssyncset.done $0x0  }
0xa0: {  	[sflag:s22] =	ssyncadd.s32 s4;
	_ =	sdelay $0x1  }
0xa1: {  	s23 =	simm.s32 $0x1B8B  }
0xa2: {  	_ =	swait.ge [sflag:s23], $0x1  }
0xa3: {  	[sflag:s23] =	ssyncset.done $0x0  }
0xa4: {  	s25 =	simm.s32 $0x1B8E;
	s24 =	sld [smem:$0x3FFE];
	[sflag:s23] =	ssyncadd.s32 $0xFFFFFFFF  }
0xa5: {  	s26 =	simm.s32 $execute0_lowered;
	[smem:$0x3FD2] =	sst s25  }
0xa6: {  	s5 =	sshll.u32 s26, $0x1;
	_ =	strace $0x80000046;
	[dreg:$0x1] =	wrdreg $0xFFFFFFFF  }
0xa7: {  	s28 =	simm.s32 $_size_execute0_lowered;
	s3 =	sadd.s32 s3, s5;
	[dreg:$0x0] =	wrdreg $0x0  }
0xa8: {  	s5 =	sshll.u32 s28, $0x1;
	[dreg:$0x2] =	wrdreg s3  }
0xa9: {  	[dreg:$0x3] =	wrdreg s5  }
0xaa: {  	[dreg:$0x4] =	wrdreg $0xC0  }
0xab: {  	_ =	task [dreg:s7], $0x5FFFF  }
0xac: {  	[dreg:$0x1] =	wrdreg $0xFFFFFFFF  }
0xad: {  	[dreg:$0x0] =	wrdreg $0x60  }
0xae: {  	[dreg:$0x2] =	wrdreg s2  }
0xaf: {  	[dreg:$0x3] =	wrdreg s24  }
0xb0: {  	[dreg:$0x4] =	wrdreg $0x9  }
0xb1: {  	_ =	task.clear_ibuf [dreg:s7], $0x5FFFF;
	_ =	strace $0x90000046  }
0xb2: {  	s29 =	simm.s32 $0x9;
	_ =	strace $0x80000048  }
0xb3: {  	_ =	swait.ge [sflag:s29], $0x1  }
0xb4: {  	[sflag:s29] =	ssyncadd.s32 $0xFFFFFFFF  }
0xb5: {  	_ =	strace $0x90000048  }
0xb6: {  	_ =	sfence  }
0xb7: {  	s30 =	sld [smem:$0x0];
	_ =	sdelay $0x2  }
0xb8: {  	s31 =	sshll.u32 s1, $0xD;
	s1 =	sshrl.u32 s1, $0x2  }
0xb9: {  	s3 =	sand.u32 $0x4000, s31;
	s1 =	sadd.s32 s1, s30  }
0xba: {  	s0 =	sor.u32 s3, s0;
	s1 =	sshll.u32 s1, $0x11  }
0xbb: {  	s0 =	sor.u32 s1, s0  }
0xbc: {  	s0 =	sadd.s32 $0x8F2B, s0  }
0xbd: {  	[sflag:s0] =	ssyncadd.remote.s32 $0x1  }
0xbe: {  	_ =	sfence.sel $0xFFFF  }
0xbf: {  	[dreg:$0x0] =	wrdreg $0xFFFFFFFF;
	(pc) =	sbr.abs _section_cstart, $3  }
0xc0: {  	[dreg:$0x1] =	wrdreg $0xFFFFFFFF  }
0xc1: {  	_ =	task.clear_ibuf [dreg:s7], $0x2FFFF;
	_ =	strace $0x9FFFFFFF  }
0xc2: {  	(tm) =	ssettm $0x7FFFFFFF  }
0xc3: {  	_ =	shalt  }
tec
execute0_lowered:
.L_overlay_start_1:
0x0: {  	(tag) =	ssettag $0x1  }
0x1: {  	s1 =	rddreg [dreg:$0x0]  }
0x2: {  	s0 =	rddreg [dreg:$0x1];
	s2 =	simm.s32 $0x0  }
0x3: {  	s4 =	srdreg.scid;
	s3 =	stileid.u32;
	s28 =	simm.s32 $0x0  }
0x4: {  	[smem:$0x7FF] =	sst s2;
	s13 =	sadd.s32 $0x1A00, s0;
	s14 =	sand.u32 $0x1, s4  }
0x5: {  	s15 =	sshll.u32 s3, $0xE;
	s16 =	sadd.s32 $0x9A00, s0;
	s0 =	sadd.s32 $0xA200, s0  }
0x6: {  	s18 =	sshll.u32 s3, $0xA;
	_ =	strace $0x80000047;
	s4 =	ssub.s32 $0x2, s14  }
0x7: {  	s5 =	sshll.u32 s14, $0x9;
	s30 =	sshll.u32 s14, $0xD;
	s6 =	sshrl.u32 s4, $0x1  }
0x8: {  	s7 =	sor.u32 s5, s15;
	s10 =	sor.u32 s5, s18;
	s8 =	sor.u32 $0x80, s5  }
0x9: {  	s17 =	ssub.s32 s4, s6;
	s19 =	sshrl.u32 s7, $0x3;
	s21 =	sshrl.u32 s10, $0x3  }
0xa: {  	s22 =	sor.u32 s15, s8;
	s9 =	sor.u32 s18, s8;
	s11 =	sor.u32 $0x100, s10  }
0xb: {  	s4 =	sadd.s32 s13, s19;
	s19 =	sshll.u32 s3, $0xF;
	s7 =	sshrl.u32 s22, $0x3  }
0xc: {  	s9 =	sshrl.u32 s9, $0x3;
	s11 =	sand.u32 $0x300, s11;
	s17 =	smax.u32 s17, $0x1  }
0xd: {  	s20 =	sor.u32 s5, s19;
	s5 =	sadd.s32 s16, s21;
	s7 =	sadd.s32 s13, s7  }
0xe: {  	s12 =	sor.u32 s19, s8;
	s8 =	sadd.s32 s16, s9;
	s24 =	sor.u32 s15, s11  }
0xf: {  	s25 =	sor.u32 s18, s11;
	s21 =	sor.u32 s19, s11;
	s6 =	sshrl.u32 s20, $0x3  }
0x10: {  	s23 =	sshrl.u32 s12, $0x3;
	s12 =	sshrl.u32 s24, $0x3;
	s20 =	sor.u32 $0x180, s10  }
0x11: {  	s26 =	sshrl.u32 s21, $0x3;
	s21 =	simm.s32 $0x80;
	s24 =	simm.s32 $0x800  }
0x12: {  	s6 =	sadd.s32 s0, s6;
	s9 =	sadd.s32 s0, s23;
	s10 =	sadd.s32 s13, s12  }
0x13: {  	s20 =	sand.u32 $0x380, s20;
	s12 =	sshrl.u32 s25, $0x3;
	s23 =	simm.s32 $0x2  }
0x14: {  	s25 =	simm.s32 $0x1;
	s22 =	sor.u32 s15, s20;
	s11 =	sadd.s32 s16, s12  }
0x15: {  	s12 =	sadd.s32 s0, s26;
	s18 =	sor.u32 s18, s20;
	s19 =	sor.u32 s19, s20  }
0x16: {  	s15 =	sor.u32 s30, s15;
	s26 =	simm.s32 $0x1100;
	s29 =	sshrl.u32 s22, $0x3  }
0x17: {  	s18 =	sshrl.u32 s18, $0x3;
	s31 =	sshrl.u32 s19, $0x3;
	s19 =	sor.u32 $0x1000, s15  }
0x18: {  	v0 =	vlaneseq.u32;
	s20 =	sor.u32 $0x1800, s15;
	s22 =	simm.s32 $0x400;
	s13 =	sadd.s32 s13, s29  }
0x19: {  	v1 =	vimm.s32 $0x0;
	v0 =	vmul.u32 $0x10, v0;
	s14 =	sadd.s32 s16, s18;
	s16 =	sadd.s32 s0, s31;
	s18 =	sor.u32 $0x800, s15  }
.LBB2_1:
0x1a: {  	[tilespmem:s2], [sflag:$0x2] =	stream.strided.gather [hbm4b:s4+s21], $0x800, s22, s21, $0x38;
	[tilespmem:$0x2100] =	vst v63  }
0x1b: {  	_ =	swait.ge [sflag:s23], $0x800  }
0x1c: {  	[sflag:s23] =	ssyncset.done $0x0  }
0x1d: {  	[sflag:s23] =	ssyncadd.s32 $0xFFFFF800  }
0x1e: {  	[tilespmem:s24], [sflag:$0x2] =	stream.linear.gather [hbm4b:s5+s2], $0x80, $0x38;
	[tilespmem:$0x2100] =	vst v63  }
0x1f: {  	_ =	swait.ge [sflag:s23], $0x80  }
0x20: {  	[sflag:s23] =	ssyncset.done $0x0  }
0x21: {  	[sflag:s23] =	ssyncadd.s32 $0xFFFFFF80  }
0x22: {  	s0 =	simm.s32 $0x0;
	v2 =	vld [tilespmem:$0x800]  }
0x23: {  	v3 =	vld [tilespmem:s0+$0x0];
	_ =	sdelay $0x4  }
0x24: {  	vm0 =	vgt.f32 v3, v2  }
0x25: {  	v3 =	vsel vm0, $0x1, v1  }
0x26: {  	(xrf0) =	vadd.scan.msk.s32 $0xffff, v3;
	_ =	sdelay $0x4  }
0x27: {  	v3 =	vmov s15  }
0x28: {  	v3 =	vshll.u32 v3, $0x4;
	v4, _, _ =	vpop (xrf0)  }
0x29: {  	s31 =	simm.s32 $0x80;
	v3 =	vor.u32 v0, v3;
	(v2sf) =	vpush v4, $0xF  }
0x2a: {  	s30 =	smov.u32 s15;
	s29 =	simm.s32 $0x0;
	s0 =	simm.s32 $0x10;
	[tilespmem:s2+$0x880] =	vst.msk vm0, v3  }
.LBB2_2:
0x2b: {  	p0 =	seq.s32 s31, $0x1FC0;
	v3 =	vld [tilespmem:s0+$0x0];
	_ =	sdelay $0x4  }
0x2c: {  	vm0 =	vgt.f32 v3, v2  }
0x2d: {  	v3 =	vsel vm0, $0x1, v1  }
0x2e: {  	(xrf0) =	vadd.scan.msk.s32 $0xffff, v3;
	_ =	sdelay $0x3  }
.Ltmp0:
0x2f: {  	s30 =	sadd.s32 $0x10, s30;
	(pc) =	sbr.rel @!p0 .LBB2_2-.Ltmp0, $4  }
0x30: {  	v3 =	vmov s30  }
0x31: {  	v3 =	vshll.u32 v3, $0x4;
	v4, _, _ =	vpop (xrf0);
	s0 =	spop (v2sf)  }
0x32: {  	v3 =	vor.u32 v0, v3;
	(v2sf) =	vpush v4, $0xF;
	s29 =	sadd.s32 s29, s0  }
0x33: {  	s0 =	sshra.s32 s31, $0x2;
	s31 =	sadd.s32 $0x40, s31;
	[tilespmem:s29+$0x880] =	vst.msk vm0, v3  }
0x34: {  	v3 =	vld [tilespmem:s0+$0x0];
	_ =	sdelay $0x4  }
0x35: {  	vm0 =	vgt.f32 v3, v2  }
0x36: {  	v3 =	vsel vm0, $0x1, v1  }
0x37: {  	(xrf0) =	vadd.scan.msk.s32 $0xffff, v3;
	_ =	sdelay $0x5  }
0x38: {  	v3, _, _ =	vpop (xrf0)  }
0x39: {  	(v2sf) =	vpush v3, $0xF;
	_ =	sdelay $0xc  }
0x3a: {  	s3 =	sadd.s32 $0x10, s30  }
0x3b: {  	v3 =	vmov s3;
	s3 =	spop (v2sf)  }
0x3c: {  	s0 =	sadd.s32 s29, s3;
	s29 =	spop (v2sf)  }
0x3d: {  	s29 =	sadd.s32 s0, s29  }
0x3e: {  	p0 =	slt.s32 s29, $0x100  }
.Ltmp1:
0x3f: {  	_ = 	snop;
	(pc) =	sbr.rel @!p0 .LBB2_5-.Ltmp1, $4  }
0x40: {  	_ = 	snop  }
0x41: {  	v3 =	vshll.u32 v3, $0x4  }
0x42: {  	v3 =	vor.u32 v0, v3  }
0x43: {  	s30 =	simm.s32 $0x0;
	s31 =	smov.u32 s15;
	[tilespmem:s0+$0x880] =	vst.msk vm0, v3;
	s0 =	simm.s32 $0x0  }
.LBB2_4:
0x44: {  	v3 =	vld [tilespmem:s30+$0x0];
	_ =	sdelay $0x4  }
0x45: {  	vm0 =	veq.f32 v3, v2  }
0x46: {  	v3 =	vsel vm0, $0x1, v1  }
0x47: {  	(xrf0) =	vadd.scan.msk.s32 $0xffff, v3;
	_ =	sdelay $0x5  }
0x48: {  	v3, _, _ =	vpop (xrf0)  }
0x49: {  	(v2sf) =	vpush v3, $0xF;
	_ =	sdelay $0xc  }
0x4a: {  	v3 =	vmov s31  }
0x4b: {  	v3 =	vshll.u32 v3, $0x4  }
0x4c: {  	v3 =	vor.u32 v0, v3;
	s3 =	spop (v2sf)  }
0x4d: {  	p0 =	sgt.u32 s0, $0x7E;
	[tilespmem:s29+$0x880] =	vst.msk vm0, v3;
	s29 =	sadd.s32 s29, s3  }
0x4e: {  	p1 =	slt.s32 @!p0 s29, $0x100  }
0x4f: {  	p0 =	por p0, !p1  }
.Ltmp2:
0x50: {  	_ = 	snop;
	(pc) =	sbr.rel @!p0 .LBB2_4-.Ltmp2, $2  }
0x51: {  	_ =	sdelay $0x2  }
0x52: {  	s0 =	sadd.s32 $0x1, s0;
	s30 =	sadd.s32 $0x10, s30;
	s31 =	sadd.s32 $0x10, s31  }
.LBB2_5:
0x53: {  	s0 =	simm.s32 $0x880  }
0x54: {  	v2 =	vld [tilespmem:s0+$0x0];
	_ =	sdelay $0x4  }
0x55: {  	v2 =	vshrl.u32 v2, $0x3  }
0x56: {  	v2 =	vadd.s32 s1, v2  }
0x57: {  	(v2sf) =	vpush v2, $0x0;
	_ =	sdelay $0x1  }
0x58: {  	(v2sf) =	vpush v2, $0x1;
	_ =	sdelay $0x1  }
0x59: {  	(v2sf) =	vpush v2, $0x2;
	_ =	sdelay $0x1  }
0x5a: {  	(v2sf) =	vpush v2, $0x3;
	_ =	sdelay $0x1  }
0x5b: {  	(v2sf) =	vpush v2, $0x4;
	_ =	sdelay $0x1  }
0x5c: {  	(v2sf) =	vpush v2, $0x5;
	_ =	sdelay $0x1  }
0x5d: {  	(v2sf) =	vpush v2, $0x6;
	_ =	sdelay $0x1  }
0x5e: {  	(v2sf) =	vpush v2, $0x7  }
0x5f: {  	s0 =	simm.s32 $0x1100;
	s3 =	spop (v2sf)  }
0x60: {  	(v2sf) =	vpush v2, $0x8;
	[tilespmem:s0], [sflag:$0x1] =	stream.linear.gather [hbm4b:s3+s2], $0x10, $0x38;
	[tilespmem:$0x2100] =	vst v63  }
0x61: {  	s0 =	simm.s32 $0x1110;
	s3 =	spop (v2sf)  }
0x62: {  	(v2sf) =	vpush v2, $0x9;
	[tilespmem:s0], [sflag:$0x1] =	stream.linear.gather [hbm4b:s3+s2], $0x10, $0x38;
	[tilespmem:$0x2100] =	vst v63  }
0x63: {  	s0 =	simm.s32 $0x1120;
	s3 =	spop (v2sf)  }
0x64: {  	(v2sf) =	vpush v2, $0xA;
	[tilespmem:s0], [sflag:$0x1] =	stream.linear.gather [hbm4b:s3+s2], $0x10, $0x38;
	[tilespmem:$0x2100] =	vst v63  }
0x65: {  	s0 =	simm.s32 $0x1130;
	s3 =	spop (v2sf)  }
0x66: {  	(v2sf) =	vpush v2, $0xB;
	[tilespmem:s0], [sflag:$0x1] =	stream.linear.gather [hbm4b:s3+s2], $0x10, $0x38;
	[tilespmem:$0x2100] =	vst v63  }
0x67: {  	s0 =	simm.s32 $0x1140;
	s3 =	spop (v2sf)  }
0x68: {  	(v2sf) =	vpush v2, $0xC;
	[tilespmem:s0], [sflag:$0x1] =	stream.linear.gather [hbm4b:s3+s2], $0x10, $0x38;
	[tilespmem:$0x2100] =	vst v63  }
0x69: {  	s0 =	simm.s32 $0x1150;
	s3 =	spop (v2sf)  }
0x6a: {  	(v2sf) =	vpush v2, $0xD;
	[tilespmem:s0], [sflag:$0x1] =	stream.linear.gather [hbm4b:s3+s2], $0x10, $0x38;
	[tilespmem:$0x2100] =	vst v63  }
0x6b: {  	s0 =	simm.s32 $0x1160;
	s3 =	spop (v2sf)  }
0x6c: {  	(v2sf) =	vpush v2, $0xE;
	[tilespmem:s0], [sflag:$0x1] =	stream.linear.gather [hbm4b:s3+s2], $0x10, $0x38;
	[tilespmem:$0x2100] =	vst v63  }
0x6d: {  	s0 =	simm.s32 $0x1170;
	s3 =	spop (v2sf)  }
0x6e: {  	(v2sf) =	vpush v2, $0xF;
	[tilespmem:s0], [sflag:$0x1] =	stream.linear.gather [hbm4b:s3+s2], $0x10, $0x38;
	[tilespmem:$0x2100] =	vst v63  }
0x6f: {  	s0 =	simm.s32 $0x1180;
	s3 =	spop (v2sf)  }
0x70: {  	[tilespmem:s0], [sflag:$0x1] =	stream.linear.gather [hbm4b:s3+s2], $0x10, $0x38;
	[tilespmem:$0x2100] =	vst v63  }
0x71: {  	s0 =	simm.s32 $0x1190;
	s3 =	spop (v2sf)  }
0x72: {  	[tilespmem:s0], [sflag:$0x1] =	stream.linear.gather [hbm4b:s3+s2], $0x10, $0x38;
	[tilespmem:$0x2100] =	vst v63  }
0x73: {  	s0 =	simm.s32 $0x11A0;
	s3 =	spop (v2sf)  }
0x74: {  	[tilespmem:s0], [sflag:$0x1] =	stream.linear.gather [hbm4b:s3+s2], $0x10, $0x38;
	[tilespmem:$0x2100] =	vst v63  }
0x75: {  	s0 =	simm.s32 $0x11B0;
	s3 =	spop (v2sf)  }
0x76: {  	[tilespmem:s0], [sflag:$0x1] =	stream.linear.gather [hbm4b:s3+s2], $0x10, $0x38;
	[tilespmem:$0x2100] =	vst v63  }
0x77: {  	s0 =	simm.s32 $0x11C0;
	s3 =	spop (v2sf)  }
0x78: {  	[tilespmem:s0], [sflag:$0x1] =	stream.linear.gather [hbm4b:s3+s2], $0x10, $0x38;
	[tilespmem:$0x2100] =	vst v63  }
0x79: {  	s0 =	simm.s32 $0x11D0;
	s3 =	spop (v2sf)  }
0x7a: {  	[tilespmem:s0], [sflag:$0x1] =	stream.linear.gather [hbm4b:s3+s2], $0x10, $0x38;
	[tilespmem:$0x2100] =	vst v63  }
0x7b: {  	s29 =	simm.s32 $0x400;
	s0 =	simm.s32 $0x11E0;
	s3 =	spop (v2sf)  }
0x7c: {  	[tilespmem:s0], [sflag:$0x1] =	stream.linear.gather [hbm4b:s3+s2], $0x10, $0x38;
	[tilespmem:$0x2100] =	vst v63  }
0x7d: {  	s30 =	simm.s32 $0x890;
	s31 =	spop (v2sf);
	s0 =	simm.s32 $0x11F0  }
.LBB2_6:
0x7e: {  	[tilespmem:s0], [sflag:$0x1] =	stream.linear.gather [hbm4b:s31+s2], $0x10, $0x38;
	[tilespmem:$0x2100] =	vst v63  }
0x7f: {  	p0 =	sne.s32 s29, $0x3C00;
	s0 =	smov.u32 s29;
	s29 =	sadd.s32 $0x400, s29;
	v2 =	vld [tilespmem:s30+$0x0]  }
0x80: {  	_ =	sdelay $0x3  }
0x81: {  	v2 =	vshrl.u32 v2, $0x3  }
0x82: {  	v2 =	vadd.s32 s1, v2  }
0x83: {  	(v2sf) =	vpush v2, $0x0;
	_ =	sdelay $0x1  }
0x84: {  	(v2sf) =	vpush v2, $0x1;
	_ =	sdelay $0x1  }
0x85: {  	(v2sf) =	vpush v2, $0x2;
	_ =	sdelay $0x1  }
0x86: {  	(v2sf) =	vpush v2, $0x3;
	_ =	sdelay $0x1  }
0x87: {  	(v2sf) =	vpush v2, $0x4;
	_ =	sdelay $0x1  }
0x88: {  	(v2sf) =	vpush v2, $0x5;
	_ =	sdelay $0x1  }
0x89: {  	(v2sf) =	vpush v2, $0x6;
	_ =	sdelay $0x1  }
0x8a: {  	s31 =	sshra.s32 s0, $0x2;
	(v2sf) =	vpush v2, $0x7  }
0x8b: {  	s0 =	sadd.s32 $0x1100, s31;
	s3 =	spop (v2sf)  }
0x8c: {  	[tilespmem:s0], [sflag:$0x1] =	stream.linear.gather [hbm4b:s3+s2], $0x10, $0x38;
	(v2sf) =	vpush v2, $0x8;
	[tilespmem:$0x2100] =	vst v63  }
0x8d: {  	s0 =	sadd.s32 $0x1110, s31;
	s3 =	spop (v2sf)  }
0x8e: {  	[tilespmem:s0], [sflag:$0x1] =	stream.linear.gather [hbm4b:s3+s2], $0x10, $0x38;
	(v2sf) =	vpush v2, $0x9;
	[tilespmem:$0x2100] =	vst v63  }
0x8f: {  	s0 =	sadd.s32 $0x1120, s31;
	s3 =	spop (v2sf)  }
0x90: {  	[tilespmem:s0], [sflag:$0x1] =	stream.linear.gather [hbm4b:s3+s2], $0x10, $0x38;
	(v2sf) =	vpush v2, $0xA;
	[tilespmem:$0x2100] =	vst v63  }
0x91: {  	s0 =	sadd.s32 $0x1130, s31;
	s3 =	spop (v2sf)  }
0x92: {  	[tilespmem:s0], [sflag:$0x1] =	stream.linear.gather [hbm4b:s3+s2], $0x10, $0x38;
	(v2sf) =	vpush v2, $0xB;
	[tilespmem:$0x2100] =	vst v63  }
0x93: {  	s0 =	sadd.s32 $0x1140, s31;
	s3 =	spop (v2sf)  }
0x94: {  	[tilespmem:s0], [sflag:$0x1] =	stream.linear.gather [hbm4b:s3+s2], $0x10, $0x38;
	(v2sf) =	vpush v2, $0xC;
	[tilespmem:$0x2100] =	vst v63  }
0x95: {  	s0 =	sadd.s32 $0x1150, s31;
	s3 =	spop (v2sf)  }
0x96: {  	[tilespmem:s0], [sflag:$0x1] =	stream.linear.gather [hbm4b:s3+s2], $0x10, $0x38;
	(v2sf) =	vpush v2, $0xD;
	[tilespmem:$0x2100] =	vst v63  }
0x97: {  	s0 =	sadd.s32 $0x1160, s31;
	s3 =	spop (v2sf)  }
0x98: {  	[tilespmem:s0], [sflag:$0x1] =	stream.linear.gather [hbm4b:s3+s2], $0x10, $0x38;
	(v2sf) =	vpush v2, $0xE;
	[tilespmem:$0x2100] =	vst v63  }
0x99: {  	s0 =	sadd.s32 $0x1170, s31;
	s3 =	spop (v2sf)  }
0x9a: {  	[tilespmem:s0], [sflag:$0x1] =	stream.linear.gather [hbm4b:s3+s2], $0x10, $0x38;
	(v2sf) =	vpush v2, $0xF;
	[tilespmem:$0x2100] =	vst v63  }
0x9b: {  	s0 =	sadd.s32 $0x1180, s31;
	s3 =	spop (v2sf)  }
0x9c: {  	[tilespmem:s0], [sflag:$0x1] =	stream.linear.gather [hbm4b:s3+s2], $0x10, $0x38;
	[tilespmem:$0x2100] =	vst v63  }
0x9d: {  	s0 =	sadd.s32 $0x1190, s31;
	s3 =	spop (v2sf)  }
0x9e: {  	[tilespmem:s0], [sflag:$0x1] =	stream.linear.gather [hbm4b:s3+s2], $0x10, $0x38;
	[tilespmem:$0x2100] =	vst v63  }
0x9f: {  	s0 =	sadd.s32 $0x11A0, s31;
	s3 =	spop (v2sf)  }
0xa0: {  	[tilespmem:s0], [sflag:$0x1] =	stream.linear.gather [hbm4b:s3+s2], $0x10, $0x38;
	[tilespmem:$0x2100] =	vst v63  }
0xa1: {  	s0 =	sadd.s32 $0x11B0, s31;
	s3 =	spop (v2sf)  }
0xa2: {  	[tilespmem:s0], [sflag:$0x1] =	stream.linear.gather [hbm4b:s3+s2], $0x10, $0x38;
	[tilespmem:$0x2100] =	vst v63  }
0xa3: {  	s0 =	sadd.s32 $0x11C0, s31;
	s3 =	spop (v2sf)  }
0xa4: {  	[tilespmem:s0], [sflag:$0x1] =	stream.linear.gather [hbm4b:s3+s2], $0x10, $0x38;
	[tilespmem:$0x2100] =	vst v63  }
.Ltmp3:
0xa5: {  	s0 =	sadd.s32 $0x11D0, s31;
	s3 =	spop (v2sf);
	(pc) =	sbr.rel @p0 .LBB2_6-.Ltmp3, $4  }
0xa6: {  	[tilespmem:s0], [sflag:$0x1] =	stream.linear.gather [hbm4b:s3+s2], $0x10, $0x38;
	[tilespmem:$0x2100] =	vst v63  }
0xa7: {  	s0 =	sadd.s32 $0x11E0, s31;
	s3 =	spop (v2sf)  }
0xa8: {  	[tilespmem:s0], [sflag:$0x1] =	stream.linear.gather [hbm4b:s3+s2], $0x10, $0x38;
	[tilespmem:$0x2100] =	vst v63  }
0xa9: {  	s30 =	sadd.s32 $0x10, s30;
	s0 =	sadd.s32 $0x11F0, s31;
	s31 =	spop (v2sf)  }
0xaa: {  	[tilespmem:s0], [sflag:$0x1] =	stream.linear.gather [hbm4b:s31+s2], $0x10, $0x38;
	[tilespmem:$0x2100] =	vst v63  }
0xab: {  	_ =	swait.ge [sflag:s25], $0x1000  }
0xac: {  	[sflag:s25] =	ssyncset.done $0x0  }
0xad: {  	[sflag:s25] =	ssyncadd.s32 $0xFFFFF000  }
0xae: {  	[hbm4b:s6+s21] =	stream.strided.scatter [tilespmem:s26], [sflag:$0x2], $0x1000, s22, s21, $0x38;
	[tilespmem:$0x2100] =	vst v63  }
0xaf: {  	_ =	swait.ge [sflag:s23], $0x1000  }
0xb0: {  	[sflag:s23] =	ssyncset.done $0x0  }
0xb1: {  	s29 =	simm.s32 $0x0;
	[sflag:s23] =	ssyncadd.s32 $0xFFFFF000  }
0xb2: {  	[tilespmem:s29], [sflag:$0x2] =	stream.strided.gather [hbm4b:s7+s21], $0x800, s22, s21, $0x38;
	[tilespmem:$0x2100] =	vst v63  }
0xb3: {  	_ =	swait.ge [sflag:s23], $0x800  }
0xb4: {  	[sflag:s23] =	ssyncset.done $0x0  }
0xb5: {  	[sflag:s23] =	ssyncadd.s32 $0xFFFFF800  }
0xb6: {  	[tilespmem:s24], [sflag:$0x2] =	stream.linear.gather [hbm4b:s8+s29], $0x80, $0x38;
	[tilespmem:$0x2100] =	vst v63  }
0xb7: {  	_ =	swait.ge [sflag:s23], $0x80  }
0xb8: {  	[sflag:s23] =	ssyncset.done $0x0  }
0xb9: {  	[sflag:s23] =	ssyncadd.s32 $0xFFFFFF80  }
0xba: {  	s3 =	simm.s32 $0x0;
	v2 =	vld [tilespmem:$0x800]  }
0xbb: {  	v3 =	vld [tilespmem:s3+$0x0];
	_ =	sdelay $0x4  }
0xbc: {  	vm0 =	vgt.f32 v3, v2  }
0xbd: {  	v3 =	vsel vm0, $0x1, v1  }
0xbe: {  	(xrf0) =	vadd.scan.msk.s32 $0xffff, v3;
	_ =	sdelay $0x4  }
0xbf: {  	v3 =	vmov s18  }
0xc0: {  	v3 =	vshll.u32 v3, $0x4;
	v4, _, _ =	vpop (xrf0)  }
0xc1: {  	v3 =	vor.u32 v0, v3;
	(v2sf) =	vpush v4, $0xF  }
0xc2: {  	s0 =	simm.s32 $0x10;
	s31 =	simm.s32 $0x80;
	s30 =	smov.u32 s18;
	[tilespmem:s29+$0x880] =	vst.msk vm0, v3  }
.LBB2_8:
0xc3: {  	p0 =	seq.s32 s31, $0x1FC0;
	v3 =	vld [tilespmem:s0+$0x0];
	_ =	sdelay $0x4  }
0xc4: {  	vm0 =	vgt.f32 v3, v2  }
0xc5: {  	v3 =	vsel vm0, $0x1, v1  }
0xc6: {  	(xrf0) =	vadd.scan.msk.s32 $0xffff, v3;
	_ =	sdelay $0x3  }
.Ltmp4:
0xc7: {  	s30 =	sadd.s32 $0x10, s30;
	(pc) =	sbr.rel @!p0 .LBB2_8-.Ltmp4, $4  }
0xc8: {  	v3 =	vmov s30  }
0xc9: {  	v3 =	vshll.u32 v3, $0x4;
	v4, _, _ =	vpop (xrf0);
	s0 =	spop (v2sf)  }
0xca: {  	v3 =	vor.u32 v0, v3;
	(v2sf) =	vpush v4, $0xF;
	s29 =	sadd.s32 s29, s0  }
0xcb: {  	s0 =	sshra.s32 s31, $0x2;
	s31 =	sadd.s32 $0x40, s31;
	[tilespmem:s29+$0x880] =	vst.msk vm0, v3  }
0xcc: {  	v3 =	vld [tilespmem:s0+$0x0];
	_ =	sdelay $0x4  }
0xcd: {  	vm0 =	vgt.f32 v3, v2  }
0xce: {  	v3 =	vsel vm0, $0x1, v1  }
0xcf: {  	(xrf0) =	vadd.scan.msk.s32 $0xffff, v3;
	_ =	sdelay $0x5  }
0xd0: {  	v3, _, _ =	vpop (xrf0)  }
0xd1: {  	(v2sf) =	vpush v3, $0xF;
	_ =	sdelay $0xc  }
0xd2: {  	s3 =	sadd.s32 $0x10, s30  }
0xd3: {  	v3 =	vmov s3;
	s3 =	spop (v2sf)  }
0xd4: {  	s0 =	sadd.s32 s29, s3;
	s3 =	spop (v2sf)  }
0xd5: {  	s29 =	sadd.s32 s0, s3  }
0xd6: {  	p0 =	slt.s32 s29, $0x100  }
.Ltmp5:
0xd7: {  	_ = 	snop;
	(pc) =	sbr.rel @!p0 .LBB2_11-.Ltmp5, $4  }
0xd8: {  	_ = 	snop  }
0xd9: {  	v3 =	vshll.u32 v3, $0x4  }
0xda: {  	v3 =	vor.u32 v0, v3  }
0xdb: {  	s30 =	simm.s32 $0x0;
	s31 =	smov.u32 s18;
	[tilespmem:s0+$0x880] =	vst.msk vm0, v3;
	s0 =	simm.s32 $0x0  }
.LBB2_10:
0xdc: {  	v3 =	vld [tilespmem:s30+$0x0];
	_ =	sdelay $0x4  }
0xdd: {  	vm0 =	veq.f32 v3, v2  }
0xde: {  	v3 =	vsel vm0, $0x1, v1  }
0xdf: {  	(xrf0) =	vadd.scan.msk.s32 $0xffff, v3;
	_ =	sdelay $0x5  }
0xe0: {  	v3, _, _ =	vpop (xrf0)  }
0xe1: {  	(v2sf) =	vpush v3, $0xF;
	_ =	sdelay $0xc  }
0xe2: {  	v3 =	vmov s31  }
0xe3: {  	v3 =	vshll.u32 v3, $0x4  }
0xe4: {  	v3 =	vor.u32 v0, v3;
	s3 =	spop (v2sf)  }
0xe5: {  	p0 =	sgt.u32 s0, $0x7E;
	[tilespmem:s29+$0x880] =	vst.msk vm0, v3;
	s29 =	sadd.s32 s29, s3  }
0xe6: {  	p1 =	slt.s32 @!p0 s29, $0x100  }
0xe7: {  	p0 =	por p0, !p1  }
.Ltmp6:
0xe8: {  	_ = 	snop;
	(pc) =	sbr.rel @!p0 .LBB2_10-.Ltmp6, $2  }
0xe9: {  	_ =	sdelay $0x2  }
0xea: {  	s0 =	sadd.s32 $0x1, s0;
	s30 =	sadd.s32 $0x10, s30;
	s31 =	sadd.s32 $0x10, s31  }
.LBB2_11:
0xeb: {  	s0 =	simm.s32 $0x880  }
0xec: {  	v2 =	vld [tilespmem:s0+$0x0];
	_ =	sdelay $0x4  }
0xed: {  	v2 =	vshrl.u32 v2, $0x3  }
0xee: {  	v2 =	vadd.s32 s1, v2  }
0xef: {  	(v2sf) =	vpush v2, $0x0;
	_ =	sdelay $0x1  }
0xf0: {  	(v2sf) =	vpush v2, $0x1;
	_ =	sdelay $0x1  }
0xf1: {  	(v2sf) =	vpush v2, $0x2;
	_ =	sdelay $0x1  }
0xf2: {  	(v2sf) =	vpush v2, $0x3;
	_ =	sdelay $0x1  }
0xf3: {  	(v2sf) =	vpush v2, $0x4;
	_ =	sdelay $0x1  }
0xf4: {  	(v2sf) =	vpush v2, $0x5;
	_ =	sdelay $0x1  }
0xf5: {  	(v2sf) =	vpush v2, $0x6;
	_ =	sdelay $0x1  }
0xf6: {  	(v2sf) =	vpush v2, $0x7  }
0xf7: {  	s0 =	simm.s32 $0x1100;
	s3 =	spop (v2sf)  }
0xf8: {  	(v2sf) =	vpush v2, $0x8;
	[tilespmem:s0], [sflag:$0x1] =	stream.linear.gather [hbm4b:s3+s2], $0x10, $0x38;
	[tilespmem:$0x2100] =	vst v63  }
0xf9: {  	s0 =	simm.s32 $0x1110;
	s3 =	spop (v2sf)  }
0xfa: {  	(v2sf) =	vpush v2, $0x9;
	[tilespmem:s0], [sflag:$0x1] =	stream.linear.gather [hbm4b:s3+s2], $0x10, $0x38;
	[tilespmem:$0x2100] =	vst v63  }
0xfb: {  	s0 =	simm.s32 $0x1120;
	s3 =	spop (v2sf)  }
0xfc: {  	(v2sf) =	vpush v2, $0xA;
	[tilespmem:s0], [sflag:$0x1] =	stream.linear.gather [hbm4b:s3+s2], $0x10, $0x38;
	[tilespmem:$0x2100] =	vst v63  }
0xfd: {  	s0 =	simm.s32 $0x1130;
	s3 =	spop (v2sf)  }
0xfe: {  	(v2sf) =	vpush v2, $0xB;
	[tilespmem:s0], [sflag:$0x1] =	stream.linear.gather [hbm4b:s3+s2], $0x10, $0x38;
	[tilespmem:$0x2100] =	vst v63  }
0xff: {  	s0 =	simm.s32 $0x1140;
	s3 =	spop (v2sf)  }
0x100: {  	(v2sf) =	vpush v2, $0xC;
	[tilespmem:s0], [sflag:$0x1] =	stream.linear.gather [hbm4b:s3+s2], $0x10, $0x38;
	[tilespmem:$0x2100] =	vst v63  }
0x101: {  	s0 =	simm.s32 $0x1150;
	s3 =	spop (v2sf)  }
0x102: {  	(v2sf) =	vpush v2, $0xD;
	[tilespmem:s0], [sflag:$0x1] =	stream.linear.gather [hbm4b:s3+s2], $0x10, $0x38;
	[tilespmem:$0x2100] =	vst v63  }
0x103: {  	s0 =	simm.s32 $0x1160;
	s3 =	spop (v2sf)  }
0x104: {  	(v2sf) =	vpush v2, $0xE;
	[tilespmem:s0], [sflag:$0x1] =	stream.linear.gather [hbm4b:s3+s2], $0x10, $0x38;
	[tilespmem:$0x2100] =	vst v63  }
0x105: {  	s0 =	simm.s32 $0x1170;
	s3 =	spop (v2sf)  }
0x106: {  	(v2sf) =	vpush v2, $0xF;
	[tilespmem:s0], [sflag:$0x1] =	stream.linear.gather [hbm4b:s3+s2], $0x10, $0x38;
	[tilespmem:$0x2100] =	vst v63  }
0x107: {  	s0 =	simm.s32 $0x1180;
	s3 =	spop (v2sf)  }
0x108: {  	[tilespmem:s0], [sflag:$0x1] =	stream.linear.gather [hbm4b:s3+s2], $0x10, $0x38;
	[tilespmem:$0x2100] =	vst v63  }
0x109: {  	s0 =	simm.s32 $0x1190;
	s3 =	spop (v2sf)  }
0x10a: {  	[tilespmem:s0], [sflag:$0x1] =	stream.linear.gather [hbm4b:s3+s2], $0x10, $0x38;
	[tilespmem:$0x2100] =	vst v63  }
0x10b: {  	s0 =	simm.s32 $0x11A0;
	s3 =	spop (v2sf)  }
0x10c: {  	[tilespmem:s0], [sflag:$0x1] =	stream.linear.gather [hbm4b:s3+s2], $0x10, $0x38;
	[tilespmem:$0x2100] =	vst v63  }
0x10d: {  	s0 =	simm.s32 $0x11B0;
	s3 =	spop (v2sf)  }
0x10e: {  	[tilespmem:s0], [sflag:$0x1] =	stream.linear.gather [hbm4b:s3+s2], $0x10, $0x38;
	[tilespmem:$0x2100] =	vst v63  }
0x10f: {  	s0 =	simm.s32 $0x11C0;
	s3 =	spop (v2sf)  }
0x110: {  	[tilespmem:s0], [sflag:$0x1] =	stream.linear.gather [hbm4b:s3+s2], $0x10, $0x38;
	[tilespmem:$0x2100] =	vst v63  }
0x111: {  	s0 =	simm.s32 $0x11D0;
	s3 =	spop (v2sf)  }
0x112: {  	[tilespmem:s0], [sflag:$0x1] =	stream.linear.gather [hbm4b:s3+s2], $0x10, $0x38;
	[tilespmem:$0x2100] =	vst v63  }
0x113: {  	s29 =	simm.s32 $0x400;
	s0 =	simm.s32 $0x11E0;
	s3 =	spop (v2sf)  }
0x114: {  	[tilespmem:s0], [sflag:$0x1] =	stream.linear.gather [hbm4b:s3+s2], $0x10, $0x38;
	[tilespmem:$0x2100] =	vst v63  }
0x115: {  	s30 =	simm.s32 $0x890;
	s31 =	spop (v2sf);
	s0 =	simm.s32 $0x11F0  }
.LBB2_12:
0x116: {  	[tilespmem:s0], [sflag:$0x1] =	stream.linear.gather [hbm4b:s31+s2], $0x10, $0x38;
	[tilespmem:$0x2100] =	vst v63  }
0x117: {  	p0 =	sne.s32 s29, $0x3C00;
	s0 =	smov.u32 s29;
	s29 =	sadd.s32 $0x400, s29;
	v2 =	vld [tilespmem:s30+$0x0]  }
0x118: {  	_ =	sdelay $0x3  }
0x119: {  	v2 =	vshrl.u32 v2, $0x3  }
0x11a: {  	v2 =	vadd.s32 s1, v2  }
0x11b: {  	(v2sf) =	vpush v2, $0x0;
	_ =	sdelay $0x1  }
0x11c: {  	(v2sf) =	vpush v2, $0x1;
	_ =	sdelay $0x1  }
0x11d: {  	(v2sf) =	vpush v2, $0x2;
	_ =	sdelay $0x1  }
0x11e: {  	(v2sf) =	vpush v2, $0x3;
	_ =	sdelay $0x1  }
0x11f: {  	(v2sf) =	vpush v2, $0x4;
	_ =	sdelay $0x1  }
0x120: {  	(v2sf) =	vpush v2, $0x5;
	_ =	sdelay $0x1  }
0x121: {  	(v2sf) =	vpush v2, $0x6;
	_ =	sdelay $0x1  }
0x122: {  	s31 =	sshra.s32 s0, $0x2;
	(v2sf) =	vpush v2, $0x7  }
0x123: {  	s0 =	sadd.s32 $0x1100, s31;
	s3 =	spop (v2sf)  }
0x124: {  	[tilespmem:s0], [sflag:$0x1] =	stream.linear.gather [hbm4b:s3+s2], $0x10, $0x38;
	(v2sf) =	vpush v2, $0x8;
	[tilespmem:$0x2100] =	vst v63  }
0x125: {  	s0 =	sadd.s32 $0x1110, s31;
	s3 =	spop (v2sf)  }
0x126: {  	[tilespmem:s0], [sflag:$0x1] =	stream.linear.gather [hbm4b:s3+s2], $0x10, $0x38;
	(v2sf) =	vpush v2, $0x9;
	[tilespmem:$0x2100] =	vst v63  }
0x127: {  	s0 =	sadd.s32 $0x1120, s31;
	s3 =	spop (v2sf)  }
0x128: {  	[tilespmem:s0], [sflag:$0x1] =	stream.linear.gather [hbm4b:s3+s2], $0x10, $0x38;
	(v2sf) =	vpush v2, $0xA;
	[tilespmem:$0x2100] =	vst v63  }
0x129: {  	s0 =	sadd.s32 $0x1130, s31;
	s3 =	spop (v2sf)  }
0x12a: {  	[tilespmem:s0], [sflag:$0x1] =	stream.linear.gather [hbm4b:s3+s2], $0x10, $0x38;
	(v2sf) =	vpush v2, $0xB;
	[tilespmem:$0x2100] =	vst v63  }
0x12b: {  	s0 =	sadd.s32 $0x1140, s31;
	s3 =	spop (v2sf)  }
0x12c: {  	[tilespmem:s0], [sflag:$0x1] =	stream.linear.gather [hbm4b:s3+s2], $0x10, $0x38;
	(v2sf) =	vpush v2, $0xC;
	[tilespmem:$0x2100] =	vst v63  }
0x12d: {  	s0 =	sadd.s32 $0x1150, s31;
	s3 =	spop (v2sf)  }
0x12e: {  	[tilespmem:s0], [sflag:$0x1] =	stream.linear.gather [hbm4b:s3+s2], $0x10, $0x38;
	(v2sf) =	vpush v2, $0xD;
	[tilespmem:$0x2100] =	vst v63  }
0x12f: {  	s0 =	sadd.s32 $0x1160, s31;
	s3 =	spop (v2sf)  }
0x130: {  	[tilespmem:s0], [sflag:$0x1] =	stream.linear.gather [hbm4b:s3+s2], $0x10, $0x38;
	(v2sf) =	vpush v2, $0xE;
	[tilespmem:$0x2100] =	vst v63  }
0x131: {  	s0 =	sadd.s32 $0x1170, s31;
	s3 =	spop (v2sf)  }
0x132: {  	[tilespmem:s0], [sflag:$0x1] =	stream.linear.gather [hbm4b:s3+s2], $0x10, $0x38;
	(v2sf) =	vpush v2, $0xF;
	[tilespmem:$0x2100] =	vst v63  }
0x133: {  	s0 =	sadd.s32 $0x1180, s31;
	s3 =	spop (v2sf)  }
0x134: {  	[tilespmem:s0], [sflag:$0x1] =	stream.linear.gather [hbm4b:s3+s2], $0x10, $0x38;
	[tilespmem:$0x2100] =	vst v63  }
0x135: {  	s0 =	sadd.s32 $0x1190, s31;
	s3 =	spop (v2sf)  }
0x136: {  	[tilespmem:s0], [sflag:$0x1] =	stream.linear.gather [hbm4b:s3+s2], $0x10, $0x38;
	[tilespmem:$0x2100] =	vst v63  }
0x137: {  	s0 =	sadd.s32 $0x11A0, s31;
	s3 =	spop (v2sf)  }
0x138: {  	[tilespmem:s0], [sflag:$0x1] =	stream.linear.gather [hbm4b:s3+s2], $0x10, $0x38;
	[tilespmem:$0x2100] =	vst v63  }
0x139: {  	s0 =	sadd.s32 $0x11B0, s31;
	s3 =	spop (v2sf)  }
0x13a: {  	[tilespmem:s0], [sflag:$0x1] =	stream.linear.gather [hbm4b:s3+s2], $0x10, $0x38;
	[tilespmem:$0x2100] =	vst v63  }
0x13b: {  	s0 =	sadd.s32 $0x11C0, s31;
	s3 =	spop (v2sf)  }
0x13c: {  	[tilespmem:s0], [sflag:$0x1] =	stream.linear.gather [hbm4b:s3+s2], $0x10, $0x38;
	[tilespmem:$0x2100] =	vst v63  }
.Ltmp7:
0x13d: {  	s0 =	sadd.s32 $0x11D0, s31;
	s3 =	spop (v2sf);
	(pc) =	sbr.rel @p0 .LBB2_12-.Ltmp7, $4  }
0x13e: {  	[tilespmem:s0], [sflag:$0x1] =	stream.linear.gather [hbm4b:s3+s2], $0x10, $0x38;
	[tilespmem:$0x2100] =	vst v63  }
0x13f: {  	s0 =	sadd.s32 $0x11E0, s31;
	s3 =	spop (v2sf)  }
0x140: {  	[tilespmem:s0], [sflag:$0x1] =	stream.linear.gather [hbm4b:s3+s2], $0x10, $0x38;
	[tilespmem:$0x2100] =	vst v63  }
0x141: {  	s30 =	sadd.s32 $0x10, s30;
	s0 =	sadd.s32 $0x11F0, s31;
	s31 =	spop (v2sf)  }
0x142: {  	[tilespmem:s0], [sflag:$0x1] =	stream.linear.gather [hbm4b:s31+s2], $0x10, $0x38;
	[tilespmem:$0x2100] =	vst v63  }
0x143: {  	_ =	swait.ge [sflag:s25], $0x1000  }
0x144: {  	[sflag:s25] =	ssyncset.done $0x0  }
0x145: {  	[sflag:s25] =	ssyncadd.s32 $0xFFFFF000  }
0x146: {  	[hbm4b:s9+s21] =	stream.strided.scatter [tilespmem:s26], [sflag:$0x2], $0x1000, s22, s21, $0x38;
	[tilespmem:$0x2100] =	vst v63  }
0x147: {  	_ =	swait.ge [sflag:s23], $0x1000  }
0x148: {  	[sflag:s23] =	ssyncset.done $0x0  }
0x149: {  	s29 =	simm.s32 $0x0;
	[sflag:s23] =	ssyncadd.s32 $0xFFFFF000  }
0x14a: {  	[tilespmem:s29], [sflag:$0x2] =	stream.strided.gather [hbm4b:s10+s21], $0x800, s22, s21, $0x38;
	[tilespmem:$0x2100] =	vst v63  }
0x14b: {  	_ =	swait.ge [sflag:s23], $0x800  }
0x14c: {  	[sflag:s23] =	ssyncset.done $0x0  }
0x14d: {  	[sflag:s23] =	ssyncadd.s32 $0xFFFFF800  }
0x14e: {  	[tilespmem:s24], [sflag:$0x2] =	stream.linear.gather [hbm4b:s11+s29], $0x80, $0x38;
	[tilespmem:$0x2100] =	vst v63  }
0x14f: {  	_ =	swait.ge [sflag:s23], $0x80  }
0x150: {  	[sflag:s23] =	ssyncset.done $0x0  }
0x151: {  	[sflag:s23] =	ssyncadd.s32 $0xFFFFFF80  }
0x152: {  	s3 =	simm.s32 $0x0;
	v2 =	vld [tilespmem:$0x800]  }
0x153: {  	v3 =	vld [tilespmem:s3+$0x0];
	_ =	sdelay $0x4  }
0x154: {  	vm0 =	vgt.f32 v3, v2  }
0x155: {  	v3 =	vsel vm0, $0x1, v1  }
0x156: {  	(xrf0) =	vadd.scan.msk.s32 $0xffff, v3;
	_ =	sdelay $0x4  }
0x157: {  	v3 =	vmov s19  }
0x158: {  	v3 =	vshll.u32 v3, $0x4;
	v4, _, _ =	vpop (xrf0)  }
0x159: {  	v3 =	vor.u32 v0, v3;
	(v2sf) =	vpush v4, $0xF  }
0x15a: {  	s0 =	simm.s32 $0x10;
	s31 =	simm.s32 $0x80;
	s30 =	smov.u32 s19;
	[tilespmem:s29+$0x880] =	vst.msk vm0, v3  }
.LBB2_14:
0x15b: {  	p0 =	seq.s32 s31, $0x1FC0;
	v3 =	vld [tilespmem:s0+$0x0];
	_ =	sdelay $0x4  }
0x15c: {  	vm0 =	vgt.f32 v3, v2  }
0x15d: {  	v3 =	vsel vm0, $0x1, v1  }
0x15e: {  	(xrf0) =	vadd.scan.msk.s32 $0xffff, v3;
	_ =	sdelay $0x3  }
.Ltmp8:
0x15f: {  	s30 =	sadd.s32 $0x10, s30;
	(pc) =	sbr.rel @!p0 .LBB2_14-.Ltmp8, $4  }
0x160: {  	v3 =	vmov s30  }
0x161: {  	v3 =	vshll.u32 v3, $0x4;
	v4, _, _ =	vpop (xrf0);
	s0 =	spop (v2sf)  }
0x162: {  	v3 =	vor.u32 v0, v3;
	(v2sf) =	vpush v4, $0xF;
	s29 =	sadd.s32 s29, s0  }
0x163: {  	s0 =	sshra.s32 s31, $0x2;
	s31 =	sadd.s32 $0x40, s31;
	[tilespmem:s29+$0x880] =	vst.msk vm0, v3  }
0x164: {  	v3 =	vld [tilespmem:s0+$0x0];
	_ =	sdelay $0x4  }
0x165: {  	vm0 =	vgt.f32 v3, v2  }
0x166: {  	v3 =	vsel vm0, $0x1, v1  }
0x167: {  	(xrf0) =	vadd.scan.msk.s32 $0xffff, v3;
	_ =	sdelay $0x5  }
0x168: {  	v3, _, _ =	vpop (xrf0)  }
0x169: {  	(v2sf) =	vpush v3, $0xF;
	_ =	sdelay $0xc  }
0x16a: {  	s3 =	sadd.s32 $0x10, s30  }
0x16b: {  	v3 =	vmov s3;
	s3 =	spop (v2sf)  }
0x16c: {  	s0 =	sadd.s32 s29, s3;
	s3 =	spop (v2sf)  }
0x16d: {  	s29 =	sadd.s32 s0, s3  }
0x16e: {  	p0 =	slt.s32 s29, $0x100  }
.Ltmp9:
0x16f: {  	_ = 	snop;
	(pc) =	sbr.rel @!p0 .LBB2_17-.Ltmp9, $4  }
0x170: {  	_ = 	snop  }
0x171: {  	v3 =	vshll.u32 v3, $0x4  }
0x172: {  	v3 =	vor.u32 v0, v3  }
0x173: {  	s30 =	simm.s32 $0x0;
	s31 =	smov.u32 s19;
	[tilespmem:s0+$0x880] =	vst.msk vm0, v3;
	s0 =	simm.s32 $0x0  }
.LBB2_16:
0x174: {  	v3 =	vld [tilespmem:s30+$0x0];
	_ =	sdelay $0x4  }
0x175: {  	vm0 =	veq.f32 v3, v2  }
0x176: {  	v3 =	vsel vm0, $0x1, v1  }
0x177: {  	(xrf0) =	vadd.scan.msk.s32 $0xffff, v3;
	_ =	sdelay $0x5  }
0x178: {  	v3, _, _ =	vpop (xrf0)  }
0x179: {  	(v2sf) =	vpush v3, $0xF;
	_ =	sdelay $0xc  }
0x17a: {  	v3 =	vmov s31  }
0x17b: {  	v3 =	vshll.u32 v3, $0x4  }
0x17c: {  	v3 =	vor.u32 v0, v3;
	s3 =	spop (v2sf)  }
0x17d: {  	p0 =	sgt.u32 s0, $0x7E;
	[tilespmem:s29+$0x880] =	vst.msk vm0, v3;
	s29 =	sadd.s32 s29, s3  }
0x17e: {  	p1 =	slt.s32 @!p0 s29, $0x100  }
0x17f: {  	p0 =	por p0, !p1  }
.Ltmp10:
0x180: {  	_ = 	snop;
	(pc) =	sbr.rel @!p0 .LBB2_16-.Ltmp10, $2  }
0x181: {  	_ =	sdelay $0x2  }
0x182: {  	s0 =	sadd.s32 $0x1, s0;
	s30 =	sadd.s32 $0x10, s30;
	s31 =	sadd.s32 $0x10, s31  }
.LBB2_17:
0x183: {  	s0 =	simm.s32 $0x880  }
0x184: {  	v2 =	vld [tilespmem:s0+$0x0];
	_ =	sdelay $0x4  }
0x185: {  	v2 =	vshrl.u32 v2, $0x3  }
0x186: {  	v2 =	vadd.s32 s1, v2  }
0x187: {  	(v2sf) =	vpush v2, $0x0;
	_ =	sdelay $0x1  }
0x188: {  	(v2sf) =	vpush v2, $0x1;
	_ =	sdelay $0x1  }
0x189: {  	(v2sf) =	vpush v2, $0x2;
	_ =	sdelay $0x1  }
0x18a: {  	(v2sf) =	vpush v2, $0x3;
	_ =	sdelay $0x1  }
0x18b: {  	(v2sf) =	vpush v2, $0x4;
	_ =	sdelay $0x1  }
0x18c: {  	(v2sf) =	vpush v2, $0x5;
	_ =	sdelay $0x1  }
0x18d: {  	(v2sf) =	vpush v2, $0x6;
	_ =	sdelay $0x1  }
0x18e: {  	(v2sf) =	vpush v2, $0x7  }
0x18f: {  	s0 =	simm.s32 $0x1100;
	s3 =	spop (v2sf)  }
0x190: {  	(v2sf) =	vpush v2, $0x8;
	[tilespmem:s0], [sflag:$0x1] =	stream.linear.gather [hbm4b:s3+s2], $0x10, $0x38;
	[tilespmem:$0x2100] =	vst v63  }
0x191: {  	s0 =	simm.s32 $0x1110;
	s3 =	spop (v2sf)  }
0x192: {  	(v2sf) =	vpush v2, $0x9;
	[tilespmem:s0], [sflag:$0x1] =	stream.linear.gather [hbm4b:s3+s2], $0x10, $0x38;
	[tilespmem:$0x2100] =	vst v63  }
0x193: {  	s0 =	simm.s32 $0x1120;
	s3 =	spop (v2sf)  }
0x194: {  	(v2sf) =	vpush v2, $0xA;
	[tilespmem:s0], [sflag:$0x1] =	stream.linear.gather [hbm4b:s3+s2], $0x10, $0x38;
	[tilespmem:$0x2100] =	vst v63  }
0x195: {  	s0 =	simm.s32 $0x1130;
	s3 =	spop (v2sf)  }
0x196: {  	(v2sf) =	vpush v2, $0xB;
	[tilespmem:s0], [sflag:$0x1] =	stream.linear.gather [hbm4b:s3+s2], $0x10, $0x38;
	[tilespmem:$0x2100] =	vst v63  }
0x197: {  	s0 =	simm.s32 $0x1140;
	s3 =	spop (v2sf)  }
0x198: {  	(v2sf) =	vpush v2, $0xC;
	[tilespmem:s0], [sflag:$0x1] =	stream.linear.gather [hbm4b:s3+s2], $0x10, $0x38;
	[tilespmem:$0x2100] =	vst v63  }
0x199: {  	s0 =	simm.s32 $0x1150;
	s3 =	spop (v2sf)  }
0x19a: {  	(v2sf) =	vpush v2, $0xD;
	[tilespmem:s0], [sflag:$0x1] =	stream.linear.gather [hbm4b:s3+s2], $0x10, $0x38;
	[tilespmem:$0x2100] =	vst v63  }
0x19b: {  	s0 =	simm.s32 $0x1160;
	s3 =	spop (v2sf)  }
0x19c: {  	(v2sf) =	vpush v2, $0xE;
	[tilespmem:s0], [sflag:$0x1] =	stream.linear.gather [hbm4b:s3+s2], $0x10, $0x38;
	[tilespmem:$0x2100] =	vst v63  }
0x19d: {  	s0 =	simm.s32 $0x1170;
	s3 =	spop (v2sf)  }
0x19e: {  	(v2sf) =	vpush v2, $0xF;
	[tilespmem:s0], [sflag:$0x1] =	stream.linear.gather [hbm4b:s3+s2], $0x10, $0x38;
	[tilespmem:$0x2100] =	vst v63  }
0x19f: {  	s0 =	simm.s32 $0x1180;
	s3 =	spop (v2sf)  }
0x1a0: {  	[tilespmem:s0], [sflag:$0x1] =	stream.linear.gather [hbm4b:s3+s2], $0x10, $0x38;
	[tilespmem:$0x2100] =	vst v63  }
0x1a1: {  	s0 =	simm.s32 $0x1190;
	s3 =	spop (v2sf)  }
0x1a2: {  	[tilespmem:s0], [sflag:$0x1] =	stream.linear.gather [hbm4b:s3+s2], $0x10, $0x38;
	[tilespmem:$0x2100] =	vst v63  }
0x1a3: {  	s0 =	simm.s32 $0x11A0;
	s3 =	spop (v2sf)  }
0x1a4: {  	[tilespmem:s0], [sflag:$0x1] =	stream.linear.gather [hbm4b:s3+s2], $0x10, $0x38;
	[tilespmem:$0x2100] =	vst v63  }
0x1a5: {  	s0 =	simm.s32 $0x11B0;
	s3 =	spop (v2sf)  }
0x1a6: {  	[tilespmem:s0], [sflag:$0x1] =	stream.linear.gather [hbm4b:s3+s2], $0x10, $0x38;
	[tilespmem:$0x2100] =	vst v63  }
0x1a7: {  	s0 =	simm.s32 $0x11C0;
	s3 =	spop (v2sf)  }
0x1a8: {  	[tilespmem:s0], [sflag:$0x1] =	stream.linear.gather [hbm4b:s3+s2], $0x10, $0x38;
	[tilespmem:$0x2100] =	vst v63  }
0x1a9: {  	s0 =	simm.s32 $0x11D0;
	s3 =	spop (v2sf)  }
0x1aa: {  	[tilespmem:s0], [sflag:$0x1] =	stream.linear.gather [hbm4b:s3+s2], $0x10, $0x38;
	[tilespmem:$0x2100] =	vst v63  }
0x1ab: {  	s29 =	simm.s32 $0x400;
	s0 =	simm.s32 $0x11E0;
	s3 =	spop (v2sf)  }
0x1ac: {  	[tilespmem:s0], [sflag:$0x1] =	stream.linear.gather [hbm4b:s3+s2], $0x10, $0x38;
	[tilespmem:$0x2100] =	vst v63  }
0x1ad: {  	s30 =	simm.s32 $0x890;
	s31 =	spop (v2sf);
	s0 =	simm.s32 $0x11F0  }
.LBB2_18:
0x1ae: {  	[tilespmem:s0], [sflag:$0x1] =	stream.linear.gather [hbm4b:s31+s2], $0x10, $0x38;
	[tilespmem:$0x2100] =	vst v63  }
0x1af: {  	p0 =	sne.s32 s29, $0x3C00;
	s0 =	smov.u32 s29;
	s29 =	sadd.s32 $0x400, s29;
	v2 =	vld [tilespmem:s30+$0x0]  }
0x1b0: {  	_ =	sdelay $0x3  }
0x1b1: {  	v2 =	vshrl.u32 v2, $0x3  }
0x1b2: {  	v2 =	vadd.s32 s1, v2  }
0x1b3: {  	(v2sf) =	vpush v2, $0x0;
	_ =	sdelay $0x1  }
0x1b4: {  	(v2sf) =	vpush v2, $0x1;
	_ =	sdelay $0x1  }
0x1b5: {  	(v2sf) =	vpush v2, $0x2;
	_ =	sdelay $0x1  }
0x1b6: {  	(v2sf) =	vpush v2, $0x3;
	_ =	sdelay $0x1  }
0x1b7: {  	(v2sf) =	vpush v2, $0x4;
	_ =	sdelay $0x1  }
0x1b8: {  	(v2sf) =	vpush v2, $0x5;
	_ =	sdelay $0x1  }
0x1b9: {  	(v2sf) =	vpush v2, $0x6;
	_ =	sdelay $0x1  }
0x1ba: {  	s31 =	sshra.s32 s0, $0x2;
	(v2sf) =	vpush v2, $0x7  }
0x1bb: {  	s0 =	sadd.s32 $0x1100, s31;
	s3 =	spop (v2sf)  }
0x1bc: {  	[tilespmem:s0], [sflag:$0x1] =	stream.linear.gather [hbm4b:s3+s2], $0x10, $0x38;
	(v2sf) =	vpush v2, $0x8;
	[tilespmem:$0x2100] =	vst v63  }
0x1bd: {  	s0 =	sadd.s32 $0x1110, s31;
	s3 =	spop (v2sf)  }
0x1be: {  	[tilespmem:s0], [sflag:$0x1] =	stream.linear.gather [hbm4b:s3+s2], $0x10, $0x38;
	(v2sf) =	vpush v2, $0x9;
	[tilespmem:$0x2100] =	vst v63  }
0x1bf: {  	s0 =	sadd.s32 $0x1120, s31;
	s3 =	spop (v2sf)  }
0x1c0: {  	[tilespmem:s0], [sflag:$0x1] =	stream.linear.gather [hbm4b:s3+s2], $0x10, $0x38;
	(v2sf) =	vpush v2, $0xA;
	[tilespmem:$0x2100] =	vst v63  }
0x1c1: {  	s0 =	sadd.s32 $0x1130, s31;
	s3 =	spop (v2sf)  }
0x1c2: {  	[tilespmem:s0], [sflag:$0x1] =	stream.linear.gather [hbm4b:s3+s2], $0x10, $0x38;
	(v2sf) =	vpush v2, $0xB;
	[tilespmem:$0x2100] =	vst v63  }
0x1c3: {  	s0 =	sadd.s32 $0x1140, s31;
	s3 =	spop (v2sf)  }
0x1c4: {  	[tilespmem:s0], [sflag:$0x1] =	stream.linear.gather [hbm4b:s3+s2], $0x10, $0x38;
	(v2sf) =	vpush v2, $0xC;
	[tilespmem:$0x2100] =	vst v63  }
0x1c5: {  	s0 =	sadd.s32 $0x1150, s31;
	s3 =	spop (v2sf)  }
0x1c6: {  	[tilespmem:s0], [sflag:$0x1] =	stream.linear.gather [hbm4b:s3+s2], $0x10, $0x38;
	(v2sf) =	vpush v2, $0xD;
	[tilespmem:$0x2100] =	vst v63  }
0x1c7: {  	s0 =	sadd.s32 $0x1160, s31;
	s3 =	spop (v2sf)  }
0x1c8: {  	[tilespmem:s0], [sflag:$0x1] =	stream.linear.gather [hbm4b:s3+s2], $0x10, $0x38;
	(v2sf) =	vpush v2, $0xE;
	[tilespmem:$0x2100] =	vst v63  }
0x1c9: {  	s0 =	sadd.s32 $0x1170, s31;
	s3 =	spop (v2sf)  }
0x1ca: {  	[tilespmem:s0], [sflag:$0x1] =	stream.linear.gather [hbm4b:s3+s2], $0x10, $0x38;
	(v2sf) =	vpush v2, $0xF;
	[tilespmem:$0x2100] =	vst v63  }
0x1cb: {  	s0 =	sadd.s32 $0x1180, s31;
	s3 =	spop (v2sf)  }
0x1cc: {  	[tilespmem:s0], [sflag:$0x1] =	stream.linear.gather [hbm4b:s3+s2], $0x10, $0x38;
	[tilespmem:$0x2100] =	vst v63  }
0x1cd: {  	s0 =	sadd.s32 $0x1190, s31;
	s3 =	spop (v2sf)  }
0x1ce: {  	[tilespmem:s0], [sflag:$0x1] =	stream.linear.gather [hbm4b:s3+s2], $0x10, $0x38;
	[tilespmem:$0x2100] =	vst v63  }
0x1cf: {  	s0 =	sadd.s32 $0x11A0, s31;
	s3 =	spop (v2sf)  }
0x1d0: {  	[tilespmem:s0], [sflag:$0x1] =	stream.linear.gather [hbm4b:s3+s2], $0x10, $0x38;
	[tilespmem:$0x2100] =	vst v63  }
0x1d1: {  	s0 =	sadd.s32 $0x11B0, s31;
	s3 =	spop (v2sf)  }
0x1d2: {  	[tilespmem:s0], [sflag:$0x1] =	stream.linear.gather [hbm4b:s3+s2], $0x10, $0x38;
	[tilespmem:$0x2100] =	vst v63  }
0x1d3: {  	s0 =	sadd.s32 $0x11C0, s31;
	s3 =	spop (v2sf)  }
0x1d4: {  	[tilespmem:s0], [sflag:$0x1] =	stream.linear.gather [hbm4b:s3+s2], $0x10, $0x38;
	[tilespmem:$0x2100] =	vst v63  }
.Ltmp11:
0x1d5: {  	s0 =	sadd.s32 $0x11D0, s31;
	s3 =	spop (v2sf);
	(pc) =	sbr.rel @p0 .LBB2_18-.Ltmp11, $4  }
0x1d6: {  	[tilespmem:s0], [sflag:$0x1] =	stream.linear.gather [hbm4b:s3+s2], $0x10, $0x38;
	[tilespmem:$0x2100] =	vst v63  }
0x1d7: {  	s0 =	sadd.s32 $0x11E0, s31;
	s3 =	spop (v2sf)  }
0x1d8: {  	[tilespmem:s0], [sflag:$0x1] =	stream.linear.gather [hbm4b:s3+s2], $0x10, $0x38;
	[tilespmem:$0x2100] =	vst v63  }
0x1d9: {  	s30 =	sadd.s32 $0x10, s30;
	s0 =	sadd.s32 $0x11F0, s31;
	s31 =	spop (v2sf)  }
0x1da: {  	[tilespmem:s0], [sflag:$0x1] =	stream.linear.gather [hbm4b:s31+s2], $0x10, $0x38;
	[tilespmem:$0x2100] =	vst v63  }
0x1db: {  	_ =	swait.ge [sflag:s25], $0x1000  }
0x1dc: {  	[sflag:s25] =	ssyncset.done $0x0  }
0x1dd: {  	[sflag:s25] =	ssyncadd.s32 $0xFFFFF000  }
0x1de: {  	[hbm4b:s12+s21] =	stream.strided.scatter [tilespmem:s26], [sflag:$0x2], $0x1000, s22, s21, $0x38;
	[tilespmem:$0x2100] =	vst v63  }
0x1df: {  	_ =	swait.ge [sflag:s23], $0x1000  }
0x1e0: {  	[sflag:s23] =	ssyncset.done $0x0  }
0x1e1: {  	s29 =	simm.s32 $0x0;
	[sflag:s23] =	ssyncadd.s32 $0xFFFFF000  }
0x1e2: {  	[tilespmem:s29], [sflag:$0x2] =	stream.strided.gather [hbm4b:s13+s21], $0x800, s22, s21, $0x38;
	[tilespmem:$0x2100] =	vst v63  }
0x1e3: {  	_ =	swait.ge [sflag:s23], $0x800  }
0x1e4: {  	[sflag:s23] =	ssyncset.done $0x0  }
0x1e5: {  	[sflag:s23] =	ssyncadd.s32 $0xFFFFF800  }
0x1e6: {  	[tilespmem:s24], [sflag:$0x2] =	stream.linear.gather [hbm4b:s14+s29], $0x80, $0x38;
	[tilespmem:$0x2100] =	vst v63  }
0x1e7: {  	_ =	swait.ge [sflag:s23], $0x80  }
0x1e8: {  	[sflag:s23] =	ssyncset.done $0x0  }
0x1e9: {  	[sflag:s23] =	ssyncadd.s32 $0xFFFFFF80  }
0x1ea: {  	s3 =	simm.s32 $0x0;
	v2 =	vld [tilespmem:$0x800]  }
0x1eb: {  	v3 =	vld [tilespmem:s3+$0x0];
	_ =	sdelay $0x4  }
0x1ec: {  	vm0 =	vgt.f32 v3, v2  }
0x1ed: {  	v3 =	vsel vm0, $0x1, v1  }
0x1ee: {  	(xrf0) =	vadd.scan.msk.s32 $0xffff, v3;
	_ =	sdelay $0x4  }
0x1ef: {  	v3 =	vmov s20  }
0x1f0: {  	v3 =	vshll.u32 v3, $0x4;
	v4, _, _ =	vpop (xrf0)  }
0x1f1: {  	v3 =	vor.u32 v0, v3;
	(v2sf) =	vpush v4, $0xF  }
0x1f2: {  	s0 =	simm.s32 $0x10;
	s31 =	simm.s32 $0x80;
	s30 =	smov.u32 s20;
	[tilespmem:s29+$0x880] =	vst.msk vm0, v3  }
.LBB2_20:
0x1f3: {  	p0 =	seq.s32 s31, $0x1FC0;
	v3 =	vld [tilespmem:s0+$0x0];
	_ =	sdelay $0x4  }
0x1f4: {  	vm0 =	vgt.f32 v3, v2  }
0x1f5: {  	v3 =	vsel vm0, $0x1, v1  }
0x1f6: {  	(xrf0) =	vadd.scan.msk.s32 $0xffff, v3;
	_ =	sdelay $0x3  }
.Ltmp12:
0x1f7: {  	s30 =	sadd.s32 $0x10, s30;
	(pc) =	sbr.rel @!p0 .LBB2_20-.Ltmp12, $4  }
0x1f8: {  	v3 =	vmov s30  }
0x1f9: {  	v3 =	vshll.u32 v3, $0x4;
	v4, _, _ =	vpop (xrf0);
	s0 =	spop (v2sf)  }
0x1fa: {  	v3 =	vor.u32 v0, v3;
	(v2sf) =	vpush v4, $0xF;
	s29 =	sadd.s32 s29, s0  }
0x1fb: {  	s0 =	sshra.s32 s31, $0x2;
	s31 =	sadd.s32 $0x40, s31;
	[tilespmem:s29+$0x880] =	vst.msk vm0, v3  }
0x1fc: {  	v3 =	vld [tilespmem:s0+$0x0];
	_ =	sdelay $0x4  }
0x1fd: {  	vm0 =	vgt.f32 v3, v2  }
0x1fe: {  	v3 =	vsel vm0, $0x1, v1  }
0x1ff: {  	(xrf0) =	vadd.scan.msk.s32 $0xffff, v3;
	_ =	sdelay $0x5  }
0x200: {  	v3, _, _ =	vpop (xrf0)  }
0x201: {  	(v2sf) =	vpush v3, $0xF;
	_ =	sdelay $0xc  }
0x202: {  	s3 =	sadd.s32 $0x10, s30  }
0x203: {  	v3 =	vmov s3;
	s3 =	spop (v2sf)  }
0x204: {  	s0 =	sadd.s32 s29, s3;
	s3 =	spop (v2sf)  }
0x205: {  	s29 =	sadd.s32 s0, s3  }
0x206: {  	p0 =	slt.s32 s29, $0x100  }
.Ltmp13:
0x207: {  	_ = 	snop;
	(pc) =	sbr.rel @!p0 .LBB2_23-.Ltmp13, $4  }
0x208: {  	_ = 	snop  }
0x209: {  	v3 =	vshll.u32 v3, $0x4  }
0x20a: {  	v3 =	vor.u32 v0, v3  }
0x20b: {  	s30 =	simm.s32 $0x0;
	s31 =	smov.u32 s20;
	[tilespmem:s0+$0x880] =	vst.msk vm0, v3;
	s0 =	simm.s32 $0x0  }
.LBB2_22:
0x20c: {  	v3 =	vld [tilespmem:s30+$0x0];
	_ =	sdelay $0x4  }
0x20d: {  	vm0 =	veq.f32 v3, v2  }
0x20e: {  	v3 =	vsel vm0, $0x1, v1  }
0x20f: {  	(xrf0) =	vadd.scan.msk.s32 $0xffff, v3;
	_ =	sdelay $0x5  }
0x210: {  	v3, _, _ =	vpop (xrf0)  }
0x211: {  	(v2sf) =	vpush v3, $0xF;
	_ =	sdelay $0xc  }
0x212: {  	v3 =	vmov s31  }
0x213: {  	v3 =	vshll.u32 v3, $0x4  }
0x214: {  	v3 =	vor.u32 v0, v3;
	s3 =	spop (v2sf)  }
0x215: {  	p0 =	sgt.u32 s0, $0x7E;
	[tilespmem:s29+$0x880] =	vst.msk vm0, v3;
	s29 =	sadd.s32 s29, s3  }
0x216: {  	p1 =	slt.s32 @!p0 s29, $0x100  }
0x217: {  	p0 =	por p0, !p1  }
.Ltmp14:
0x218: {  	_ = 	snop;
	(pc) =	sbr.rel @!p0 .LBB2_22-.Ltmp14, $2  }
0x219: {  	_ =	sdelay $0x2  }
0x21a: {  	s0 =	sadd.s32 $0x1, s0;
	s30 =	sadd.s32 $0x10, s30;
	s31 =	sadd.s32 $0x10, s31  }
.LBB2_23:
0x21b: {  	s0 =	simm.s32 $0x880  }
0x21c: {  	v2 =	vld [tilespmem:s0+$0x0];
	_ =	sdelay $0x4  }
0x21d: {  	v2 =	vshrl.u32 v2, $0x3  }
0x21e: {  	v2 =	vadd.s32 s1, v2  }
0x21f: {  	(v2sf) =	vpush v2, $0x0;
	_ =	sdelay $0x1  }
0x220: {  	(v2sf) =	vpush v2, $0x1;
	_ =	sdelay $0x1  }
0x221: {  	(v2sf) =	vpush v2, $0x2;
	_ =	sdelay $0x1  }
0x222: {  	(v2sf) =	vpush v2, $0x3;
	_ =	sdelay $0x1  }
0x223: {  	(v2sf) =	vpush v2, $0x4;
	_ =	sdelay $0x1  }
0x224: {  	(v2sf) =	vpush v2, $0x5;
	_ =	sdelay $0x1  }
0x225: {  	(v2sf) =	vpush v2, $0x6;
	_ =	sdelay $0x1  }
0x226: {  	(v2sf) =	vpush v2, $0x7  }
0x227: {  	s0 =	simm.s32 $0x1100;
	s3 =	spop (v2sf)  }
0x228: {  	(v2sf) =	vpush v2, $0x8;
	[tilespmem:s0], [sflag:$0x1] =	stream.linear.gather [hbm4b:s3+s2], $0x10, $0x38;
	[tilespmem:$0x2100] =	vst v63  }
0x229: {  	s0 =	simm.s32 $0x1110;
	s3 =	spop (v2sf)  }
0x22a: {  	(v2sf) =	vpush v2, $0x9;
	[tilespmem:s0], [sflag:$0x1] =	stream.linear.gather [hbm4b:s3+s2], $0x10, $0x38;
	[tilespmem:$0x2100] =	vst v63  }
0x22b: {  	s0 =	simm.s32 $0x1120;
	s3 =	spop (v2sf)  }
0x22c: {  	(v2sf) =	vpush v2, $0xA;
	[tilespmem:s0], [sflag:$0x1] =	stream.linear.gather [hbm4b:s3+s2], $0x10, $0x38;
	[tilespmem:$0x2100] =	vst v63  }
0x22d: {  	s0 =	simm.s32 $0x1130;
	s3 =	spop (v2sf)  }
0x22e: {  	(v2sf) =	vpush v2, $0xB;
	[tilespmem:s0], [sflag:$0x1] =	stream.linear.gather [hbm4b:s3+s2], $0x10, $0x38;
	[tilespmem:$0x2100] =	vst v63  }
0x22f: {  	s0 =	simm.s32 $0x1140;
	s3 =	spop (v2sf)  }
0x230: {  	(v2sf) =	vpush v2, $0xC;
	[tilespmem:s0], [sflag:$0x1] =	stream.linear.gather [hbm4b:s3+s2], $0x10, $0x38;
	[tilespmem:$0x2100] =	vst v63  }
0x231: {  	s0 =	simm.s32 $0x1150;
	s3 =	spop (v2sf)  }
0x232: {  	(v2sf) =	vpush v2, $0xD;
	[tilespmem:s0], [sflag:$0x1] =	stream.linear.gather [hbm4b:s3+s2], $0x10, $0x38;
	[tilespmem:$0x2100] =	vst v63  }
0x233: {  	s0 =	simm.s32 $0x1160;
	s3 =	spop (v2sf)  }
0x234: {  	(v2sf) =	vpush v2, $0xE;
	[tilespmem:s0], [sflag:$0x1] =	stream.linear.gather [hbm4b:s3+s2], $0x10, $0x38;
	[tilespmem:$0x2100] =	vst v63  }
0x235: {  	s0 =	simm.s32 $0x1170;
	s3 =	spop (v2sf)  }
0x236: {  	(v2sf) =	vpush v2, $0xF;
	[tilespmem:s0], [sflag:$0x1] =	stream.linear.gather [hbm4b:s3+s2], $0x10, $0x38;
	[tilespmem:$0x2100] =	vst v63  }
0x237: {  	s0 =	simm.s32 $0x1180;
	s3 =	spop (v2sf)  }
0x238: {  	[tilespmem:s0], [sflag:$0x1] =	stream.linear.gather [hbm4b:s3+s2], $0x10, $0x38;
	[tilespmem:$0x2100] =	vst v63  }
0x239: {  	s0 =	simm.s32 $0x1190;
	s3 =	spop (v2sf)  }
0x23a: {  	[tilespmem:s0], [sflag:$0x1] =	stream.linear.gather [hbm4b:s3+s2], $0x10, $0x38;
	[tilespmem:$0x2100] =	vst v63  }
0x23b: {  	s0 =	simm.s32 $0x11A0;
	s3 =	spop (v2sf)  }
0x23c: {  	[tilespmem:s0], [sflag:$0x1] =	stream.linear.gather [hbm4b:s3+s2], $0x10, $0x38;
	[tilespmem:$0x2100] =	vst v63  }
0x23d: {  	s0 =	simm.s32 $0x11B0;
	s3 =	spop (v2sf)  }
0x23e: {  	[tilespmem:s0], [sflag:$0x1] =	stream.linear.gather [hbm4b:s3+s2], $0x10, $0x38;
	[tilespmem:$0x2100] =	vst v63  }
0x23f: {  	s0 =	simm.s32 $0x11C0;
	s3 =	spop (v2sf)  }
0x240: {  	[tilespmem:s0], [sflag:$0x1] =	stream.linear.gather [hbm4b:s3+s2], $0x10, $0x38;
	[tilespmem:$0x2100] =	vst v63  }
0x241: {  	s0 =	simm.s32 $0x11D0;
	s3 =	spop (v2sf)  }
0x242: {  	[tilespmem:s0], [sflag:$0x1] =	stream.linear.gather [hbm4b:s3+s2], $0x10, $0x38;
	[tilespmem:$0x2100] =	vst v63  }
0x243: {  	s29 =	simm.s32 $0x400;
	s0 =	simm.s32 $0x11E0;
	s3 =	spop (v2sf)  }
0x244: {  	[tilespmem:s0], [sflag:$0x1] =	stream.linear.gather [hbm4b:s3+s2], $0x10, $0x38;
	[tilespmem:$0x2100] =	vst v63  }
0x245: {  	s30 =	simm.s32 $0x890;
	s31 =	spop (v2sf);
	s0 =	simm.s32 $0x11F0  }
.LBB2_24:
0x246: {  	[tilespmem:s0], [sflag:$0x1] =	stream.linear.gather [hbm4b:s31+s2], $0x10, $0x38;
	[tilespmem:$0x2100] =	vst v63  }
0x247: {  	p0 =	sne.s32 s29, $0x3C00;
	s0 =	smov.u32 s29;
	s29 =	sadd.s32 $0x400, s29;
	v2 =	vld [tilespmem:s30+$0x0]  }
0x248: {  	_ =	sdelay $0x3  }
0x249: {  	v2 =	vshrl.u32 v2, $0x3  }
0x24a: {  	v2 =	vadd.s32 s1, v2  }
0x24b: {  	(v2sf) =	vpush v2, $0x0;
	_ =	sdelay $0x1  }
0x24c: {  	(v2sf) =	vpush v2, $0x1;
	_ =	sdelay $0x1  }
0x24d: {  	(v2sf) =	vpush v2, $0x2;
	_ =	sdelay $0x1  }
0x24e: {  	(v2sf) =	vpush v2, $0x3;
	_ =	sdelay $0x1  }
0x24f: {  	(v2sf) =	vpush v2, $0x4;
	_ =	sdelay $0x1  }
0x250: {  	(v2sf) =	vpush v2, $0x5;
	_ =	sdelay $0x1  }
0x251: {  	(v2sf) =	vpush v2, $0x6;
	_ =	sdelay $0x1  }
0x252: {  	s31 =	sshra.s32 s0, $0x2;
	(v2sf) =	vpush v2, $0x7  }
0x253: {  	s0 =	sadd.s32 $0x1100, s31;
	s3 =	spop (v2sf)  }
0x254: {  	[tilespmem:s0], [sflag:$0x1] =	stream.linear.gather [hbm4b:s3+s2], $0x10, $0x38;
	(v2sf) =	vpush v2, $0x8;
	[tilespmem:$0x2100] =	vst v63  }
0x255: {  	s0 =	sadd.s32 $0x1110, s31;
	s3 =	spop (v2sf)  }
0x256: {  	[tilespmem:s0], [sflag:$0x1] =	stream.linear.gather [hbm4b:s3+s2], $0x10, $0x38;
	(v2sf) =	vpush v2, $0x9;
	[tilespmem:$0x2100] =	vst v63  }
0x257: {  	s0 =	sadd.s32 $0x1120, s31;
	s3 =	spop (v2sf)  }
0x258: {  	[tilespmem:s0], [sflag:$0x1] =	stream.linear.gather [hbm4b:s3+s2], $0x10, $0x38;
	(v2sf) =	vpush v2, $0xA;
	[tilespmem:$0x2100] =	vst v63  }
0x259: {  	s0 =	sadd.s32 $0x1130, s31;
	s3 =	spop (v2sf)  }
0x25a: {  	[tilespmem:s0], [sflag:$0x1] =	stream.linear.gather [hbm4b:s3+s2], $0x10, $0x38;
	(v2sf) =	vpush v2, $0xB;
	[tilespmem:$0x2100] =	vst v63  }
0x25b: {  	s0 =	sadd.s32 $0x1140, s31;
	s3 =	spop (v2sf)  }
0x25c: {  	[tilespmem:s0], [sflag:$0x1] =	stream.linear.gather [hbm4b:s3+s2], $0x10, $0x38;
	(v2sf) =	vpush v2, $0xC;
	[tilespmem:$0x2100] =	vst v63  }
0x25d: {  	s0 =	sadd.s32 $0x1150, s31;
	s3 =	spop (v2sf)  }
0x25e: {  	[tilespmem:s0], [sflag:$0x1] =	stream.linear.gather [hbm4b:s3+s2], $0x10, $0x38;
	(v2sf) =	vpush v2, $0xD;
	[tilespmem:$0x2100] =	vst v63  }
0x25f: {  	s0 =	sadd.s32 $0x1160, s31;
	s3 =	spop (v2sf)  }
0x260: {  	[tilespmem:s0], [sflag:$0x1] =	stream.linear.gather [hbm4b:s3+s2], $0x10, $0x38;
	(v2sf) =	vpush v2, $0xE;
	[tilespmem:$0x2100] =	vst v63  }
0x261: {  	s0 =	sadd.s32 $0x1170, s31;
	s3 =	spop (v2sf)  }
0x262: {  	[tilespmem:s0], [sflag:$0x1] =	stream.linear.gather [hbm4b:s3+s2], $0x10, $0x38;
	(v2sf) =	vpush v2, $0xF;
	[tilespmem:$0x2100] =	vst v63  }
0x263: {  	s0 =	sadd.s32 $0x1180, s31;
	s3 =	spop (v2sf)  }
0x264: {  	[tilespmem:s0], [sflag:$0x1] =	stream.linear.gather [hbm4b:s3+s2], $0x10, $0x38;
	[tilespmem:$0x2100] =	vst v63  }
0x265: {  	s0 =	sadd.s32 $0x1190, s31;
	s3 =	spop (v2sf)  }
0x266: {  	[tilespmem:s0], [sflag:$0x1] =	stream.linear.gather [hbm4b:s3+s2], $0x10, $0x38;
	[tilespmem:$0x2100] =	vst v63  }
0x267: {  	s0 =	sadd.s32 $0x11A0, s31;
	s3 =	spop (v2sf)  }
0x268: {  	[tilespmem:s0], [sflag:$0x1] =	stream.linear.gather [hbm4b:s3+s2], $0x10, $0x38;
	[tilespmem:$0x2100] =	vst v63  }
0x269: {  	s0 =	sadd.s32 $0x11B0, s31;
	s3 =	spop (v2sf)  }
0x26a: {  	[tilespmem:s0], [sflag:$0x1] =	stream.linear.gather [hbm4b:s3+s2], $0x10, $0x38;
	[tilespmem:$0x2100] =	vst v63  }
0x26b: {  	s0 =	sadd.s32 $0x11C0, s31;
	s3 =	spop (v2sf)  }
0x26c: {  	[tilespmem:s0], [sflag:$0x1] =	stream.linear.gather [hbm4b:s3+s2], $0x10, $0x38;
	[tilespmem:$0x2100] =	vst v63  }
.Ltmp15:
0x26d: {  	s0 =	sadd.s32 $0x11D0, s31;
	s3 =	spop (v2sf);
	(pc) =	sbr.rel @p0 .LBB2_24-.Ltmp15, $4  }
0x26e: {  	[tilespmem:s0], [sflag:$0x1] =	stream.linear.gather [hbm4b:s3+s2], $0x10, $0x38;
	[tilespmem:$0x2100] =	vst v63  }
0x26f: {  	s0 =	sadd.s32 $0x11E0, s31;
	s3 =	spop (v2sf)  }
0x270: {  	[tilespmem:s0], [sflag:$0x1] =	stream.linear.gather [hbm4b:s3+s2], $0x10, $0x38;
	[tilespmem:$0x2100] =	vst v63  }
0x271: {  	s30 =	sadd.s32 $0x10, s30;
	s0 =	sadd.s32 $0x11F0, s31;
	s31 =	spop (v2sf)  }
0x272: {  	[tilespmem:s0], [sflag:$0x1] =	stream.linear.gather [hbm4b:s31+s2], $0x10, $0x38;
	[tilespmem:$0x2100] =	vst v63  }
0x273: {  	s28 =	sadd.s32 $0x1, s28;
	_ =	swait.ge [sflag:s25], $0x1000  }
0x274: {  	p0 =	sne.s32 s28, s17;
	[sflag:s25] =	ssyncset.done $0x0  }
.Ltmp16:
0x275: {  	[sflag:s25] =	ssyncadd.s32 $0xFFFFF000;
	(pc) =	sbr.rel @p0 .LBB2_1-.Ltmp16, $4  }
0x276: {  	[hbm4b:s16+s21] =	stream.strided.scatter [tilespmem:s26], [sflag:$0x2], $0x1000, s22, s21, $0x38;
	[tilespmem:$0x2100] =	vst v63  }
0x277: {  	_ =	swait.ge [sflag:s23], $0x1000  }
0x278: {  	[sflag:s23] =	ssyncset.done $0x0  }
0x279: {  	[sflag:s23] =	ssyncadd.s32 $0xFFFFF000  }
0x27a: {  	_ =	sfence.sel $0x180000  }
0x27b: {  	[bflag:$0x0] =	sbarrier.arrive $0xFFFF  }
0x27c: {  	_ =	strace $0x90000047  }
0x27d: {  	s0 =	stileid.u32;
	[bflag:$0x2] =	sbarrier.arrive $0xFFFF  }
0x27e: {  	p0 =	sne.s32 s0, $0x0;
	s0 =	rddreg [dreg:$0x2]  }
0x27f: {  	s0 =	sadd.s32 @!p0 $0x100000, s0  }
0x280: {  	[sflag:s0] =	ssyncadd.tile.s32 @!p0 $0x1;
	_ =	shalt  }
.Lfunc_end2:
_tile_overlayer_lowered:
.L_overlay_start_2:
0x281: {  	(tag) =	ssettag $0x2  }
0x282: {  	s0 =	rddreg [dreg:$0x0];
	s2 =	stileid.u32  }
0x283: {  	s1 =	rddreg [dreg:$0x1];
	p0 =	sne.s32 s2, $0x0  }
0x284: {  	s3 =	rddreg [dreg:$0x2];
	[bflag:$0x3] =	sbarrier.arrive $0xFFFF;
	s2 =	simm.s32 @!p0 $0x1C02  }
0x285: {  	[timem:s3], [sflag:s2] =	dma.local @!p0 [hbm:s0], s1  }
0x286: {  	s0 =	simm.s32 @!p0 $0x2  }
0x287: {  	_ =	swait.ge @!p0 [sflag:s0], s1  }
0x288: {  	s1 =	ssub.s32 @!p0 $0x0, s1;
	[sflag:s0] =	ssyncset.done @!p0 $0x0  }
0x289: {  	[sflag:s0] =	ssyncadd.s32 @!p0 s1  }
0x28a: {  	[bflag:$0x3] =	sbarrier.arrive $0xFFFF  }
0x28b: {  	_ =	shalt  }

</sc_bundles>
